<compile_context>
chip_gen: v7x
topology: tpu7x:2x2x1
jax: 0.10.2.dev20260603
libtpu: 0.0.44.dev20260713+nightly
codegen_flags: <defaults>
</compile_context>

<pallas_src>
import functools

import jax
import jax.numpy as jnp
from jax import lax
from jax.experimental import pallas as pl
from jax.experimental.pallas import tpu as pltpu
from jax.experimental.pallas import tpu_sc as plsc

_C = 96
_CP = 128
_T = 4096
_B = 8
_NC = 2
_NS = 16


def _fill_spatial(tab_ref, n, width, fw1, jc):
    ivec = lax.broadcasted_iota(jnp.int32, (n, 1), 0)
    a_row = (ivec // width).astype(jnp.float32)
    a_col = (ivec % width).astype(jnp.float32)
    for k in range(n // jc):
        off = k * jc
        jvec = lax.broadcasted_iota(jnp.int32, (1, jc), 1) + (n + off)
        b_row = (jvec // width).astype(jnp.float32)
        b_col = (jvec % width).astype(jnp.float32)
        dr = a_row - b_row
        dc = a_col - b_col
        dist = jnp.sqrt(dr * dr + dc * dc)
        spatial = 1.0 / (dist + 1e-6)
        tab_ref[:, off:off + jc] = fw1 * spatial


def _route(xb, n, fw0, jc, tab_ref):
    norm = jnp.sqrt(jnp.sum(xb * xb, axis=0, keepdims=True))
    a_n = (xb[:, :n] / norm[:, :n]).astype(jnp.bfloat16)
    b_n = (xb[:, n:] / norm[:, n:]).astype(jnp.bfloat16)

    best_val = jnp.full((n, 1), -jnp.inf, dtype=jnp.float32)
    best_idx = jnp.zeros((n, 1), dtype=jnp.int32)
    for k in range(n // jc):
        off = k * jc
        sim = lax.dot_general(
            a_n, b_n[:, off:off + jc],
            dimension_numbers=(((0,), (0,)), ((), ())),
            preferred_element_type=jnp.float32,
        )
        combined = fw0 * sim + tab_ref[:, off:off + jc]
        loc_max = jnp.max(combined, axis=1, keepdims=True)
        jj = lax.broadcasted_iota(jnp.int32, (n, jc), 1) + off
        loc_arg = jnp.min(
            jnp.where(combined == loc_max, jj, n), axis=1, keepdims=True
        )
        upd = loc_max > best_val
        best_val = jnp.where(upd, loc_max, best_val)
        best_idx = jnp.where(upd, loc_arg, best_idx)
    return best_idx


def _pad_tokens(merged, n):
    full = jnp.concatenate(
        [merged,
         jnp.ones((1, n), jnp.float32),
         jnp.zeros((_CP - _C - 1, n), jnp.float32)], axis=0)
    return jnp.transpose(full, (1, 0))


def _k1_body(x_ref, fw_ref, xft_ref, dst_ref, tab_ref):
    @pl.when(pl.program_id(0) == 0)
    def _():
        _fill_spatial(tab_ref, _T // 2, 64, fw_ref[0, 1], 1024)

    xb = x_ref[0]
    best_idx = _route(xb, _T // 2, fw_ref[0, 0], 1024, tab_ref)
    dst_ref[0] = jnp.transpose(best_idx, (1, 0))
    xft_ref[0] = _pad_tokens(xb, _T)


def _k3_body(m1s_ref, fw_ref, dst_ref, m1m_ref, tab_ref):
    @pl.when(pl.program_id(0) == 0)
    def _():
        _fill_spatial(tab_ref, _T // 4, 45, fw_ref[1, 1], 1024)

    mt = jnp.transpose(m1s_ref[0], (1, 0))
    merged = mt[:_C] / mt[_C:_C + 1]
    best_idx = _route(merged, _T // 4, fw_ref[1, 0], 1024, tab_ref)
    dst_ref[0] = jnp.transpose(best_idx, (1, 0))
    m1m_ref[0] = _pad_tokens(merged, _T // 2)


def _k5_body(m2s_ref, w_ref, b_ref, out_ref):
    mt = jnp.transpose(m2s_ref[0], (1, 0))
    merged = mt[:_C] / mt[_C:_C + 1]
    out_ref[0] = lax.dot_general(
        w_ref[...], merged,
        dimension_numbers=(((1,), (0,)), ((), ())),
        preferred_element_type=jnp.float32,
        precision=lax.Precision.HIGHEST,
    ) + b_ref[...]


def _make_sc_merge(n):
    rpt = n // _NS
    mesh = plsc.VectorSubcoreMesh(core_axis_name="c", subcore_axis_name="s",
                                  num_cores=_NC, num_subcores=_NS)

    @functools.partial(
        pl.kernel,
        out_type=jax.ShapeDtypeStruct((_B, n, _CP), jnp.float32),
        mesh=mesh,
        scratch_types=[
            pltpu.MemorySpace.VMEM_SHARED((2, n, _CP), jnp.float32),
            pltpu.MemorySpace.VMEM((2, rpt, _CP), jnp.float32),
            pltpu.MemorySpace.VMEM((2, rpt), jnp.int32),
            pltpu.SemaphoreType.DMA,
        ],
    )
    def merge(xft_hbm, dst_hbm, out_hbm, acc, arows, idx, sem):
        cid = lax.axis_index("c")
        sid = lax.axis_index("s")
        row0 = sid * rpt
        nb = _B // _NC

        def issue_reads(k, s):
            bb = cid * nb + k
            d1 = pltpu.async_copy(xft_hbm.at[bb, pl.ds(n + row0, rpt)],
                                  acc.at[s, pl.ds(row0, rpt)], sem)
            d2 = pltpu.async_copy(dst_hbm.at[bb, pl.ds(row0, rpt)],
                                  idx.at[s], sem)
            d3 = pltpu.async_copy(xft_hbm.at[bb, pl.ds(row0, rpt)],
                                  arows.at[s], sem)
            return d1, d2, d3

        pend = issue_reads(0, 0)
        for k in range(nb):
            s = k % 2
            bb = cid * nb + k
            for d in pend:
                d.wait()
            plsc.subcore_barrier()
            if k + 1 < nb:
                pend = issue_reads(k + 1, (k + 1) % 2)
            pltpu.sync_copy(arows.at[s], acc.at[s].at[idx.at[s]], add=True)
            plsc.subcore_barrier()
            pltpu.sync_copy(acc.at[s, pl.ds(row0, rpt)],
                            out_hbm.at[bb, pl.ds(row0, rpt)])

    return merge


@jax.jit
def kernel(x, W_conv, b_conv, w_fuse1, w_fuse2):
    B, C, H, W = x.shape
    T = H * W
    xc = x.reshape(B, C, T)

    def fw(w):
        w = jnp.clip(w, 0.0, 6.0)
        return w / (jnp.sum(w) + 1e-8)

    fws = jnp.stack([fw(w_fuse1), fw(w_fuse2)]).astype(jnp.float32)

    xft, dst1 = pl.pallas_call(
        _k1_body,
        grid=(B,),
        in_specs=[
            pl.BlockSpec((1, C, T), lambda b: (b, 0, 0)),
            pl.BlockSpec(memory_space=pltpu.SMEM),
        ],
        out_specs=[
            pl.BlockSpec((1, T, _CP), lambda b: (b, 0, 0)),
            pl.BlockSpec((1, 1, T // 2), lambda b: (b, 0, 0)),
        ],
        out_shape=[
            jax.ShapeDtypeStruct((B, T, _CP), jnp.float32),
            jax.ShapeDtypeStruct((B, 1, T // 2), jnp.int32),
        ],
        scratch_shapes=[pltpu.VMEM((_T // 2, _T // 2), jnp.float32)],
        compiler_params=pltpu.CompilerParams(
            dimension_semantics=("arbitrary",),
        ),
    )(xc, fws)

    m1s = _make_sc_merge(T // 2)(xft, dst1.reshape(B, T // 2))

    dst2, m1m = pl.pallas_call(
        _k3_body,
        grid=(B,),
        in_specs=[
            pl.BlockSpec((1, T // 2, _CP), lambda b: (b, 0, 0)),
            pl.BlockSpec(memory_space=pltpu.SMEM),
        ],
        out_specs=[
            pl.BlockSpec((1, 1, T // 4), lambda b: (b, 0, 0)),
            pl.BlockSpec((1, T // 2, _CP), lambda b: (b, 0, 0)),
        ],
        out_shape=[
            jax.ShapeDtypeStruct((B, 1, T // 4), jnp.int32),
            jax.ShapeDtypeStruct((B, T // 2, _CP), jnp.float32),
        ],
        scratch_shapes=[pltpu.VMEM((_T // 4, _T // 4), jnp.float32)],
        compiler_params=pltpu.CompilerParams(
            dimension_semantics=("arbitrary",),
        ),
    )(m1s, fws)

    m2s = _make_sc_merge(T // 4)(m1m, dst2.reshape(B, T // 4))

    out = pl.pallas_call(
        _k5_body,
        grid=(B,),
        in_specs=[
            pl.BlockSpec((1, T // 4, _CP), lambda b: (b, 0, 0)),
            pl.BlockSpec((C, C), lambda b: (0, 0)),
            pl.BlockSpec((C, 1), lambda b: (0, 0)),
        ],
        out_specs=pl.BlockSpec((1, C, T // 4), lambda b: (b, 0, 0)),
        out_shape=jax.ShapeDtypeStruct((B, C, T // 4), jnp.float32),
        compiler_params=pltpu.CompilerParams(
            dimension_semantics=("parallel",),
        ),
    )(m2s, W_conv, b_conv.reshape(C, 1))
    return out.reshape(B, C, H // 2, W // 2)

# --- scband reference (transcript-rebuilt; emitter-appended) ---
"""Pipeline reference for scband-xcy-44375602102981 (READ-ONLY COPY).

The authoritative reference and input builder live on the scoring server;
editing this copy changes nothing except your own understanding.
"""

import jax, jax.numpy as jnp
import numpy as np


def _coords(idx, width):
    return jnp.stack([idx // width, idx % width], axis=-1)


def _tome_dst(metric, w_fuse):
    metric = metric / jnp.linalg.norm(metric, axis=-1, keepdims=True)
    t = metric.shape[1]
    a = metric[:, : t // 2, :]
    b = metric[:, t // 2 :, :]
    a_idx = jnp.arange(t // 2)
    b_idx = jnp.arange(t // 2, t)
    width = int(np.sqrt(float(t)))
    ac = _coords(a_idx, width).astype(jnp.float32)
    bc = _coords(b_idx, width).astype(jnp.float32)
    sim = a @ jnp.swapaxes(b, -1, -2)
    diff = ac[:, None, :] - bc[None, :, :]
    dist = jnp.sqrt(jnp.sum(diff * diff, axis=-1))
    spatial = 1.0 / (dist + 1e-6)
    w = jnp.clip(w_fuse, 0.0, 6.0)
    fw = w / (jnp.sum(w) + 1e-8)
    combined = fw[0] * sim + fw[1] * spatial[None, :, :]
    dst = jnp.argmax(combined, axis=-1)
    return dst


def _merge_mean(x, dst):
    t = x.shape[1]
    a = x[:, : t // 2, :]
    b = x[:, t // 2 :, :]
    B, n, C = a.shape
    bidx = jnp.broadcast_to(jnp.arange(B)[:, None], (B, n))
    sums = b.at[bidx, dst].add(a)
    counts = jnp.ones((B, b.shape[1]), x.dtype).at[bidx, dst].add(jnp.ones((B, n), x.dtype))
    return sums / counts[..., None]


def setup_inputs(seed: int = 0):
    key = jax.random.key(seed)
    k1, k2 = jax.random.split(key, 2)
    x = jax.random.normal(k1, (8, 96, 64, 64), dtype=jnp.float32)
    W_conv = jax.random.normal(k2, (96, 96), dtype=jnp.float32) * 0.05
    b_conv = jnp.zeros((96,), dtype=jnp.float32)
    w_fuse1 = jnp.ones((2,), dtype=jnp.float32)
    w_fuse2 = jnp.ones((2,), dtype=jnp.float32)
    return {"x": x, "W_conv": W_conv, "b_conv": b_conv, "w_fuse1": w_fuse1, "w_fuse2": w_fuse2}


def reference(x, W_conv, b_conv, w_fuse1, w_fuse2):
    B, C, H, W = x.shape
    xf = jnp.transpose(x.reshape(B, C, H * W), (0, 2, 1))
    dst1 = _tome_dst(xf, w_fuse1)
    xf = _merge_mean(xf, dst1)
    dst2 = _tome_dst(xf, w_fuse2)
    xf = _merge_mean(xf, dst2)
    xo = jnp.transpose(xf, (0, 2, 1)).reshape(B, C, H // 2, W // 2)
    out = jnp.einsum('bchw,oc->bohw', xo, W_conv) + b_conv[None, :, None, None]
    return out

if __name__ == "__main__":
    import jax
    _d = setup_inputs()
    print(jax.jit(kernel)(*tuple(_d.values())))

</pallas_src>

<mosaic_0001>
#map = affine_map<(d0, d1) -> (0, 0, 0)>
#map1 = affine_map<(d0, d1) -> (0, 0)>
module attributes {stable_mosaic.version = 14 : i64} {
  func.func @merge(%arg0: i32, %arg1: i32, %arg2: memref<8x4096x128xf32, #tpu.memory_space<hbm>>, %arg3: memref<8x2048xi32, #tpu.memory_space<hbm>>, %arg4: memref<8x2048x128xf32, #tpu.memory_space<hbm>>, %arg5: memref<2x2048x128xf32, #tpu.memory_space<vmem_shared>>, %arg6: memref<2x128x128xf32, #tpu.memory_space<vmem>>, %arg7: memref<2x128xi32, #tpu.memory_space<vmem>>, %arg8: memref<!tpu.dma_semaphore, #tpu.memory_space<semaphore_mem>>) attributes {dimension_semantics = [#tpu.dimension_semantics<core_parallel>, #tpu.dimension_semantics<subcore_parallel>], iteration_bounds = array<i64: 2, 16>, scalar_prefetch = 0 : i64, scratch_operands = 4 : i64, tpu.core_type = #tpu.core_type<sc_vector_subcore>, window_params = [{transform_indices = #map}, {transform_indices = #map1}, {transform_indices = #map}]} {
    %mul3A = arith.constant 128 : i32
    %mul3A_0 = arith.muli %arg1, %mul3A : i32
    %mul3A_1 = arith.constant 4 : i32
    %mul3A_2 = arith.muli %arg0, %mul3A_1 : i32
    %add3A = arith.constant 0 : i32
    %add3A_3 = arith.addi %mul3A_2, %add3A : i32
    %add3A_4 = arith.constant 2048 : i32
    %add3A_5 = arith.addi %add3A_4, %mul3A_0 : i32
    %dma_start3A = arith.constant 0 : i32
    %dma_start3A_6 = arith.constant 0 : i32
    %dma_start3A_7 = tpu.memref_slice %arg5[%dma_start3A, %mul3A_0, %dma_start3A_6] : memref<2x2048x128xf32, #tpu.memory_space<vmem_shared>> -> memref<1x128x128xf32, #tpu.memory_space<vmem_shared>>
    %dma_start3A_8 = tpu.memref_squeeze %dma_start3A_7 : memref<1x128x128xf32, #tpu.memory_space<vmem_shared>> -> memref<128x128xf32, #tpu.memory_space<vmem_shared>>
    %dma_start3A_9 = arith.constant 0 : i32
    %dma_start3A_10 = tpu.memref_slice %arg2[%add3A_3, %add3A_5, %dma_start3A_9] : memref<8x4096x128xf32, #tpu.memory_space<hbm>> -> memref<1x128x128xf32, #tpu.memory_space<hbm>>
    %dma_start3A_11 = tpu.memref_squeeze %dma_start3A_10 : memref<1x128x128xf32, #tpu.memory_space<hbm>> -> memref<128x128xf32, #tpu.memory_space<hbm>>
    tpu.enqueue_dma source(%dma_start3A_11 : memref<128x128xf32, #tpu.memory_space<hbm>>) target(%dma_start3A_8 : memref<128x128xf32, #tpu.memory_space<vmem_shared>>) target_semaphore(%arg8 : memref<!tpu.dma_semaphore, #tpu.memory_space<semaphore_mem>>)
    %dma_start3A_12 = arith.constant 0 : i32
    %dma_start3A_13 = arith.constant 0 : i32
    %dma_start3A_14 = tpu.memref_slice %arg7[%dma_start3A_12, %dma_start3A_13] : memref<2x128xi32, #tpu.memory_space<vmem>> -> memref<1x128xi32, #tpu.memory_space<vmem>>
    %dma_start3A_15 = tpu.memref_squeeze %dma_start3A_14 : memref<1x128xi32, #tpu.memory_space<vmem>> -> memref<128xi32, #tpu.memory_space<vmem>>
    %dma_start3A_16 = tpu.memref_slice %arg3[%add3A_3, %mul3A_0] : memref<8x2048xi32, #tpu.memory_space<hbm>> -> memref<1x128xi32, #tpu.memory_space<hbm>>
    %dma_start3A_17 = tpu.memref_squeeze %dma_start3A_16 : memref<1x128xi32, #tpu.memory_space<hbm>> -> memref<128xi32, #tpu.memory_space<hbm>>
    %dma_start3A_18 = arith.constant 0 : i32
    %dma_start3A_19 = tpu.memref_slice %arg7[%dma_start3A_12, %dma_start3A_18] : memref<2x128xi32, #tpu.memory_space<vmem>> -> memref<1x128xi32, #tpu.memory_space<vmem>>
    %dma_start3A_20 = tpu.memref_squeeze %dma_start3A_19 : memref<1x128xi32, #tpu.memory_space<vmem>> -> memref<128xi32, #tpu.memory_space<vmem>>
    %dma_start3A_21 = tpu.memref_slice %arg3[%add3A_3, %mul3A_0] : memref<8x2048xi32, #tpu.memory_space<hbm>> -> memref<1x128xi32, #tpu.memory_space<hbm>>
    %dma_start3A_22 = tpu.memref_squeeze %dma_start3A_21 : memref<1x128xi32, #tpu.memory_space<hbm>> -> memref<128xi32, #tpu.memory_space<hbm>>
    tpu.enqueue_dma source(%dma_start3A_22 : memref<128xi32, #tpu.memory_space<hbm>>) target(%dma_start3A_20 : memref<128xi32, #tpu.memory_space<vmem>>) target_semaphore(%arg8 : memref<!tpu.dma_semaphore, #tpu.memory_space<semaphore_mem>>)
    %dma_start3A_23 = arith.constant 0 : i32
    %dma_start3A_24 = arith.constant 0 : i32
    %dma_start3A_25 = arith.constant 0 : i32
    %dma_start3A_26 = tpu.memref_slice %arg6[%dma_start3A_23, %dma_start3A_24, %dma_start3A_25] : memref<2x128x128xf32, #tpu.memory_space<vmem>> -> memref<1x128x128xf32, #tpu.memory_space<vmem>>
    %dma_start3A_27 = tpu.memref_squeeze %dma_start3A_26 : memref<1x128x128xf32, #tpu.memory_space<vmem>> -> memref<128x128xf32, #tpu.memory_space<vmem>>
    %dma_start3A_28 = arith.constant 0 : i32
    %dma_start3A_29 = tpu.memref_slice %arg2[%add3A_3, %mul3A_0, %dma_start3A_28] : memref<8x4096x128xf32, #tpu.memory_space<hbm>> -> memref<1x128x128xf32, #tpu.memory_space<hbm>>
    %dma_start3A_30 = tpu.memref_squeeze %dma_start3A_29 : memref<1x128x128xf32, #tpu.memory_space<hbm>> -> memref<128x128xf32, #tpu.memory_space<hbm>>
    %dma_start3A_31 = arith.constant 0 : i32
    %dma_start3A_32 = arith.constant 0 : i32
    %dma_start3A_33 = tpu.memref_slice %arg6[%dma_start3A_23, %dma_start3A_31, %dma_start3A_32] : memref<2x128x128xf32, #tpu.memory_space<vmem>> -> memref<1x128x128xf32, #tpu.memory_space<vmem>>
    %dma_start3A_34 = tpu.memref_squeeze %dma_start3A_33 : memref<1x128x128xf32, #tpu.memory_space<vmem>> -> memref<128x128xf32, #tpu.memory_space<vmem>>
    %dma_start3A_35 = arith.constant 0 : i32
    %dma_start3A_36 = tpu.memref_slice %arg2[%add3A_3, %mul3A_0, %dma_start3A_35] : memref<8x4096x128xf32, #tpu.memory_space<hbm>> -> memref<1x128x128xf32, #tpu.memory_space<hbm>>
    %dma_start3A_37 = tpu.memref_squeeze %dma_start3A_36 : memref<1x128x128xf32, #tpu.memory_space<hbm>> -> memref<128x128xf32, #tpu.memory_space<hbm>>
    tpu.enqueue_dma source(%dma_start3A_37 : memref<128x128xf32, #tpu.memory_space<hbm>>) target(%dma_start3A_34 : memref<128x128xf32, #tpu.memory_space<vmem>>) target_semaphore(%arg8 : memref<!tpu.dma_semaphore, #tpu.memory_space<semaphore_mem>>)
    %mul3A_38 = arith.constant 4 : i32
    %mul3A_39 = arith.muli %arg0, %mul3A_38 : i32
    %add3A_40 = arith.constant 0 : i32
    %add3A_41 = arith.addi %mul3A_39, %add3A_40 : i32
    %dma_wait3A = arith.constant 0 : i32
    %dma_wait3A_42 = arith.constant 0 : i32
    %dma_wait3A_43 = tpu.memref_slice %arg5[%dma_wait3A, %mul3A_0, %dma_wait3A_42] : memref<2x2048x128xf32, #tpu.memory_space<vmem_shared>> -> memref<1x128x128xf32, #tpu.memory_space<vmem_shared>>
    %dma_wait3A_44 = tpu.memref_squeeze %dma_wait3A_43 : memref<1x128x128xf32, #tpu.memory_space<vmem_shared>> -> memref<128x128xf32, #tpu.memory_space<vmem_shared>>
    %dma_wait3A_45 = arith.constant 0 : i32
    %dma_wait3A_46 = tpu.memref_slice %arg2[%add3A_3, %add3A_5, %dma_wait3A_45] : memref<8x4096x128xf32, #tpu.memory_space<hbm>> -> memref<1x128x128xf32, #tpu.memory_space<hbm>>
    %dma_wait3A_47 = tpu.memref_squeeze %dma_wait3A_46 : memref<1x128x128xf32, #tpu.memory_space<hbm>> -> memref<128x128xf32, #tpu.memory_space<hbm>>
    tpu.wait_dma2 semaphore(%arg8 : memref<!tpu.dma_semaphore, #tpu.memory_space<semaphore_mem>>) src(%dma_wait3A_47 : memref<128x128xf32, #tpu.memory_space<hbm>>) dst(%dma_wait3A_44 : memref<128x128xf32, #tpu.memory_space<vmem_shared>>)
    %dma_wait3A_48 = arith.constant 0 : i32
    %dma_wait3A_49 = arith.constant 0 : i32
    %dma_wait3A_50 = tpu.memref_slice %arg7[%dma_wait3A_48, %dma_wait3A_49] : memref<2x128xi32, #tpu.memory_space<vmem>> -> memref<1x128xi32, #tpu.memory_space<vmem>>
    %dma_wait3A_51 = tpu.memref_squeeze %dma_wait3A_50 : memref<1x128xi32, #tpu.memory_space<vmem>> -> memref<128xi32, #tpu.memory_space<vmem>>
    %dma_wait3A_52 = tpu.memref_slice %arg3[%add3A_3, %mul3A_0] : memref<8x2048xi32, #tpu.memory_space<hbm>> -> memref<1x128xi32, #tpu.memory_space<hbm>>
    %dma_wait3A_53 = tpu.memref_squeeze %dma_wait3A_52 : memref<1x128xi32, #tpu.memory_space<hbm>> -> memref<128xi32, #tpu.memory_space<hbm>>
    %dma_wait3A_54 = arith.constant 0 : i32
    %dma_wait3A_55 = tpu.memref_slice %arg7[%dma_wait3A_48, %dma_wait3A_54] : memref<2x128xi32, #tpu.memory_space<vmem>> -> memref<1x128xi32, #tpu.memory_space<vmem>>
    %dma_wait3A_56 = tpu.memref_squeeze %dma_wait3A_55 : memref<1x128xi32, #tpu.memory_space<vmem>> -> memref<128xi32, #tpu.memory_space<vmem>>
    %dma_wait3A_57 = tpu.memref_slice %arg3[%add3A_3, %mul3A_0] : memref<8x2048xi32, #tpu.memory_space<hbm>> -> memref<1x128xi32, #tpu.memory_space<hbm>>
    %dma_wait3A_58 = tpu.memref_squeeze %dma_wait3A_57 : memref<1x128xi32, #tpu.memory_space<hbm>> -> memref<128xi32, #tpu.memory_space<hbm>>
    tpu.wait_dma2 semaphore(%arg8 : memref<!tpu.dma_semaphore, #tpu.memory_space<semaphore_mem>>) src(%dma_wait3A_58 : memref<128xi32, #tpu.memory_space<hbm>>) dst(%dma_wait3A_56 : memref<128xi32, #tpu.memory_space<vmem>>)
    %dma_wait3A_59 = arith.constant 0 : i32
    %dma_wait3A_60 = arith.constant 0 : i32
    %dma_wait3A_61 = arith.constant 0 : i32
    %dma_wait3A_62 = tpu.memref_slice %arg6[%dma_wait3A_59, %dma_wait3A_60, %dma_wait3A_61] : memref<2x128x128xf32, #tpu.memory_space<vmem>> -> memref<1x128x128xf32, #tpu.memory_space<vmem>>
    %dma_wait3A_63 = tpu.memref_squeeze %dma_wait3A_62 : memref<1x128x128xf32, #tpu.memory_space<vmem>> -> memref<128x128xf32, #tpu.memory_space<vmem>>
    %dma_wait3A_64 = arith.constant 0 : i32
    %dma_wait3A_65 = tpu.memref_slice %arg2[%add3A_3, %mul3A_0, %dma_wait3A_64] : memref<8x4096x128xf32, #tpu.memory_space<hbm>> -> memref<1x128x128xf32, #tpu.memory_space<hbm>>
    %dma_wait3A_66 = tpu.memref_squeeze %dma_wait3A_65 : memref<1x128x128xf32, #tpu.memory_space<hbm>> -> memref<128x128xf32, #tpu.memory_space<hbm>>
    %dma_wait3A_67 = arith.constant 0 : i32
    %dma_wait3A_68 = arith.constant 0 : i32
    %dma_wait3A_69 = tpu.memref_slice %arg6[%dma_wait3A_59, %dma_wait3A_67, %dma_wait3A_68] : memref<2x128x128xf32, #tpu.memory_space<vmem>> -> memref<1x128x128xf32, #tpu.memory_space<vmem>>
    %dma_wait3A_70 = tpu.memref_squeeze %dma_wait3A_69 : memref<1x128x128xf32, #tpu.memory_space<vmem>> -> memref<128x128xf32, #tpu.memory_space<vmem>>
    %dma_wait3A_71 = arith.constant 0 : i32
    %dma_wait3A_72 = tpu.memref_slice %arg2[%add3A_3, %mul3A_0, %dma_wait3A_71] : memref<8x4096x128xf32, #tpu.memory_space<hbm>> -> memref<1x128x128xf32, #tpu.memory_space<hbm>>
    %dma_wait3A_73 = tpu.memref_squeeze %dma_wait3A_72 : memref<1x128x128xf32, #tpu.memory_space<hbm>> -> memref<128x128xf32, #tpu.memory_space<hbm>>
    tpu.wait_dma2 semaphore(%arg8 : memref<!tpu.dma_semaphore, #tpu.memory_space<semaphore_mem>>) src(%dma_wait3A_73 : memref<128x128xf32, #tpu.memory_space<hbm>>) dst(%dma_wait3A_70 : memref<128x128xf32, #tpu.memory_space<vmem>>)
    %barrier3A = arith.constant 0 : index
    tpu.barrier barrier_id(%barrier3A)
    %mul3A_74 = arith.constant 4 : i32
    %mul3A_75 = arith.muli %arg0, %mul3A_74 : i32
    %add3A_76 = arith.constant 1 : i32
    %add3A_77 = arith.addi %mul3A_75, %add3A_76 : i32
    %add3A_78 = arith.constant 2048 : i32
    %add3A_79 = arith.addi %add3A_78, %mul3A_0 : i32
    %dma_start3A_80 = arith.constant 1 : i32
    %dma_start3A_81 = arith.constant 0 : i32
    %dma_start3A_82 = tpu.memref_slice %arg5[%dma_start3A_80, %mul3A_0, %dma_start3A_81] : memref<2x2048x128xf32, #tpu.memory_space<vmem_shared>> -> memref<1x128x128xf32, #tpu.memory_space<vmem_shared>>
    %dma_start3A_83 = tpu.memref_squeeze %dma_start3A_82 : memref<1x128x128xf32, #tpu.memory_space<vmem_shared>> -> memref<128x128xf32, #tpu.memory_space<vmem_shared>>
    %dma_start3A_84 = arith.constant 0 : i32
    %dma_start3A_85 = tpu.memref_slice %arg2[%add3A_77, %add3A_79, %dma_start3A_84] : memref<8x4096x128xf32, #tpu.memory_space<hbm>> -> memref<1x128x128xf32, #tpu.memory_space<hbm>>
    %dma_start3A_86 = tpu.memref_squeeze %dma_start3A_85 : memref<1x128x128xf32, #tpu.memory_space<hbm>> -> memref<128x128xf32, #tpu.memory_space<hbm>>
    tpu.enqueue_dma source(%dma_start3A_86 : memref<128x128xf32, #tpu.memory_space<hbm>>) target(%dma_start3A_83 : memref<128x128xf32, #tpu.memory_space<vmem_shared>>) target_semaphore(%arg8 : memref<!tpu.dma_semaphore, #tpu.memory_space<semaphore_mem>>)
    %dma_start3A_87 = arith.constant 1 : i32
    %dma_start3A_88 = arith.constant 0 : i32
    %dma_start3A_89 = tpu.memref_slice %arg7[%dma_start3A_87, %dma_start3A_88] : memref<2x128xi32, #tpu.memory_space<vmem>> -> memref<1x128xi32, #tpu.memory_space<vmem>>
    %dma_start3A_90 = tpu.memref_squeeze %dma_start3A_89 : memref<1x128xi32, #tpu.memory_space<vmem>> -> memref<128xi32, #tpu.memory_space<vmem>>
    %dma_start3A_91 = tpu.memref_slice %arg3[%add3A_77, %mul3A_0] : memref<8x2048xi32, #tpu.memory_space<hbm>> -> memref<1x128xi32, #tpu.memory_space<hbm>>
    %dma_start3A_92 = tpu.memref_squeeze %dma_start3A_91 : memref<1x128xi32, #tpu.memory_space<hbm>> -> memref<128xi32, #tpu.memory_space<hbm>>
    %dma_start3A_93 = arith.constant 0 : i32
    %dma_start3A_94 = tpu.memref_slice %arg7[%dma_start3A_87, %dma_start3A_93] : memref<2x128xi32, #tpu.memory_space<vmem>> -> memref<1x128xi32, #tpu.memory_space<vmem>>
    %dma_start3A_95 = tpu.memref_squeeze %dma_start3A_94 : memref<1x128xi32, #tpu.memory_space<vmem>> -> memref<128xi32, #tpu.memory_space<vmem>>
    %dma_start3A_96 = tpu.memref_slice %arg3[%add3A_77, %mul3A_0] : memref<8x2048xi32, #tpu.memory_space<hbm>> -> memref<1x128xi32, #tpu.memory_space<hbm>>
    %dma_start3A_97 = tpu.memref_squeeze %dma_start3A_96 : memref<1x128xi32, #tpu.memory_space<hbm>> -> memref<128xi32, #tpu.memory_space<hbm>>
    tpu.enqueue_dma source(%dma_start3A_97 : memref<128xi32, #tpu.memory_space<hbm>>) target(%dma_start3A_95 : memref<128xi32, #tpu.memory_space<vmem>>) target_semaphore(%arg8 : memref<!tpu.dma_semaphore, #tpu.memory_space<semaphore_mem>>)
    %dma_start3A_98 = arith.constant 1 : i32
    %dma_start3A_99 = arith.constant 0 : i32
    %dma_start3A_100 = arith.constant 0 : i32
    %dma_start3A_101 = tpu.memref_slice %arg6[%dma_start3A_98, %dma_start3A_99, %dma_start3A_100] : memref<2x128x128xf32, #tpu.memory_space<vmem>> -> memref<1x128x128xf32, #tpu.memory_space<vmem>>
    %dma_start3A_102 = tpu.memref_squeeze %dma_start3A_101 : memref<1x128x128xf32, #tpu.memory_space<vmem>> -> memref<128x128xf32, #tpu.memory_space<vmem>>
    %dma_start3A_103 = arith.constant 0 : i32
    %dma_start3A_104 = tpu.memref_slice %arg2[%add3A_77, %mul3A_0, %dma_start3A_103] : memref<8x4096x128xf32, #tpu.memory_space<hbm>> -> memref<1x128x128xf32, #tpu.memory_space<hbm>>
    %dma_start3A_105 = tpu.memref_squeeze %dma_start3A_104 : memref<1x128x128xf32, #tpu.memory_space<hbm>> -> memref<128x128xf32, #tpu.memory_space<hbm>>
    %dma_start3A_106 = arith.constant 0 : i32
    %dma_start3A_107 = arith.constant 0 : i32
    %dma_start3A_108 = tpu.memref_slice %arg6[%dma_start3A_98, %dma_start3A_106, %dma_start3A_107] : memref<2x128x128xf32, #tpu.memory_space<vmem>> -> memref<1x128x128xf32, #tpu.memory_space<vmem>>
    %dma_start3A_109 = tpu.memref_squeeze %dma_start3A_108 : memref<1x128x128xf32, #tpu.memory_space<vmem>> -> memref<128x128xf32, #tpu.memory_space<vmem>>
    %dma_start3A_110 = arith.constant 0 : i32
    %dma_start3A_111 = tpu.memref_slice %arg2[%add3A_77, %mul3A_0, %dma_start3A_110] : memref<8x4096x128xf32, #tpu.memory_space<hbm>> -> memref<1x128x128xf32, #tpu.memory_space<hbm>>
    %dma_start3A_112 = tpu.memref_squeeze %dma_start3A_111 : memref<1x128x128xf32, #tpu.memory_space<hbm>> -> memref<128x128xf32, #tpu.memory_space<hbm>>
    tpu.enqueue_dma source(%dma_start3A_112 : memref<128x128xf32, #tpu.memory_space<hbm>>) target(%dma_start3A_109 : memref<128x128xf32, #tpu.memory_space<vmem>>) target_semaphore(%arg8 : memref<!tpu.dma_semaphore, #tpu.memory_space<semaphore_mem>>)
    %run_scoped3A = arith.constant 0 : i32
    %run_scoped3A_113 = arith.constant 0 : i32
    %run_scoped3A_114 = arith.constant 0 : i32
    "tpu.region"() ({
      %run_scoped3A_324 = tpu.sem_alloc : memref<!tpu.dma_semaphore, #tpu.memory_space<semaphore_mem>>
      %dma_start3A_325 = arith.constant 0 : i32
      %dma_start3A_326 = arith.constant 0 : i32
      %dma_start3A_327 = tpu.memref_slice %arg6[%run_scoped3A, %dma_start3A_325, %dma_start3A_326] : memref<2x128x128xf32, #tpu.memory_space<vmem>> -> memref<1x128x128xf32, #tpu.memory_space<vmem>>
      %dma_start3A_328 = tpu.memref_squeeze %dma_start3A_327 : memref<1x128x128xf32, #tpu.memory_space<vmem>> -> memref<128x128xf32, #tpu.memory_space<vmem>>
      %dma_start3A_329 = arith.constant 0 : i32
      %dma_start3A_330 = tpu.memref_slice %arg7[%run_scoped3A_114, %dma_start3A_329] : memref<2x128xi32, #tpu.memory_space<vmem>> -> memref<1x128xi32, #tpu.memory_space<vmem>>
      %dma_start3A_331 = tpu.memref_squeeze %dma_start3A_330 : memref<1x128xi32, #tpu.memory_space<vmem>> -> memref<128xi32, #tpu.memory_space<vmem>>
      %dma_start3A_332 = arith.constant 0 : i32
      %dma_start3A_333 = arith.constant 0 : i32
      %dma_start3A_334 = tpu.memref_slice %arg5[%run_scoped3A_113, %dma_start3A_332, %dma_start3A_333] : memref<2x2048x128xf32, #tpu.memory_space<vmem_shared>> -> memref<1x2048x128xf32, #tpu.memory_space<vmem_shared>>
      %dma_start3A_335 = tpu.memref_squeeze %dma_start3A_334 : memref<1x2048x128xf32, #tpu.memory_space<vmem_shared>> -> memref<2048x128xf32, #tpu.memory_space<vmem_shared>>
      %dma_start3A_336 = arith.constant 0 : i32
      %dma_start3A_337 = arith.constant 0 : i32
      %dma_start3A_338 = tpu.memref_slice %dma_start3A_335[%dma_start3A_336, %dma_start3A_337] : memref<2048x128xf32, #tpu.memory_space<vmem_shared>> -> memref<2048x128xf32, #tpu.memory_space<vmem_shared>>
      tpu.enqueue_indirect_dma source(%dma_start3A_328 : memref<128x128xf32, #tpu.memory_space<vmem>>) target(%dma_start3A_338 : memref<2048x128xf32, #tpu.memory_space<vmem_shared>>) offsets(%dma_start3A_331 : memref<128xi32, #tpu.memory_space<vmem>>) semaphore(%run_scoped3A_324 : memref<!tpu.dma_semaphore, #tpu.memory_space<semaphore_mem>>) {add = true}
      %dma_wait3A_339 = arith.constant 0 : i32
      %dma_wait3A_340 = arith.constant 0 : i32
      %dma_wait3A_341 = tpu.memref_slice %arg6[%run_scoped3A, %dma_wait3A_339, %dma_wait3A_340] : memref<2x128x128xf32, #tpu.memory_space<vmem>> -> memref<1x128x128xf32, #tpu.memory_space<vmem>>
      %dma_wait3A_342 = tpu.memref_squeeze %dma_wait3A_341 : memref<1x128x128xf32, #tpu.memory_space<vmem>> -> memref<128x128xf32, #tpu.memory_space<vmem>>
      %dma_wait3A_343 = arith.constant 0 : i32
      %dma_wait3A_344 = tpu.memref_slice %arg7[%run_scoped3A_114, %dma_wait3A_343] : memref<2x128xi32, #tpu.memory_space<vmem>> -> memref<1x128xi32, #tpu.memory_space<vmem>>
      %dma_wait3A_345 = tpu.memref_squeeze %dma_wait3A_344 : memref<1x128xi32, #tpu.memory_space<vmem>> -> memref<128xi32, #tpu.memory_space<vmem>>
      %dma_wait3A_346 = arith.constant 0 : i32
      %dma_wait3A_347 = arith.constant 0 : i32
      %dma_wait3A_348 = tpu.memref_slice %arg5[%run_scoped3A_113, %dma_wait3A_346, %dma_wait3A_347] : memref<2x2048x128xf32, #tpu.memory_space<vmem_shared>> -> memref<1x2048x128xf32, #tpu.memory_space<vmem_shared>>
      %dma_wait3A_349 = tpu.memref_squeeze %dma_wait3A_348 : memref<1x2048x128xf32, #tpu.memory_space<vmem_shared>> -> memref<2048x128xf32, #tpu.memory_space<vmem_shared>>
      %dma_wait3A_350 = arith.constant 0 : i32
      %dma_wait3A_351 = arith.constant 0 : i32
      %dma_wait3A_352 = tpu.memref_slice %dma_wait3A_349[%dma_wait3A_350, %dma_wait3A_351] : memref<2048x128xf32, #tpu.memory_space<vmem_shared>> -> memref<2048x128xf32, #tpu.memory_space<vmem_shared>>
      tpu.wait_indirect_dma semaphore(%run_scoped3A_324 : memref<!tpu.dma_semaphore, #tpu.memory_space<semaphore_mem>>) src(%dma_wait3A_342 : memref<128x128xf32, #tpu.memory_space<vmem>>) dst(%dma_wait3A_352 : memref<2048x128xf32, #tpu.memory_space<vmem_shared>>)
      tpu.yield
    }) : () -> ()
    %barrier3A_115 = arith.constant 0 : index
    tpu.barrier barrier_id(%barrier3A_115)
    %run_scoped3A_116 = arith.constant 0 : i32
    "tpu.region"() ({
      %run_scoped3A_324 = tpu.sem_alloc : memref<!tpu.dma_semaphore, #tpu.memory_space<semaphore_mem>>
      %dma_start3A_325 = arith.constant 0 : i32
      %dma_start3A_326 = tpu.memref_slice %arg4[%add3A_41, %mul3A_0, %dma_start3A_325] : memref<8x2048x128xf32, #tpu.memory_space<hbm>> -> memref<1x128x128xf32, #tpu.memory_space<hbm>>
      %dma_start3A_327 = tpu.memref_squeeze %dma_start3A_326 : memref<1x128x128xf32, #tpu.memory_space<hbm>> -> memref<128x128xf32, #tpu.memory_space<hbm>>
      %dma_start3A_328 = arith.constant 0 : i32
      %dma_start3A_329 = tpu.memref_slice %arg5[%run_scoped3A_116, %mul3A_0, %dma_start3A_328] : memref<2x2048x128xf32, #tpu.memory_space<vmem_shared>> -> memref<1x128x128xf32, #tpu.memory_space<vmem_shared>>
      %dma_start3A_330 = tpu.memref_squeeze %dma_start3A_329 : memref<1x128x128xf32, #tpu.memory_space<vmem_shared>> -> memref<128x128xf32, #tpu.memory_space<vmem_shared>>
      tpu.enqueue_dma source(%dma_start3A_330 : memref<128x128xf32, #tpu.memory_space<vmem_shared>>) target(%dma_start3A_327 : memref<128x128xf32, #tpu.memory_space<hbm>>) target_semaphore(%run_scoped3A_324 : memref<!tpu.dma_semaphore, #tpu.memory_space<semaphore_mem>>)
      %dma_wait3A_331 = arith.constant 0 : i32
      %dma_wait3A_332 = tpu.memref_slice %arg4[%add3A_41, %mul3A_0, %dma_wait3A_331] : memref<8x2048x128xf32, #tpu.memory_space<hbm>> -> memref<1x128x128xf32, #tpu.memory_space<hbm>>
      %dma_wait3A_333 = tpu.memref_squeeze %dma_wait3A_332 : memref<1x128x128xf32, #tpu.memory_space<hbm>> -> memref<128x128xf32, #tpu.memory_space<hbm>>
      %dma_wait3A_334 = arith.constant 0 : i32
      %dma_wait3A_335 = tpu.memref_slice %arg5[%run_scoped3A_116, %mul3A_0, %dma_wait3A_334] : memref<2x2048x128xf32, #tpu.memory_space<vmem_shared>> -> memref<1x128x128xf32, #tpu.memory_space<vmem_shared>>
      %dma_wait3A_336 = tpu.memref_squeeze %dma_wait3A_335 : memref<1x128x128xf32, #tpu.memory_space<vmem_shared>> -> memref<128x128xf32, #tpu.memory_space<vmem_shared>>
      tpu.wait_dma2 semaphore(%run_scoped3A_324 : memref<!tpu.dma_semaphore, #tpu.memory_space<semaphore_mem>>) src(%dma_wait3A_336 : memref<128x128xf32, #tpu.memory_space<vmem_shared>>) dst(%dma_wait3A_333 : memref<128x128xf32, #tpu.memory_space<hbm>>)
      tpu.yield
    }) : () -> ()
    %mul3A_117 = arith.constant 4 : i32
    %mul3A_118 = arith.muli %arg0, %mul3A_117 : i32
    %add3A_119 = arith.constant 1 : i32
    %add3A_120 = arith.addi %mul3A_118, %add3A_119 : i32
    %dma_wait3A_121 = arith.constant 1 : i32
    %dma_wait3A_122 = arith.constant 0 : i32
    %dma_wait3A_123 = tpu.memref_slice %arg5[%dma_wait3A_121, %mul3A_0, %dma_wait3A_122] : memref<2x2048x128xf32, #tpu.memory_space<vmem_shared>> -> memref<1x128x128xf32, #tpu.memory_space<vmem_shared>>
    %dma_wait3A_124 = tpu.memref_squeeze %dma_wait3A_123 : memref<1x128x128xf32, #tpu.memory_space<vmem_shared>> -> memref<128x128xf32, #tpu.memory_space<vmem_shared>>
    %dma_wait3A_125 = arith.constant 0 : i32
    %dma_wait3A_126 = tpu.memref_slice %arg2[%add3A_77, %add3A_79, %dma_wait3A_125] : memref<8x4096x128xf32, #tpu.memory_space<hbm>> -> memref<1x128x128xf32, #tpu.memory_space<hbm>>
    %dma_wait3A_127 = tpu.memref_squeeze %dma_wait3A_126 : memref<1x128x128xf32, #tpu.memory_space<hbm>> -> memref<128x128xf32, #tpu.memory_space<hbm>>
    tpu.wait_dma2 semaphore(%arg8 : memref<!tpu.dma_semaphore, #tpu.memory_space<semaphore_mem>>) src(%dma_wait3A_127 : memref<128x128xf32, #tpu.memory_space<hbm>>) dst(%dma_wait3A_124 : memref<128x128xf32, #tpu.memory_space<vmem_shared>>)
    %dma_wait3A_128 = arith.constant 1 : i32
    %dma_wait3A_129 = arith.constant 0 : i32
    %dma_wait3A_130 = tpu.memref_slice %arg7[%dma_wait3A_128, %dma_wait3A_129] : memref<2x128xi32, #tpu.memory_space<vmem>> -> memref<1x128xi32, #tpu.memory_space<vmem>>
    %dma_wait3A_131 = tpu.memref_squeeze %dma_wait3A_130 : memref<1x128xi32, #tpu.memory_space<vmem>> -> memref<128xi32, #tpu.memory_space<vmem>>
    %dma_wait3A_132 = tpu.memref_slice %arg3[%add3A_77, %mul3A_0] : memref<8x2048xi32, #tpu.memory_space<hbm>> -> memref<1x128xi32, #tpu.memory_space<hbm>>
    %dma_wait3A_133 = tpu.memref_squeeze %dma_wait3A_132 : memref<1x128xi32, #tpu.memory_space<hbm>> -> memref<128xi32, #tpu.memory_space<hbm>>
    %dma_wait3A_134 = arith.constant 0 : i32
    %dma_wait3A_135 = tpu.memref_slice %arg7[%dma_wait3A_128, %dma_wait3A_134] : memref<2x128xi32, #tpu.memory_space<vmem>> -> memref<1x128xi32, #tpu.memory_space<vmem>>
    %dma_wait3A_136 = tpu.memref_squeeze %dma_wait3A_135 : memref<1x128xi32, #tpu.memory_space<vmem>> -> memref<128xi32, #tpu.memory_space<vmem>>
    %dma_wait3A_137 = tpu.memref_slice %arg3[%add3A_77, %mul3A_0] : memref<8x2048xi32, #tpu.memory_space<hbm>> -> memref<1x128xi32, #tpu.memory_space<hbm>>
    %dma_wait3A_138 = tpu.memref_squeeze %dma_wait3A_137 : memref<1x128xi32, #tpu.memory_space<hbm>> -> memref<128xi32, #tpu.memory_space<hbm>>
    tpu.wait_dma2 semaphore(%arg8 : memref<!tpu.dma_semaphore, #tpu.memory_space<semaphore_mem>>) src(%dma_wait3A_138 : memref<128xi32, #tpu.memory_space<hbm>>) dst(%dma_wait3A_136 : memref<128xi32, #tpu.memory_space<vmem>>)
    %dma_wait3A_139 = arith.constant 1 : i32
    %dma_wait3A_140 = arith.constant 0 : i32
    %dma_wait3A_141 = arith.constant 0 : i32
    %dma_wait3A_142 = tpu.memref_slice %arg6[%dma_wait3A_139, %dma_wait3A_140, %dma_wait3A_141] : memref<2x128x128xf32, #tpu.memory_space<vmem>> -> memref<1x128x128xf32, #tpu.memory_space<vmem>>
    %dma_wait3A_143 = tpu.memref_squeeze %dma_wait3A_142 : memref<1x128x128xf32, #tpu.memory_space<vmem>> -> memref<128x128xf32, #tpu.memory_space<vmem>>
    %dma_wait3A_144 = arith.constant 0 : i32
    %dma_wait3A_145 = tpu.memref_slice %arg2[%add3A_77, %mul3A_0, %dma_wait3A_144] : memref<8x4096x128xf32, #tpu.memory_space<hbm>> -> memref<1x128x128xf32, #tpu.memory_space<hbm>>
    %dma_wait3A_146 = tpu.memref_squeeze %dma_wait3A_145 : memref<1x128x128xf32, #tpu.memory_space<hbm>> -> memref<128x128xf32, #tpu.memory_space<hbm>>
    %dma_wait3A_147 = arith.constant 0 : i32
    %dma_wait3A_148 = arith.constant 0 : i32
    %dma_wait3A_149 = tpu.memref_slice %arg6[%dma_wait3A_139, %dma_wait3A_147, %dma_wait3A_148] : memref<2x128x128xf32, #tpu.memory_space<vmem>> -> memref<1x128x128xf32, #tpu.memory_space<vmem>>
    %dma_wait3A_150 = tpu.memref_squeeze %dma_wait3A_149 : memref<1x128x128xf32, #tpu.memory_space<vmem>> -> memref<128x128xf32, #tpu.memory_space<vmem>>
    %dma_wait3A_151 = arith.constant 0 : i32
    %dma_wait3A_152 = tpu.memref_slice %arg2[%add3A_77, %mul3A_0, %dma_wait3A_151] : memref<8x4096x128xf32, #tpu.memory_space<hbm>> -> memref<1x128x128xf32, #tpu.memory_space<hbm>>
    %dma_wait3A_153 = tpu.memref_squeeze %dma_wait3A_152 : memref<1x128x128xf32, #tpu.memory_space<hbm>> -> memref<128x128xf32, #tpu.memory_space<hbm>>
    tpu.wait_dma2 semaphore(%arg8 : memref<!tpu.dma_semaphore, #tpu.memory_space<semaphore_mem>>) src(%dma_wait3A_153 : memref<128x128xf32, #tpu.memory_space<hbm>>) dst(%dma_wait3A_150 : memref<128x128xf32, #tpu.memory_space<vmem>>)
    %barrier3A_154 = arith.constant 0 : index
    tpu.barrier barrier_id(%barrier3A_154)
    %mul3A_155 = arith.constant 4 : i32
    %mul3A_156 = arith.muli %arg0, %mul3A_155 : i32
    %add3A_157 = arith.constant 2 : i32
    %add3A_158 = arith.addi %mul3A_156, %add3A_157 : i32
    %add3A_159 = arith.constant 2048 : i32
    %add3A_160 = arith.addi %add3A_159, %mul3A_0 : i32
    %dma_start3A_161 = arith.constant 0 : i32
    %dma_start3A_162 = arith.constant 0 : i32
    %dma_start3A_163 = tpu.memref_slice %arg5[%dma_start3A_161, %mul3A_0, %dma_start3A_162] : memref<2x2048x128xf32, #tpu.memory_space<vmem_shared>> -> memref<1x128x128xf32, #tpu.memory_space<vmem_shared>>
    %dma_start3A_164 = tpu.memref_squeeze %dma_start3A_163 : memref<1x128x128xf32, #tpu.memory_space<vmem_shared>> -> memref<128x128xf32, #tpu.memory_space<vmem_shared>>
    %dma_start3A_165 = arith.constant 0 : i32
    %dma_start3A_166 = tpu.memref_slice %arg2[%add3A_158, %add3A_160, %dma_start3A_165] : memref<8x4096x128xf32, #tpu.memory_space<hbm>> -> memref<1x128x128xf32, #tpu.memory_space<hbm>>
    %dma_start3A_167 = tpu.memref_squeeze %dma_start3A_166 : memref<1x128x128xf32, #tpu.memory_space<hbm>> -> memref<128x128xf32, #tpu.memory_space<hbm>>
    tpu.enqueue_dma source(%dma_start3A_167 : memref<128x128xf32, #tpu.memory_space<hbm>>) target(%dma_start3A_164 : memref<128x128xf32, #tpu.memory_space<vmem_shared>>) target_semaphore(%arg8 : memref<!tpu.dma_semaphore, #tpu.memory_space<semaphore_mem>>)
    %dma_start3A_168 = arith.constant 0 : i32
    %dma_start3A_169 = arith.constant 0 : i32
    %dma_start3A_170 = tpu.memref_slice %arg7[%dma_start3A_168, %dma_start3A_169] : memref<2x128xi32, #tpu.memory_space<vmem>> -> memref<1x128xi32, #tpu.memory_space<vmem>>
    %dma_start3A_171 = tpu.memref_squeeze %dma_start3A_170 : memref<1x128xi32, #tpu.memory_space<vmem>> -> memref<128xi32, #tpu.memory_space<vmem>>
    %dma_start3A_172 = tpu.memref_slice %arg3[%add3A_158, %mul3A_0] : memref<8x2048xi32, #tpu.memory_space<hbm>> -> memref<1x128xi32, #tpu.memory_space<hbm>>
    %dma_start3A_173 = tpu.memref_squeeze %dma_start3A_172 : memref<1x128xi32, #tpu.memory_space<hbm>> -> memref<128xi32, #tpu.memory_space<hbm>>
    %dma_start3A_174 = arith.constant 0 : i32
    %dma_start3A_175 = tpu.memref_slice %arg7[%dma_start3A_168, %dma_start3A_174] : memref<2x128xi32, #tpu.memory_space<vmem>> -> memref<1x128xi32, #tpu.memory_space<vmem>>
    %dma_start3A_176 = tpu.memref_squeeze %dma_start3A_175 : memref<1x128xi32, #tpu.memory_space<vmem>> -> memref<128xi32, #tpu.memory_space<vmem>>
    %dma_start3A_177 = tpu.memref_slice %arg3[%add3A_158, %mul3A_0] : memref<8x2048xi32, #tpu.memory_space<hbm>> -> memref<1x128xi32, #tpu.memory_space<hbm>>
    %dma_start3A_178 = tpu.memref_squeeze %dma_start3A_177 : memref<1x128xi32, #tpu.memory_space<hbm>> -> memref<128xi32, #tpu.memory_space<hbm>>
    tpu.enqueue_dma source(%dma_start3A_178 : memref<128xi32, #tpu.memory_space<hbm>>) target(%dma_start3A_176 : memref<128xi32, #tpu.memory_space<vmem>>) target_semaphore(%arg8 : memref<!tpu.dma_semaphore, #tpu.memory_space<semaphore_mem>>)
    %dma_start3A_179 = arith.constant 0 : i32
    %dma_start3A_180 = arith.constant 0 : i32
    %dma_start3A_181 = arith.constant 0 : i32
    %dma_start3A_182 = tpu.memref_slice %arg6[%dma_start3A_179, %dma_start3A_180, %dma_start3A_181] : memref<2x128x128xf32, #tpu.memory_space<vmem>> -> memref<1x128x128xf32, #tpu.memory_space<vmem>>
    %dma_start3A_183 = tpu.memref_squeeze %dma_start3A_182 : memref<1x128x128xf32, #tpu.memory_space<vmem>> -> memref<128x128xf32, #tpu.memory_space<vmem>>
    %dma_start3A_184 = arith.constant 0 : i32
    %dma_start3A_185 = tpu.memref_slice %arg2[%add3A_158, %mul3A_0, %dma_start3A_184] : memref<8x4096x128xf32, #tpu.memory_space<hbm>> -> memref<1x128x128xf32, #tpu.memory_space<hbm>>
    %dma_start3A_186 = tpu.memref_squeeze %dma_start3A_185 : memref<1x128x128xf32, #tpu.memory_space<hbm>> -> memref<128x128xf32, #tpu.memory_space<hbm>>
    %dma_start3A_187 = arith.constant 0 : i32
    %dma_start3A_188 = arith.constant 0 : i32
    %dma_start3A_189 = tpu.memref_slice %arg6[%dma_start3A_179, %dma_start3A_187, %dma_start3A_188] : memref<2x128x128xf32, #tpu.memory_space<vmem>> -> memref<1x128x128xf32, #tpu.memory_space<vmem>>
    %dma_start3A_190 = tpu.memref_squeeze %dma_start3A_189 : memref<1x128x128xf32, #tpu.memory_space<vmem>> -> memref<128x128xf32, #tpu.memory_space<vmem>>
    %dma_start3A_191 = arith.constant 0 : i32
    %dma_start3A_192 = tpu.memref_slice %arg2[%add3A_158, %mul3A_0, %dma_start3A_191] : memref<8x4096x128xf32, #tpu.memory_space<hbm>> -> memref<1x128x128xf32, #tpu.memory_space<hbm>>
    %dma_start3A_193 = tpu.memref_squeeze %dma_start3A_192 : memref<1x128x128xf32, #tpu.memory_space<hbm>> -> memref<128x128xf32, #tpu.memory_space<hbm>>
    tpu.enqueue_dma source(%dma_start3A_193 : memref<128x128xf32, #tpu.memory_space<hbm>>) target(%dma_start3A_190 : memref<128x128xf32, #tpu.memory_space<vmem>>) target_semaphore(%arg8 : memref<!tpu.dma_semaphore, #tpu.memory_space<semaphore_mem>>)
    %run_scoped3A_194 = arith.constant 1 : i32
    %run_scoped3A_195 = arith.constant 1 : i32
    %run_scoped3A_196 = arith.constant 1 : i32
    "tpu.region"() ({
      %run_scoped3A_324 = tpu.sem_alloc : memref<!tpu.dma_semaphore, #tpu.memory_space<semaphore_mem>>
      %dma_start3A_325 = arith.constant 0 : i32
      %dma_start3A_326 = arith.constant 0 : i32
      %dma_start3A_327 = tpu.memref_slice %arg6[%run_scoped3A_194, %dma_start3A_325, %dma_start3A_326] : memref<2x128x128xf32, #tpu.memory_space<vmem>> -> memref<1x128x128xf32, #tpu.memory_space<vmem>>
      %dma_start3A_328 = tpu.memref_squeeze %dma_start3A_327 : memref<1x128x128xf32, #tpu.memory_space<vmem>> -> memref<128x128xf32, #tpu.memory_space<vmem>>
      %dma_start3A_329 = arith.constant 0 : i32
      %dma_start3A_330 = tpu.memref_slice %arg7[%run_scoped3A_196, %dma_start3A_329] : memref<2x128xi32, #tpu.memory_space<vmem>> -> memref<1x128xi32, #tpu.memory_space<vmem>>
      %dma_start3A_331 = tpu.memref_squeeze %dma_start3A_330 : memref<1x128xi32, #tpu.memory_space<vmem>> -> memref<128xi32, #tpu.memory_space<vmem>>
      %dma_start3A_332 = arith.constant 0 : i32
      %dma_start3A_333 = arith.constant 0 : i32
      %dma_start3A_334 = tpu.memref_slice %arg5[%run_scoped3A_195, %dma_start3A_332, %dma_start3A_333] : memref<2x2048x128xf32, #tpu.memory_space<vmem_shared>> -> memref<1x2048x128xf32, #tpu.memory_space<vmem_shared>>
      %dma_start3A_335 = tpu.memref_squeeze %dma_start3A_334 : memref<1x2048x128xf32, #tpu.memory_space<vmem_shared>> -> memref<2048x128xf32, #tpu.memory_space<vmem_shared>>
      %dma_start3A_336 = arith.constant 0 : i32
      %dma_start3A_337 = arith.constant 0 : i32
      %dma_start3A_338 = tpu.memref_slice %dma_start3A_335[%dma_start3A_336, %dma_start3A_337] : memref<2048x128xf32, #tpu.memory_space<vmem_shared>> -> memref<2048x128xf32, #tpu.memory_space<vmem_shared>>
      tpu.enqueue_indirect_dma source(%dma_start3A_328 : memref<128x128xf32, #tpu.memory_space<vmem>>) target(%dma_start3A_338 : memref<2048x128xf32, #tpu.memory_space<vmem_shared>>) offsets(%dma_start3A_331 : memref<128xi32, #tpu.memory_space<vmem>>) semaphore(%run_scoped3A_324 : memref<!tpu.dma_semaphore, #tpu.memory_space<semaphore_mem>>) {add = true}
      %dma_wait3A_339 = arith.constant 0 : i32
      %dma_wait3A_340 = arith.constant 0 : i32
      %dma_wait3A_341 = tpu.memref_slice %arg6[%run_scoped3A_194, %dma_wait3A_339, %dma_wait3A_340] : memref<2x128x128xf32, #tpu.memory_space<vmem>> -> memref<1x128x128xf32, #tpu.memory_space<vmem>>
      %dma_wait3A_342 = tpu.memref_squeeze %dma_wait3A_341 : memref<1x128x128xf32, #tpu.memory_space<vmem>> -> memref<128x128xf32, #tpu.memory_space<vmem>>
      %dma_wait3A_343 = arith.constant 0 : i32
      %dma_wait3A_344 = tpu.memref_slice %arg7[%run_scoped3A_196, %dma_wait3A_343] : memref<2x128xi32, #tpu.memory_space<vmem>> -> memref<1x128xi32, #tpu.memory_space<vmem>>
      %dma_wait3A_345 = tpu.memref_squeeze %dma_wait3A_344 : memref<1x128xi32, #tpu.memory_space<vmem>> -> memref<128xi32, #tpu.memory_space<vmem>>
      %dma_wait3A_346 = arith.constant 0 : i32
      %dma_wait3A_347 = arith.constant 0 : i32
      %dma_wait3A_348 = tpu.memref_slice %arg5[%run_scoped3A_195, %dma_wait3A_346, %dma_wait3A_347] : memref<2x2048x128xf32, #tpu.memory_space<vmem_shared>> -> memref<1x2048x128xf32, #tpu.memory_space<vmem_shared>>
      %dma_wait3A_349 = tpu.memref_squeeze %dma_wait3A_348 : memref<1x2048x128xf32, #tpu.memory_space<vmem_shared>> -> memref<2048x128xf32, #tpu.memory_space<vmem_shared>>
      %dma_wait3A_350 = arith.constant 0 : i32
      %dma_wait3A_351 = arith.constant 0 : i32
      %dma_wait3A_352 = tpu.memref_slice %dma_wait3A_349[%dma_wait3A_350, %dma_wait3A_351] : memref<2048x128xf32, #tpu.memory_space<vmem_shared>> -> memref<2048x128xf32, #tpu.memory_space<vmem_shared>>
      tpu.wait_indirect_dma semaphore(%run_scoped3A_324 : memref<!tpu.dma_semaphore, #tpu.memory_space<semaphore_mem>>) src(%dma_wait3A_342 : memref<128x128xf32, #tpu.memory_space<vmem>>) dst(%dma_wait3A_352 : memref<2048x128xf32, #tpu.memory_space<vmem_shared>>)
      tpu.yield
    }) : () -> ()
    %barrier3A_197 = arith.constant 0 : index
    tpu.barrier barrier_id(%barrier3A_197)
    %run_scoped3A_198 = arith.constant 1 : i32
    "tpu.region"() ({
      %run_scoped3A_324 = tpu.sem_alloc : memref<!tpu.dma_semaphore, #tpu.memory_space<semaphore_mem>>
      %dma_start3A_325 = arith.constant 0 : i32
      %dma_start3A_326 = tpu.memref_slice %arg4[%add3A_120, %mul3A_0, %dma_start3A_325] : memref<8x2048x128xf32, #tpu.memory_space<hbm>> -> memref<1x128x128xf32, #tpu.memory_space<hbm>>
      %dma_start3A_327 = tpu.memref_squeeze %dma_start3A_326 : memref<1x128x128xf32, #tpu.memory_space<hbm>> -> memref<128x128xf32, #tpu.memory_space<hbm>>
      %dma_start3A_328 = arith.constant 0 : i32
      %dma_start3A_329 = tpu.memref_slice %arg5[%run_scoped3A_198, %mul3A_0, %dma_start3A_328] : memref<2x2048x128xf32, #tpu.memory_space<vmem_shared>> -> memref<1x128x128xf32, #tpu.memory_space<vmem_shared>>
      %dma_start3A_330 = tpu.memref_squeeze %dma_start3A_329 : memref<1x128x128xf32, #tpu.memory_space<vmem_shared>> -> memref<128x128xf32, #tpu.memory_space<vmem_shared>>
      tpu.enqueue_dma source(%dma_start3A_330 : memref<128x128xf32, #tpu.memory_space<vmem_shared>>) target(%dma_start3A_327 : memref<128x128xf32, #tpu.memory_space<hbm>>) target_semaphore(%run_scoped3A_324 : memref<!tpu.dma_semaphore, #tpu.memory_space<semaphore_mem>>)
      %dma_wait3A_331 = arith.constant 0 : i32
      %dma_wait3A_332 = tpu.memref_slice %arg4[%add3A_120, %mul3A_0, %dma_wait3A_331] : memref<8x2048x128xf32, #tpu.memory_space<hbm>> -> memref<1x128x128xf32, #tpu.memory_space<hbm>>
      %dma_wait3A_333 = tpu.memref_squeeze %dma_wait3A_332 : memref<1x128x128xf32, #tpu.memory_space<hbm>> -> memref<128x128xf32, #tpu.memory_space<hbm>>
      %dma_wait3A_334 = arith.constant 0 : i32
      %dma_wait3A_335 = tpu.memref_slice %arg5[%run_scoped3A_198, %mul3A_0, %dma_wait3A_334] : memref<2x2048x128xf32, #tpu.memory_space<vmem_shared>> -> memref<1x128x128xf32, #tpu.memory_space<vmem_shared>>
      %dma_wait3A_336 = tpu.memref_squeeze %dma_wait3A_335 : memref<1x128x128xf32, #tpu.memory_space<vmem_shared>> -> memref<128x128xf32, #tpu.memory_space<vmem_shared>>
      tpu.wait_dma2 semaphore(%run_scoped3A_324 : memref<!tpu.dma_semaphore, #tpu.memory_space<semaphore_mem>>) src(%dma_wait3A_336 : memref<128x128xf32, #tpu.memory_space<vmem_shared>>) dst(%dma_wait3A_333 : memref<128x128xf32, #tpu.memory_space<hbm>>)
      tpu.yield
    }) : () -> ()
    %mul3A_199 = arith.constant 4 : i32
    %mul3A_200 = arith.muli %arg0, %mul3A_199 : i32
    %add3A_201 = arith.constant 2 : i32
    %add3A_202 = arith.addi %mul3A_200, %add3A_201 : i32
    %dma_wait3A_203 = arith.constant 0 : i32
    %dma_wait3A_204 = arith.constant 0 : i32
    %dma_wait3A_205 = tpu.memref_slice %arg5[%dma_wait3A_203, %mul3A_0, %dma_wait3A_204] : memref<2x2048x128xf32, #tpu.memory_space<vmem_shared>> -> memref<1x128x128xf32, #tpu.memory_space<vmem_shared>>
    %dma_wait3A_206 = tpu.memref_squeeze %dma_wait3A_205 : memref<1x128x128xf32, #tpu.memory_space<vmem_shared>> -> memref<128x128xf32, #tpu.memory_space<vmem_shared>>
    %dma_wait3A_207 = arith.constant 0 : i32
    %dma_wait3A_208 = tpu.memref_slice %arg2[%add3A_158, %add3A_160, %dma_wait3A_207] : memref<8x4096x128xf32, #tpu.memory_space<hbm>> -> memref<1x128x128xf32, #tpu.memory_space<hbm>>
    %dma_wait3A_209 = tpu.memref_squeeze %dma_wait3A_208 : memref<1x128x128xf32, #tpu.memory_space<hbm>> -> memref<128x128xf32, #tpu.memory_space<hbm>>
    tpu.wait_dma2 semaphore(%arg8 : memref<!tpu.dma_semaphore, #tpu.memory_space<semaphore_mem>>) src(%dma_wait3A_209 : memref<128x128xf32, #tpu.memory_space<hbm>>) dst(%dma_wait3A_206 : memref<128x128xf32, #tpu.memory_space<vmem_shared>>)
    %dma_wait3A_210 = arith.constant 0 : i32
    %dma_wait3A_211 = arith.constant 0 : i32
    %dma_wait3A_212 = tpu.memref_slice %arg7[%dma_wait3A_210, %dma_wait3A_211] : memref<2x128xi32, #tpu.memory_space<vmem>> -> memref<1x128xi32, #tpu.memory_space<vmem>>
    %dma_wait3A_213 = tpu.memref_squeeze %dma_wait3A_212 : memref<1x128xi32, #tpu.memory_space<vmem>> -> memref<128xi32, #tpu.memory_space<vmem>>
    %dma_wait3A_214 = tpu.memref_slice %arg3[%add3A_158, %mul3A_0] : memref<8x2048xi32, #tpu.memory_space<hbm>> -> memref<1x128xi32, #tpu.memory_space<hbm>>
    %dma_wait3A_215 = tpu.memref_squeeze %dma_wait3A_214 : memref<1x128xi32, #tpu.memory_space<hbm>> -> memref<128xi32, #tpu.memory_space<hbm>>
    %dma_wait3A_216 = arith.constant 0 : i32
    %dma_wait3A_217 = tpu.memref_slice %arg7[%dma_wait3A_210, %dma_wait3A_216] : memref<2x128xi32, #tpu.memory_space<vmem>> -> memref<1x128xi32, #tpu.memory_space<vmem>>
    %dma_wait3A_218 = tpu.memref_squeeze %dma_wait3A_217 : memref<1x128xi32, #tpu.memory_space<vmem>> -> memref<128xi32, #tpu.memory_space<vmem>>
    %dma_wait3A_219 = tpu.memref_slice %arg3[%add3A_158, %mul3A_0] : memref<8x2048xi32, #tpu.memory_space<hbm>> -> memref<1x128xi32, #tpu.memory_space<hbm>>
    %dma_wait3A_220 = tpu.memref_squeeze %dma_wait3A_219 : memref<1x128xi32, #tpu.memory_space<hbm>> -> memref<128xi32, #tpu.memory_space<hbm>>
    tpu.wait_dma2 semaphore(%arg8 : memref<!tpu.dma_semaphore, #tpu.memory_space<semaphore_mem>>) src(%dma_wait3A_220 : memref<128xi32, #tpu.memory_space<hbm>>) dst(%dma_wait3A_218 : memref<128xi32, #tpu.memory_space<vmem>>)
    %dma_wait3A_221 = arith.constant 0 : i32
    %dma_wait3A_222 = arith.constant 0 : i32
    %dma_wait3A_223 = arith.constant 0 : i32
    %dma_wait3A_224 = tpu.memref_slice %arg6[%dma_wait3A_221, %dma_wait3A_222, %dma_wait3A_223] : memref<2x128x128xf32, #tpu.memory_space<vmem>> -> memref<1x128x128xf32, #tpu.memory_space<vmem>>
    %dma_wait3A_225 = tpu.memref_squeeze %dma_wait3A_224 : memref<1x128x128xf32, #tpu.memory_space<vmem>> -> memref<128x128xf32, #tpu.memory_space<vmem>>
    %dma_wait3A_226 = arith.constant 0 : i32
    %dma_wait3A_227 = tpu.memref_slice %arg2[%add3A_158, %mul3A_0, %dma_wait3A_226] : memref<8x4096x128xf32, #tpu.memory_space<hbm>> -> memref<1x128x128xf32, #tpu.memory_space<hbm>>
    %dma_wait3A_228 = tpu.memref_squeeze %dma_wait3A_227 : memref<1x128x128xf32, #tpu.memory_space<hbm>> -> memref<128x128xf32, #tpu.memory_space<hbm>>
    %dma_wait3A_229 = arith.constant 0 : i32
    %dma_wait3A_230 = arith.constant 0 : i32
    %dma_wait3A_231 = tpu.memref_slice %arg6[%dma_wait3A_221, %dma_wait3A_229, %dma_wait3A_230] : memref<2x128x128xf32, #tpu.memory_space<vmem>> -> memref<1x128x128xf32, #tpu.memory_space<vmem>>
    %dma_wait3A_232 = tpu.memref_squeeze %dma_wait3A_231 : memref<1x128x128xf32, #tpu.memory_space<vmem>> -> memref<128x128xf32, #tpu.memory_space<vmem>>
    %dma_wait3A_233 = arith.constant 0 : i32
    %dma_wait3A_234 = tpu.memref_slice %arg2[%add3A_158, %mul3A_0, %dma_wait3A_233] : memref<8x4096x128xf32, #tpu.memory_space<hbm>> -> memref<1x128x128xf32, #tpu.memory_space<hbm>>
    %dma_wait3A_235 = tpu.memref_squeeze %dma_wait3A_234 : memref<1x128x128xf32, #tpu.memory_space<hbm>> -> memref<128x128xf32, #tpu.memory_space<hbm>>
    tpu.wait_dma2 semaphore(%arg8 : memref<!tpu.dma_semaphore, #tpu.memory_space<semaphore_mem>>) src(%dma_wait3A_235 : memref<128x128xf32, #tpu.memory_space<hbm>>) dst(%dma_wait3A_232 : memref<128x128xf32, #tpu.memory_space<vmem>>)
    %barrier3A_236 = arith.constant 0 : index
    tpu.barrier barrier_id(%barrier3A_236)
    %mul3A_237 = arith.constant 4 : i32
    %mul3A_238 = arith.muli %arg0, %mul3A_237 : i32
    %add3A_239 = arith.constant 3 : i32
    %add3A_240 = arith.addi %mul3A_238, %add3A_239 : i32
    %add3A_241 = arith.constant 2048 : i32
    %add3A_242 = arith.addi %add3A_241, %mul3A_0 : i32
    %dma_start3A_243 = arith.constant 1 : i32
    %dma_start3A_244 = arith.constant 0 : i32
    %dma_start3A_245 = tpu.memref_slice %arg5[%dma_start3A_243, %mul3A_0, %dma_start3A_244] : memref<2x2048x128xf32, #tpu.memory_space<vmem_shared>> -> memref<1x128x128xf32, #tpu.memory_space<vmem_shared>>
    %dma_start3A_246 = tpu.memref_squeeze %dma_start3A_245 : memref<1x128x128xf32, #tpu.memory_space<vmem_shared>> -> memref<128x128xf32, #tpu.memory_space<vmem_shared>>
    %dma_start3A_247 = arith.constant 0 : i32
    %dma_start3A_248 = tpu.memref_slice %arg2[%add3A_240, %add3A_242, %dma_start3A_247] : memref<8x4096x128xf32, #tpu.memory_space<hbm>> -> memref<1x128x128xf32, #tpu.memory_space<hbm>>
    %dma_start3A_249 = tpu.memref_squeeze %dma_start3A_248 : memref<1x128x128xf32, #tpu.memory_space<hbm>> -> memref<128x128xf32, #tpu.memory_space<hbm>>
    tpu.enqueue_dma source(%dma_start3A_249 : memref<128x128xf32, #tpu.memory_space<hbm>>) target(%dma_start3A_246 : memref<128x128xf32, #tpu.memory_space<vmem_shared>>) target_semaphore(%arg8 : memref<!tpu.dma_semaphore, #tpu.memory_space<semaphore_mem>>)
    %dma_start3A_250 = arith.constant 1 : i32
    %dma_start3A_251 = arith.constant 0 : i32
    %dma_start3A_252 = tpu.memref_slice %arg7[%dma_start3A_250, %dma_start3A_251] : memref<2x128xi32, #tpu.memory_space<vmem>> -> memref<1x128xi32, #tpu.memory_space<vmem>>
    %dma_start3A_253 = tpu.memref_squeeze %dma_start3A_252 : memref<1x128xi32, #tpu.memory_space<vmem>> -> memref<128xi32, #tpu.memory_space<vmem>>
    %dma_start3A_254 = tpu.memref_slice %arg3[%add3A_240, %mul3A_0] : memref<8x2048xi32, #tpu.memory_space<hbm>> -> memref<1x128xi32, #tpu.memory_space<hbm>>
    %dma_start3A_255 = tpu.memref_squeeze %dma_start3A_254 : memref<1x128xi32, #tpu.memory_space<hbm>> -> memref<128xi32, #tpu.memory_space<hbm>>
    %dma_start3A_256 = arith.constant 0 : i32
    %dma_start3A_257 = tpu.memref_slice %arg7[%dma_start3A_250, %dma_start3A_256] : memref<2x128xi32, #tpu.memory_space<vmem>> -> memref<1x128xi32, #tpu.memory_space<vmem>>
    %dma_start3A_258 = tpu.memref_squeeze %dma_start3A_257 : memref<1x128xi32, #tpu.memory_space<vmem>> -> memref<128xi32, #tpu.memory_space<vmem>>
    %dma_start3A_259 = tpu.memref_slice %arg3[%add3A_240, %mul3A_0] : memref<8x2048xi32, #tpu.memory_space<hbm>> -> memref<1x128xi32, #tpu.memory_space<hbm>>
    %dma_start3A_260 = tpu.memref_squeeze %dma_start3A_259 : memref<1x128xi32, #tpu.memory_space<hbm>> -> memref<128xi32, #tpu.memory_space<hbm>>
    tpu.enqueue_dma source(%dma_start3A_260 : memref<128xi32, #tpu.memory_space<hbm>>) target(%dma_start3A_258 : memref<128xi32, #tpu.memory_space<vmem>>) target_semaphore(%arg8 : memref<!tpu.dma_semaphore, #tpu.memory_space<semaphore_mem>>)
    %dma_start3A_261 = arith.constant 1 : i32
    %dma_start3A_262 = arith.constant 0 : i32
    %dma_start3A_263 = arith.constant 0 : i32
    %dma_start3A_264 = tpu.memref_slice %arg6[%dma_start3A_261, %dma_start3A_262, %dma_start3A_263] : memref<2x128x128xf32, #tpu.memory_space<vmem>> -> memref<1x128x128xf32, #tpu.memory_space<vmem>>
    %dma_start3A_265 = tpu.memref_squeeze %dma_start3A_264 : memref<1x128x128xf32, #tpu.memory_space<vmem>> -> memref<128x128xf32, #tpu.memory_space<vmem>>
    %dma_start3A_266 = arith.constant 0 : i32
    %dma_start3A_267 = tpu.memref_slice %arg2[%add3A_240, %mul3A_0, %dma_start3A_266] : memref<8x4096x128xf32, #tpu.memory_space<hbm>> -> memref<1x128x128xf32, #tpu.memory_space<hbm>>
    %dma_start3A_268 = tpu.memref_squeeze %dma_start3A_267 : memref<1x128x128xf32, #tpu.memory_space<hbm>> -> memref<128x128xf32, #tpu.memory_space<hbm>>
    %dma_start3A_269 = arith.constant 0 : i32
    %dma_start3A_270 = arith.constant 0 : i32
    %dma_start3A_271 = tpu.memref_slice %arg6[%dma_start3A_261, %dma_start3A_269, %dma_start3A_270] : memref<2x128x128xf32, #tpu.memory_space<vmem>> -> memref<1x128x128xf32, #tpu.memory_space<vmem>>
    %dma_start3A_272 = tpu.memref_squeeze %dma_start3A_271 : memref<1x128x128xf32, #tpu.memory_space<vmem>> -> memref<128x128xf32, #tpu.memory_space<vmem>>
    %dma_start3A_273 = arith.constant 0 : i32
    %dma_start3A_274 = tpu.memref_slice %arg2[%add3A_240, %mul3A_0, %dma_start3A_273] : memref<8x4096x128xf32, #tpu.memory_space<hbm>> -> memref<1x128x128xf32, #tpu.memory_space<hbm>>
    %dma_start3A_275 = tpu.memref_squeeze %dma_start3A_274 : memref<1x128x128xf32, #tpu.memory_space<hbm>> -> memref<128x128xf32, #tpu.memory_space<hbm>>
    tpu.enqueue_dma source(%dma_start3A_275 : memref<128x128xf32, #tpu.memory_space<hbm>>) target(%dma_start3A_272 : memref<128x128xf32, #tpu.memory_space<vmem>>) target_semaphore(%arg8 : memref<!tpu.dma_semaphore, #tpu.memory_space<semaphore_mem>>)
    %run_scoped3A_276 = arith.constant 0 : i32
    %run_scoped3A_277 = arith.constant 0 : i32
    %run_scoped3A_278 = arith.constant 0 : i32
    "tpu.region"() ({
      %run_scoped3A_324 = tpu.sem_alloc : memref<!tpu.dma_semaphore, #tpu.memory_space<semaphore_mem>>
      %dma_start3A_325 = arith.constant 0 : i32
      %dma_start3A_326 = arith.constant 0 : i32
      %dma_start3A_327 = tpu.memref_slice %arg6[%run_scoped3A_276, %dma_start3A_325, %dma_start3A_326] : memref<2x128x128xf32, #tpu.memory_space<vmem>> -> memref<1x128x128xf32, #tpu.memory_space<vmem>>
      %dma_start3A_328 = tpu.memref_squeeze %dma_start3A_327 : memref<1x128x128xf32, #tpu.memory_space<vmem>> -> memref<128x128xf32, #tpu.memory_space<vmem>>
      %dma_start3A_329 = arith.constant 0 : i32
      %dma_start3A_330 = tpu.memref_slice %arg7[%run_scoped3A_278, %dma_start3A_329] : memref<2x128xi32, #tpu.memory_space<vmem>> -> memref<1x128xi32, #tpu.memory_space<vmem>>
      %dma_start3A_331 = tpu.memref_squeeze %dma_start3A_330 : memref<1x128xi32, #tpu.memory_space<vmem>> -> memref<128xi32, #tpu.memory_space<vmem>>
      %dma_start3A_332 = arith.constant 0 : i32
      %dma_start3A_333 = arith.constant 0 : i32
      %dma_start3A_334 = tpu.memref_slice %arg5[%run_scoped3A_277, %dma_start3A_332, %dma_start3A_333] : memref<2x2048x128xf32, #tpu.memory_space<vmem_shared>> -> memref<1x2048x128xf32, #tpu.memory_space<vmem_shared>>
      %dma_start3A_335 = tpu.memref_squeeze %dma_start3A_334 : memref<1x2048x128xf32, #tpu.memory_space<vmem_shared>> -> memref<2048x128xf32, #tpu.memory_space<vmem_shared>>
      %dma_start3A_336 = arith.constant 0 : i32
      %dma_start3A_337 = arith.constant 0 : i32
      %dma_start3A_338 = tpu.memref_slice %dma_start3A_335[%dma_start3A_336, %dma_start3A_337] : memref<2048x128xf32, #tpu.memory_space<vmem_shared>> -> memref<2048x128xf32, #tpu.memory_space<vmem_shared>>
      tpu.enqueue_indirect_dma source(%dma_start3A_328 : memref<128x128xf32, #tpu.memory_space<vmem>>) target(%dma_start3A_338 : memref<2048x128xf32, #tpu.memory_space<vmem_shared>>) offsets(%dma_start3A_331 : memref<128xi32, #tpu.memory_space<vmem>>) semaphore(%run_scoped3A_324 : memref<!tpu.dma_semaphore, #tpu.memory_space<semaphore_mem>>) {add = true}
      %dma_wait3A_339 = arith.constant 0 : i32
      %dma_wait3A_340 = arith.constant 0 : i32
      %dma_wait3A_341 = tpu.memref_slice %arg6[%run_scoped3A_276, %dma_wait3A_339, %dma_wait3A_340] : memref<2x128x128xf32, #tpu.memory_space<vmem>> -> memref<1x128x128xf32, #tpu.memory_space<vmem>>
      %dma_wait3A_342 = tpu.memref_squeeze %dma_wait3A_341 : memref<1x128x128xf32, #tpu.memory_space<vmem>> -> memref<128x128xf32, #tpu.memory_space<vmem>>
      %dma_wait3A_343 = arith.constant 0 : i32
      %dma_wait3A_344 = tpu.memref_slice %arg7[%run_scoped3A_278, %dma_wait3A_343] : memref<2x128xi32, #tpu.memory_space<vmem>> -> memref<1x128xi32, #tpu.memory_space<vmem>>
      %dma_wait3A_345 = tpu.memref_squeeze %dma_wait3A_344 : memref<1x128xi32, #tpu.memory_space<vmem>> -> memref<128xi32, #tpu.memory_space<vmem>>
      %dma_wait3A_346 = arith.constant 0 : i32
      %dma_wait3A_347 = arith.constant 0 : i32
      %dma_wait3A_348 = tpu.memref_slice %arg5[%run_scoped3A_277, %dma_wait3A_346, %dma_wait3A_347] : memref<2x2048x128xf32, #tpu.memory_space<vmem_shared>> -> memref<1x2048x128xf32, #tpu.memory_space<vmem_shared>>
      %dma_wait3A_349 = tpu.memref_squeeze %dma_wait3A_348 : memref<1x2048x128xf32, #tpu.memory_space<vmem_shared>> -> memref<2048x128xf32, #tpu.memory_space<vmem_shared>>
      %dma_wait3A_350 = arith.constant 0 : i32
      %dma_wait3A_351 = arith.constant 0 : i32
      %dma_wait3A_352 = tpu.memref_slice %dma_wait3A_349[%dma_wait3A_350, %dma_wait3A_351] : memref<2048x128xf32, #tpu.memory_space<vmem_shared>> -> memref<2048x128xf32, #tpu.memory_space<vmem_shared>>
      tpu.wait_indirect_dma semaphore(%run_scoped3A_324 : memref<!tpu.dma_semaphore, #tpu.memory_space<semaphore_mem>>) src(%dma_wait3A_342 : memref<128x128xf32, #tpu.memory_space<vmem>>) dst(%dma_wait3A_352 : memref<2048x128xf32, #tpu.memory_space<vmem_shared>>)
      tpu.yield
    }) : () -> ()
    %barrier3A_279 = arith.constant 0 : index
    tpu.barrier barrier_id(%barrier3A_279)
    %run_scoped3A_280 = arith.constant 0 : i32
    "tpu.region"() ({
      %run_scoped3A_324 = tpu.sem_alloc : memref<!tpu.dma_semaphore, #tpu.memory_space<semaphore_mem>>
      %dma_start3A_325 = arith.constant 0 : i32
      %dma_start3A_326 = tpu.memref_slice %arg4[%add3A_202, %mul3A_0, %dma_start3A_325] : memref<8x2048x128xf32, #tpu.memory_space<hbm>> -> memref<1x128x128xf32, #tpu.memory_space<hbm>>
      %dma_start3A_327 = tpu.memref_squeeze %dma_start3A_326 : memref<1x128x128xf32, #tpu.memory_space<hbm>> -> memref<128x128xf32, #tpu.memory_space<hbm>>
      %dma_start3A_328 = arith.constant 0 : i32
      %dma_start3A_329 = tpu.memref_slice %arg5[%run_scoped3A_280, %mul3A_0, %dma_start3A_328] : memref<2x2048x128xf32, #tpu.memory_space<vmem_shared>> -> memref<1x128x128xf32, #tpu.memory_space<vmem_shared>>
      %dma_start3A_330 = tpu.memref_squeeze %dma_start3A_329 : memref<1x128x128xf32, #tpu.memory_space<vmem_shared>> -> memref<128x128xf32, #tpu.memory_space<vmem_shared>>
      tpu.enqueue_dma source(%dma_start3A_330 : memref<128x128xf32, #tpu.memory_space<vmem_shared>>) target(%dma_start3A_327 : memref<128x128xf32, #tpu.memory_space<hbm>>) target_semaphore(%run_scoped3A_324 : memref<!tpu.dma_semaphore, #tpu.memory_space<semaphore_mem>>)
      %dma_wait3A_331 = arith.constant 0 : i32
      %dma_wait3A_332 = tpu.memref_slice %arg4[%add3A_202, %mul3A_0, %dma_wait3A_331] : memref<8x2048x128xf32, #tpu.memory_space<hbm>> -> memref<1x128x128xf32, #tpu.memory_space<hbm>>
      %dma_wait3A_333 = tpu.memref_squeeze %dma_wait3A_332 : memref<1x128x128xf32, #tpu.memory_space<hbm>> -> memref<128x128xf32, #tpu.memory_space<hbm>>
      %dma_wait3A_334 = arith.constant 0 : i32
      %dma_wait3A_335 = tpu.memref_slice %arg5[%run_scoped3A_280, %mul3A_0, %dma_wait3A_334] : memref<2x2048x128xf32, #tpu.memory_space<vmem_shared>> -> memref<1x128x128xf32, #tpu.memory_space<vmem_shared>>
      %dma_wait3A_336 = tpu.memref_squeeze %dma_wait3A_335 : memref<1x128x128xf32, #tpu.memory_space<vmem_shared>> -> memref<128x128xf32, #tpu.memory_space<vmem_shared>>
      tpu.wait_dma2 semaphore(%run_scoped3A_324 : memref<!tpu.dma_semaphore, #tpu.memory_space<semaphore_mem>>) src(%dma_wait3A_336 : memref<128x128xf32, #tpu.memory_space<vmem_shared>>) dst(%dma_wait3A_333 : memref<128x128xf32, #tpu.memory_space<hbm>>)
      tpu.yield
    }) : () -> ()
    %mul3A_281 = arith.constant 4 : i32
    %mul3A_282 = arith.muli %arg0, %mul3A_281 : i32
    %add3A_283 = arith.constant 3 : i32
    %add3A_284 = arith.addi %mul3A_282, %add3A_283 : i32
    %dma_wait3A_285 = arith.constant 1 : i32
    %dma_wait3A_286 = arith.constant 0 : i32
    %dma_wait3A_287 = tpu.memref_slice %arg5[%dma_wait3A_285, %mul3A_0, %dma_wait3A_286] : memref<2x2048x128xf32, #tpu.memory_space<vmem_shared>> -> memref<1x128x128xf32, #tpu.memory_space<vmem_shared>>
    %dma_wait3A_288 = tpu.memref_squeeze %dma_wait3A_287 : memref<1x128x128xf32, #tpu.memory_space<vmem_shared>> -> memref<128x128xf32, #tpu.memory_space<vmem_shared>>
    %dma_wait3A_289 = arith.constant 0 : i32
    %dma_wait3A_290 = tpu.memref_slice %arg2[%add3A_240, %add3A_242, %dma_wait3A_289] : memref<8x4096x128xf32, #tpu.memory_space<hbm>> -> memref<1x128x128xf32, #tpu.memory_space<hbm>>
    %dma_wait3A_291 = tpu.memref_squeeze %dma_wait3A_290 : memref<1x128x128xf32, #tpu.memory_space<hbm>> -> memref<128x128xf32, #tpu.memory_space<hbm>>
    tpu.wait_dma2 semaphore(%arg8 : memref<!tpu.dma_semaphore, #tpu.memory_space<semaphore_mem>>) src(%dma_wait3A_291 : memref<128x128xf32, #tpu.memory_space<hbm>>) dst(%dma_wait3A_288 : memref<128x128xf32, #tpu.memory_space<vmem_shared>>)
    %dma_wait3A_292 = arith.constant 1 : i32
    %dma_wait3A_293 = arith.constant 0 : i32
    %dma_wait3A_294 = tpu.memref_slice %arg7[%dma_wait3A_292, %dma_wait3A_293] : memref<2x128xi32, #tpu.memory_space<vmem>> -> memref<1x128xi32, #tpu.memory_space<vmem>>
    %dma_wait3A_295 = tpu.memref_squeeze %dma_wait3A_294 : memref<1x128xi32, #tpu.memory_space<vmem>> -> memref<128xi32, #tpu.memory_space<vmem>>
    %dma_wait3A_296 = tpu.memref_slice %arg3[%add3A_240, %mul3A_0] : memref<8x2048xi32, #tpu.memory_space<hbm>> -> memref<1x128xi32, #tpu.memory_space<hbm>>
    %dma_wait3A_297 = tpu.memref_squeeze %dma_wait3A_296 : memref<1x128xi32, #tpu.memory_space<hbm>> -> memref<128xi32, #tpu.memory_space<hbm>>
    %dma_wait3A_298 = arith.constant 0 : i32
    %dma_wait3A_299 = tpu.memref_slice %arg7[%dma_wait3A_292, %dma_wait3A_298] : memref<2x128xi32, #tpu.memory_space<vmem>> -> memref<1x128xi32, #tpu.memory_space<vmem>>
    %dma_wait3A_300 = tpu.memref_squeeze %dma_wait3A_299 : memref<1x128xi32, #tpu.memory_space<vmem>> -> memref<128xi32, #tpu.memory_space<vmem>>
    %dma_wait3A_301 = tpu.memref_slice %arg3[%add3A_240, %mul3A_0] : memref<8x2048xi32, #tpu.memory_space<hbm>> -> memref<1x128xi32, #tpu.memory_space<hbm>>
    %dma_wait3A_302 = tpu.memref_squeeze %dma_wait3A_301 : memref<1x128xi32, #tpu.memory_space<hbm>> -> memref<128xi32, #tpu.memory_space<hbm>>
    tpu.wait_dma2 semaphore(%arg8 : memref<!tpu.dma_semaphore, #tpu.memory_space<semaphore_mem>>) src(%dma_wait3A_302 : memref<128xi32, #tpu.memory_space<hbm>>) dst(%dma_wait3A_300 : memref<128xi32, #tpu.memory_space<vmem>>)
    %dma_wait3A_303 = arith.constant 1 : i32
    %dma_wait3A_304 = arith.constant 0 : i32
    %dma_wait3A_305 = arith.constant 0 : i32
    %dma_wait3A_306 = tpu.memref_slice %arg6[%dma_wait3A_303, %dma_wait3A_304, %dma_wait3A_305] : memref<2x128x128xf32, #tpu.memory_space<vmem>> -> memref<1x128x128xf32, #tpu.memory_space<vmem>>
    %dma_wait3A_307 = tpu.memref_squeeze %dma_wait3A_306 : memref<1x128x128xf32, #tpu.memory_space<vmem>> -> memref<128x128xf32, #tpu.memory_space<vmem>>
    %dma_wait3A_308 = arith.constant 0 : i32
    %dma_wait3A_309 = tpu.memref_slice %arg2[%add3A_240, %mul3A_0, %dma_wait3A_308] : memref<8x4096x128xf32, #tpu.memory_space<hbm>> -> memref<1x128x128xf32, #tpu.memory_space<hbm>>
    %dma_wait3A_310 = tpu.memref_squeeze %dma_wait3A_309 : memref<1x128x128xf32, #tpu.memory_space<hbm>> -> memref<128x128xf32, #tpu.memory_space<hbm>>
    %dma_wait3A_311 = arith.constant 0 : i32
    %dma_wait3A_312 = arith.constant 0 : i32
    %dma_wait3A_313 = tpu.memref_slice %arg6[%dma_wait3A_303, %dma_wait3A_311, %dma_wait3A_312] : memref<2x128x128xf32, #tpu.memory_space<vmem>> -> memref<1x128x128xf32, #tpu.memory_space<vmem>>
    %dma_wait3A_314 = tpu.memref_squeeze %dma_wait3A_313 : memref<1x128x128xf32, #tpu.memory_space<vmem>> -> memref<128x128xf32, #tpu.memory_space<vmem>>
    %dma_wait3A_315 = arith.constant 0 : i32
    %dma_wait3A_316 = tpu.memref_slice %arg2[%add3A_240, %mul3A_0, %dma_wait3A_315] : memref<8x4096x128xf32, #tpu.memory_space<hbm>> -> memref<1x128x128xf32, #tpu.memory_space<hbm>>
    %dma_wait3A_317 = tpu.memref_squeeze %dma_wait3A_316 : memref<1x128x128xf32, #tpu.memory_space<hbm>> -> memref<128x128xf32, #tpu.memory_space<hbm>>
    tpu.wait_dma2 semaphore(%arg8 : memref<!tpu.dma_semaphore, #tpu.memory_space<semaphore_mem>>) src(%dma_wait3A_317 : memref<128x128xf32, #tpu.memory_space<hbm>>) dst(%dma_wait3A_314 : memref<128x128xf32, #tpu.memory_space<vmem>>)
    %barrier3A_318 = arith.constant 0 : index
    tpu.barrier barrier_id(%barrier3A_318)
    %run_scoped3A_319 = arith.constant 1 : i32
    %run_scoped3A_320 = arith.constant 1 : i32
    %run_scoped3A_321 = arith.constant 1 : i32
    "tpu.region"() ({
      %run_scoped3A_324 = tpu.sem_alloc : memref<!tpu.dma_semaphore, #tpu.memory_space<semaphore_mem>>
      %dma_start3A_325 = arith.constant 0 : i32
      %dma_start3A_326 = arith.constant 0 : i32
      %dma_start3A_327 = tpu.memref_slice %arg6[%run_scoped3A_319, %dma_start3A_325, %dma_start3A_326] : memref<2x128x128xf32, #tpu.memory_space<vmem>> -> memref<1x128x128xf32, #tpu.memory_space<vmem>>
      %dma_start3A_328 = tpu.memref_squeeze %dma_start3A_327 : memref<1x128x128xf32, #tpu.memory_space<vmem>> -> memref<128x128xf32, #tpu.memory_space<vmem>>
      %dma_start3A_329 = arith.constant 0 : i32
      %dma_start3A_330 = tpu.memref_slice %arg7[%run_scoped3A_321, %dma_start3A_329] : memref<2x128xi32, #tpu.memory_space<vmem>> -> memref<1x128xi32, #tpu.memory_space<vmem>>
      %dma_start3A_331 = tpu.memref_squeeze %dma_start3A_330 : memref<1x128xi32, #tpu.memory_space<vmem>> -> memref<128xi32, #tpu.memory_space<vmem>>
      %dma_start3A_332 = arith.constant 0 : i32
      %dma_start3A_333 = arith.constant 0 : i32
      %dma_start3A_334 = tpu.memref_slice %arg5[%run_scoped3A_320, %dma_start3A_332, %dma_start3A_333] : memref<2x2048x128xf32, #tpu.memory_space<vmem_shared>> -> memref<1x2048x128xf32, #tpu.memory_space<vmem_shared>>
      %dma_start3A_335 = tpu.memref_squeeze %dma_start3A_334 : memref<1x2048x128xf32, #tpu.memory_space<vmem_shared>> -> memref<2048x128xf32, #tpu.memory_space<vmem_shared>>
      %dma_start3A_336 = arith.constant 0 : i32
      %dma_start3A_337 = arith.constant 0 : i32
      %dma_start3A_338 = tpu.memref_slice %dma_start3A_335[%dma_start3A_336, %dma_start3A_337] : memref<2048x128xf32, #tpu.memory_space<vmem_shared>> -> memref<2048x128xf32, #tpu.memory_space<vmem_shared>>
      tpu.enqueue_indirect_dma source(%dma_start3A_328 : memref<128x128xf32, #tpu.memory_space<vmem>>) target(%dma_start3A_338 : memref<2048x128xf32, #tpu.memory_space<vmem_shared>>) offsets(%dma_start3A_331 : memref<128xi32, #tpu.memory_space<vmem>>) semaphore(%run_scoped3A_324 : memref<!tpu.dma_semaphore, #tpu.memory_space<semaphore_mem>>) {add = true}
      %dma_wait3A_339 = arith.constant 0 : i32
      %dma_wait3A_340 = arith.constant 0 : i32
      %dma_wait3A_341 = tpu.memref_slice %arg6[%run_scoped3A_319, %dma_wait3A_339, %dma_wait3A_340] : memref<2x128x128xf32, #tpu.memory_space<vmem>> -> memref<1x128x128xf32, #tpu.memory_space<vmem>>
      %dma_wait3A_342 = tpu.memref_squeeze %dma_wait3A_341 : memref<1x128x128xf32, #tpu.memory_space<vmem>> -> memref<128x128xf32, #tpu.memory_space<vmem>>
      %dma_wait3A_343 = arith.constant 0 : i32
      %dma_wait3A_344 = tpu.memref_slice %arg7[%run_scoped3A_321, %dma_wait3A_343] : memref<2x128xi32, #tpu.memory_space<vmem>> -> memref<1x128xi32, #tpu.memory_space<vmem>>
      %dma_wait3A_345 = tpu.memref_squeeze %dma_wait3A_344 : memref<1x128xi32, #tpu.memory_space<vmem>> -> memref<128xi32, #tpu.memory_space<vmem>>
      %dma_wait3A_346 = arith.constant 0 : i32
      %dma_wait3A_347 = arith.constant 0 : i32
      %dma_wait3A_348 = tpu.memref_slice %arg5[%run_scoped3A_320, %dma_wait3A_346, %dma_wait3A_347] : memref<2x2048x128xf32, #tpu.memory_space<vmem_shared>> -> memref<1x2048x128xf32, #tpu.memory_space<vmem_shared>>
      %dma_wait3A_349 = tpu.memref_squeeze %dma_wait3A_348 : memref<1x2048x128xf32, #tpu.memory_space<vmem_shared>> -> memref<2048x128xf32, #tpu.memory_space<vmem_shared>>
      %dma_wait3A_350 = arith.constant 0 : i32
      %dma_wait3A_351 = arith.constant 0 : i32
      %dma_wait3A_352 = tpu.memref_slice %dma_wait3A_349[%dma_wait3A_350, %dma_wait3A_351] : memref<2048x128xf32, #tpu.memory_space<vmem_shared>> -> memref<2048x128xf32, #tpu.memory_space<vmem_shared>>
      tpu.wait_indirect_dma semaphore(%run_scoped3A_324 : memref<!tpu.dma_semaphore, #tpu.memory_space<semaphore_mem>>) src(%dma_wait3A_342 : memref<128x128xf32, #tpu.memory_space<vmem>>) dst(%dma_wait3A_352 : memref<2048x128xf32, #tpu.memory_space<vmem_shared>>)
      tpu.yield
    }) : () -> ()
    %barrier3A_322 = arith.constant 0 : index
    tpu.barrier barrier_id(%barrier3A_322)
    %run_scoped3A_323 = arith.constant 1 : i32
    "tpu.region"() ({
      %run_scoped3A_324 = tpu.sem_alloc : memref<!tpu.dma_semaphore, #tpu.memory_space<semaphore_mem>>
      %dma_start3A_325 = arith.constant 0 : i32
      %dma_start3A_326 = tpu.memref_slice %arg4[%add3A_284, %mul3A_0, %dma_start3A_325] : memref<8x2048x128xf32, #tpu.memory_space<hbm>> -> memref<1x128x128xf32, #tpu.memory_space<hbm>>
      %dma_start3A_327 = tpu.memref_squeeze %dma_start3A_326 : memref<1x128x128xf32, #tpu.memory_space<hbm>> -> memref<128x128xf32, #tpu.memory_space<hbm>>
      %dma_start3A_328 = arith.constant 0 : i32
      %dma_start3A_329 = tpu.memref_slice %arg5[%run_scoped3A_323, %mul3A_0, %dma_start3A_328] : memref<2x2048x128xf32, #tpu.memory_space<vmem_shared>> -> memref<1x128x128xf32, #tpu.memory_space<vmem_shared>>
      %dma_start3A_330 = tpu.memref_squeeze %dma_start3A_329 : memref<1x128x128xf32, #tpu.memory_space<vmem_shared>> -> memref<128x128xf32, #tpu.memory_space<vmem_shared>>
      tpu.enqueue_dma source(%dma_start3A_330 : memref<128x128xf32, #tpu.memory_space<vmem_shared>>) target(%dma_start3A_327 : memref<128x128xf32, #tpu.memory_space<hbm>>) target_semaphore(%run_scoped3A_324 : memref<!tpu.dma_semaphore, #tpu.memory_space<semaphore_mem>>)
      %dma_wait3A_331 = arith.constant 0 : i32
      %dma_wait3A_332 = tpu.memref_slice %arg4[%add3A_284, %mul3A_0, %dma_wait3A_331] : memref<8x2048x128xf32, #tpu.memory_space<hbm>> -> memref<1x128x128xf32, #tpu.memory_space<hbm>>
      %dma_wait3A_333 = tpu.memref_squeeze %dma_wait3A_332 : memref<1x128x128xf32, #tpu.memory_space<hbm>> -> memref<128x128xf32, #tpu.memory_space<hbm>>
      %dma_wait3A_334 = arith.constant 0 : i32
      %dma_wait3A_335 = tpu.memref_slice %arg5[%run_scoped3A_323, %mul3A_0, %dma_wait3A_334] : memref<2x2048x128xf32, #tpu.memory_space<vmem_shared>> -> memref<1x128x128xf32, #tpu.memory_space<vmem_shared>>
      %dma_wait3A_336 = tpu.memref_squeeze %dma_wait3A_335 : memref<1x128x128xf32, #tpu.memory_space<vmem_shared>> -> memref<128x128xf32, #tpu.memory_space<vmem_shared>>
      tpu.wait_dma2 semaphore(%run_scoped3A_324 : memref<!tpu.dma_semaphore, #tpu.memory_space<semaphore_mem>>) src(%dma_wait3A_336 : memref<128x128xf32, #tpu.memory_space<vmem_shared>>) dst(%dma_wait3A_333 : memref<128x128xf32, #tpu.memory_space<hbm>>)
      tpu.yield
    }) : () -> ()
    return
  }
}

#map = affine_map<(d0, d1) -> (0, 0, 0)>
#map1 = affine_map<(d0, d1) -> (0, 0)>
module attributes {stable_mosaic.version = 14 : i64} {
  func.func @merge(%arg0: i32, %arg1: i32, %arg2: memref<8x2048x128xf32, #tpu.memory_space<hbm>>, %arg3: memref<8x1024xi32, #tpu.memory_space<hbm>>, %arg4: memref<8x1024x128xf32, #tpu.memory_space<hbm>>, %arg5: memref<2x1024x128xf32, #tpu.memory_space<vmem_shared>>, %arg6: memref<2x64x128xf32, #tpu.memory_space<vmem>>, %arg7: memref<2x64xi32, #tpu.memory_space<vmem>>, %arg8: memref<!tpu.dma_semaphore, #tpu.memory_space<semaphore_mem>>) attributes {dimension_semantics = [#tpu.dimension_semantics<core_parallel>, #tpu.dimension_semantics<subcore_parallel>], iteration_bounds = array<i64: 2, 16>, scalar_prefetch = 0 : i64, scratch_operands = 4 : i64, tpu.core_type = #tpu.core_type<sc_vector_subcore>, window_params = [{transform_indices = #map}, {transform_indices = #map1}, {transform_indices = #map}]} {
    %mul3A = arith.constant 64 : i32
    %mul3A_0 = arith.muli %arg1, %mul3A : i32
    %mul3A_1 = arith.constant 4 : i32
    %mul3A_2 = arith.muli %arg0, %mul3A_1 : i32
    %add3A = arith.constant 0 : i32
    %add3A_3 = arith.addi %mul3A_2, %add3A : i32
    %add3A_4 = arith.constant 1024 : i32
    %add3A_5 = arith.addi %add3A_4, %mul3A_0 : i32
    %dma_start3A = arith.constant 0 : i32
    %dma_start3A_6 = arith.constant 0 : i32
    %dma_start3A_7 = tpu.memref_slice %arg5[%dma_start3A, %mul3A_0, %dma_start3A_6] : memref<2x1024x128xf32, #tpu.memory_space<vmem_shared>> -> memref<1x64x128xf32, #tpu.memory_space<vmem_shared>>
    %dma_start3A_8 = tpu.memref_squeeze %dma_start3A_7 : memref<1x64x128xf32, #tpu.memory_space<vmem_shared>> -> memref<64x128xf32, #tpu.memory_space<vmem_shared>>
    %dma_start3A_9 = arith.constant 0 : i32
    %dma_start3A_10 = tpu.memref_slice %arg2[%add3A_3, %add3A_5, %dma_start3A_9] : memref<8x2048x128xf32, #tpu.memory_space<hbm>> -> memref<1x64x128xf32, #tpu.memory_space<hbm>>
    %dma_start3A_11 = tpu.memref_squeeze %dma_start3A_10 : memref<1x64x128xf32, #tpu.memory_space<hbm>> -> memref<64x128xf32, #tpu.memory_space<hbm>>
    tpu.enqueue_dma source(%dma_start3A_11 : memref<64x128xf32, #tpu.memory_space<hbm>>) target(%dma_start3A_8 : memref<64x128xf32, #tpu.memory_space<vmem_shared>>) target_semaphore(%arg8 : memref<!tpu.dma_semaphore, #tpu.memory_space<semaphore_mem>>)
    %dma_start3A_12 = arith.constant 0 : i32
    %dma_start3A_13 = arith.constant 0 : i32
    %dma_start3A_14 = tpu.memref_slice %arg7[%dma_start3A_12, %dma_start3A_13] : memref<2x64xi32, #tpu.memory_space<vmem>> -> memref<1x64xi32, #tpu.memory_space<vmem>>
    %dma_start3A_15 = tpu.memref_squeeze %dma_start3A_14 : memref<1x64xi32, #tpu.memory_space<vmem>> -> memref<64xi32, #tpu.memory_space<vmem>>
    %dma_start3A_16 = tpu.memref_slice %arg3[%add3A_3, %mul3A_0] : memref<8x1024xi32, #tpu.memory_space<hbm>> -> memref<1x64xi32, #tpu.memory_space<hbm>>
    %dma_start3A_17 = tpu.memref_squeeze %dma_start3A_16 : memref<1x64xi32, #tpu.memory_space<hbm>> -> memref<64xi32, #tpu.memory_space<hbm>>
    %dma_start3A_18 = arith.constant 0 : i32
    %dma_start3A_19 = tpu.memref_slice %arg7[%dma_start3A_12, %dma_start3A_18] : memref<2x64xi32, #tpu.memory_space<vmem>> -> memref<1x64xi32, #tpu.memory_space<vmem>>
    %dma_start3A_20 = tpu.memref_squeeze %dma_start3A_19 : memref<1x64xi32, #tpu.memory_space<vmem>> -> memref<64xi32, #tpu.memory_space<vmem>>
    %dma_start3A_21 = tpu.memref_slice %arg3[%add3A_3, %mul3A_0] : memref<8x1024xi32, #tpu.memory_space<hbm>> -> memref<1x64xi32, #tpu.memory_space<hbm>>
    %dma_start3A_22 = tpu.memref_squeeze %dma_start3A_21 : memref<1x64xi32, #tpu.memory_space<hbm>> -> memref<64xi32, #tpu.memory_space<hbm>>
    tpu.enqueue_dma source(%dma_start3A_22 : memref<64xi32, #tpu.memory_space<hbm>>) target(%dma_start3A_20 : memref<64xi32, #tpu.memory_space<vmem>>) target_semaphore(%arg8 : memref<!tpu.dma_semaphore, #tpu.memory_space<semaphore_mem>>)
    %dma_start3A_23 = arith.constant 0 : i32
    %dma_start3A_24 = arith.constant 0 : i32
    %dma_start3A_25 = arith.constant 0 : i32
    %dma_start3A_26 = tpu.memref_slice %arg6[%dma_start3A_23, %dma_start3A_24, %dma_start3A_25] : memref<2x64x128xf32, #tpu.memory_space<vmem>> -> memref<1x64x128xf32, #tpu.memory_space<vmem>>
    %dma_start3A_27 = tpu.memref_squeeze %dma_start3A_26 : memref<1x64x128xf32, #tpu.memory_space<vmem>> -> memref<64x128xf32, #tpu.memory_space<vmem>>
    %dma_start3A_28 = arith.constant 0 : i32
    %dma_start3A_29 = tpu.memref_slice %arg2[%add3A_3, %mul3A_0, %dma_start3A_28] : memref<8x2048x128xf32, #tpu.memory_space<hbm>> -> memref<1x64x128xf32, #tpu.memory_space<hbm>>
    %dma_start3A_30 = tpu.memref_squeeze %dma_start3A_29 : memref<1x64x128xf32, #tpu.memory_space<hbm>> -> memref<64x128xf32, #tpu.memory_space<hbm>>
    %dma_start3A_31 = arith.constant 0 : i32
    %dma_start3A_32 = arith.constant 0 : i32
    %dma_start3A_33 = tpu.memref_slice %arg6[%dma_start3A_23, %dma_start3A_31, %dma_start3A_32] : memref<2x64x128xf32, #tpu.memory_space<vmem>> -> memref<1x64x128xf32, #tpu.memory_space<vmem>>
    %dma_start3A_34 = tpu.memref_squeeze %dma_start3A_33 : memref<1x64x128xf32, #tpu.memory_space<vmem>> -> memref<64x128xf32, #tpu.memory_space<vmem>>
    %dma_start3A_35 = arith.constant 0 : i32
    %dma_start3A_36 = tpu.memref_slice %arg2[%add3A_3, %mul3A_0, %dma_start3A_35] : memref<8x2048x128xf32, #tpu.memory_space<hbm>> -> memref<1x64x128xf32, #tpu.memory_space<hbm>>
    %dma_start3A_37 = tpu.memref_squeeze %dma_start3A_36 : memref<1x64x128xf32, #tpu.memory_space<hbm>> -> memref<64x128xf32, #tpu.memory_space<hbm>>
    tpu.enqueue_dma source(%dma_start3A_37 : memref<64x128xf32, #tpu.memory_space<hbm>>) target(%dma_start3A_34 : memref<64x128xf32, #tpu.memory_space<vmem>>) target_semaphore(%arg8 : memref<!tpu.dma_semaphore, #tpu.memory_space<semaphore_mem>>)
    %mul3A_38 = arith.constant 4 : i32
    %mul3A_39 = arith.muli %arg0, %mul3A_38 : i32
    %add3A_40 = arith.constant 0 : i32
    %add3A_41 = arith.addi %mul3A_39, %add3A_40 : i32
    %dma_wait3A = arith.constant 0 : i32
    %dma_wait3A_42 = arith.constant 0 : i32
    %dma_wait3A_43 = tpu.memref_slice %arg5[%dma_wait3A, %mul3A_0, %dma_wait3A_42] : memref<2x1024x128xf32, #tpu.memory_space<vmem_shared>> -> memref<1x64x128xf32, #tpu.memory_space<vmem_shared>>
    %dma_wait3A_44 = tpu.memref_squeeze %dma_wait3A_43 : memref<1x64x128xf32, #tpu.memory_space<vmem_shared>> -> memref<64x128xf32, #tpu.memory_space<vmem_shared>>
    %dma_wait3A_45 = arith.constant 0 : i32
    %dma_wait3A_46 = tpu.memref_slice %arg2[%add3A_3, %add3A_5, %dma_wait3A_45] : memref<8x2048x128xf32, #tpu.memory_space<hbm>> -> memref<1x64x128xf32, #tpu.memory_space<hbm>>
    %dma_wait3A_47 = tpu.memref_squeeze %dma_wait3A_46 : memref<1x64x128xf32, #tpu.memory_space<hbm>> -> memref<64x128xf32, #tpu.memory_space<hbm>>
    tpu.wait_dma2 semaphore(%arg8 : memref<!tpu.dma_semaphore, #tpu.memory_space<semaphore_mem>>) src(%dma_wait3A_47 : memref<64x128xf32, #tpu.memory_space<hbm>>) dst(%dma_wait3A_44 : memref<64x128xf32, #tpu.memory_space<vmem_shared>>)
    %dma_wait3A_48 = arith.constant 0 : i32
    %dma_wait3A_49 = arith.constant 0 : i32
    %dma_wait3A_50 = tpu.memref_slice %arg7[%dma_wait3A_48, %dma_wait3A_49] : memref<2x64xi32, #tpu.memory_space<vmem>> -> memref<1x64xi32, #tpu.memory_space<vmem>>
    %dma_wait3A_51 = tpu.memref_squeeze %dma_wait3A_50 : memref<1x64xi32, #tpu.memory_space<vmem>> -> memref<64xi32, #tpu.memory_space<vmem>>
    %dma_wait3A_52 = tpu.memref_slice %arg3[%add3A_3, %mul3A_0] : memref<8x1024xi32, #tpu.memory_space<hbm>> -> memref<1x64xi32, #tpu.memory_space<hbm>>
    %dma_wait3A_53 = tpu.memref_squeeze %dma_wait3A_52 : memref<1x64xi32, #tpu.memory_space<hbm>> -> memref<64xi32, #tpu.memory_space<hbm>>
    %dma_wait3A_54 = arith.constant 0 : i32
    %dma_wait3A_55 = tpu.memref_slice %arg7[%dma_wait3A_48, %dma_wait3A_54] : memref<2x64xi32, #tpu.memory_space<vmem>> -> memref<1x64xi32, #tpu.memory_space<vmem>>
    %dma_wait3A_56 = tpu.memref_squeeze %dma_wait3A_55 : memref<1x64xi32, #tpu.memory_space<vmem>> -> memref<64xi32, #tpu.memory_space<vmem>>
    %dma_wait3A_57 = tpu.memref_slice %arg3[%add3A_3, %mul3A_0] : memref<8x1024xi32, #tpu.memory_space<hbm>> -> memref<1x64xi32, #tpu.memory_space<hbm>>
    %dma_wait3A_58 = tpu.memref_squeeze %dma_wait3A_57 : memref<1x64xi32, #tpu.memory_space<hbm>> -> memref<64xi32, #tpu.memory_space<hbm>>
    tpu.wait_dma2 semaphore(%arg8 : memref<!tpu.dma_semaphore, #tpu.memory_space<semaphore_mem>>) src(%dma_wait3A_58 : memref<64xi32, #tpu.memory_space<hbm>>) dst(%dma_wait3A_56 : memref<64xi32, #tpu.memory_space<vmem>>)
    %dma_wait3A_59 = arith.constant 0 : i32
    %dma_wait3A_60 = arith.constant 0 : i32
    %dma_wait3A_61 = arith.constant 0 : i32
    %dma_wait3A_62 = tpu.memref_slice %arg6[%dma_wait3A_59, %dma_wait3A_60, %dma_wait3A_61] : memref<2x64x128xf32, #tpu.memory_space<vmem>> -> memref<1x64x128xf32, #tpu.memory_space<vmem>>
    %dma_wait3A_63 = tpu.memref_squeeze %dma_wait3A_62 : memref<1x64x128xf32, #tpu.memory_space<vmem>> -> memref<64x128xf32, #tpu.memory_space<vmem>>
    %dma_wait3A_64 = arith.constant 0 : i32
    %dma_wait3A_65 = tpu.memref_slice %arg2[%add3A_3, %mul3A_0, %dma_wait3A_64] : memref<8x2048x128xf32, #tpu.memory_space<hbm>> -> memref<1x64x128xf32, #tpu.memory_space<hbm>>
    %dma_wait3A_66 = tpu.memref_squeeze %dma_wait3A_65 : memref<1x64x128xf32, #tpu.memory_space<hbm>> -> memref<64x128xf32, #tpu.memory_space<hbm>>
    %dma_wait3A_67 = arith.constant 0 : i32
    %dma_wait3A_68 = arith.constant 0 : i32
    %dma_wait3A_69 = tpu.memref_slice %arg6[%dma_wait3A_59, %dma_wait3A_67, %dma_wait3A_68] : memref<2x64x128xf32, #tpu.memory_space<vmem>> -> memref<1x64x128xf32, #tpu.memory_space<vmem>>
    %dma_wait3A_70 = tpu.memref_squeeze %dma_wait3A_69 : memref<1x64x128xf32, #tpu.memory_space<vmem>> -> memref<64x128xf32, #tpu.memory_space<vmem>>
    %dma_wait3A_71 = arith.constant 0 : i32
    %dma_wait3A_72 = tpu.memref_slice %arg2[%add3A_3, %mul3A_0, %dma_wait3A_71] : memref<8x2048x128xf32, #tpu.memory_space<hbm>> -> memref<1x64x128xf32, #tpu.memory_space<hbm>>
    %dma_wait3A_73 = tpu.memref_squeeze %dma_wait3A_72 : memref<1x64x128xf32, #tpu.memory_space<hbm>> -> memref<64x128xf32, #tpu.memory_space<hbm>>
    tpu.wait_dma2 semaphore(%arg8 : memref<!tpu.dma_semaphore, #tpu.memory_space<semaphore_mem>>) src(%dma_wait3A_73 : memref<64x128xf32, #tpu.memory_space<hbm>>) dst(%dma_wait3A_70 : memref<64x128xf32, #tpu.memory_space<vmem>>)
    %barrier3A = arith.constant 0 : index
    tpu.barrier barrier_id(%barrier3A)
    %mul3A_74 = arith.constant 4 : i32
    %mul3A_75 = arith.muli %arg0, %mul3A_74 : i32
    %add3A_76 = arith.constant 1 : i32
    %add3A_77 = arith.addi %mul3A_75, %add3A_76 : i32
    %add3A_78 = arith.constant 1024 : i32
    %add3A_79 = arith.addi %add3A_78, %mul3A_0 : i32
    %dma_start3A_80 = arith.constant 1 : i32
    %dma_start3A_81 = arith.constant 0 : i32
    %dma_start3A_82 = tpu.memref_slice %arg5[%dma_start3A_80, %mul3A_0, %dma_start3A_81] : memref<2x1024x128xf32, #tpu.memory_space<vmem_shared>> -> memref<1x64x128xf32, #tpu.memory_space<vmem_shared>>
    %dma_start3A_83 = tpu.memref_squeeze %dma_start3A_82 : memref<1x64x128xf32, #tpu.memory_space<vmem_shared>> -> memref<64x128xf32, #tpu.memory_space<vmem_shared>>
    %dma_start3A_84 = arith.constant 0 : i32
    %dma_start3A_85 = tpu.memref_slice %arg2[%add3A_77, %add3A_79, %dma_start3A_84] : memref<8x2048x128xf32, #tpu.memory_space<hbm>> -> memref<1x64x128xf32, #tpu.memory_space<hbm>>
    %dma_start3A_86 = tpu.memref_squeeze %dma_start3A_85 : memref<1x64x128xf32, #tpu.memory_space<hbm>> -> memref<64x128xf32, #tpu.memory_space<hbm>>
    tpu.enqueue_dma source(%dma_start3A_86 : memref<64x128xf32, #tpu.memory_space<hbm>>) target(%dma_start3A_83 : memref<64x128xf32, #tpu.memory_space<vmem_shared>>) target_semaphore(%arg8 : memref<!tpu.dma_semaphore, #tpu.memory_space<semaphore_mem>>)
    %dma_start3A_87 = arith.constant 1 : i32
    %dma_start3A_88 = arith.constant 0 : i32
    %dma_start3A_89 = tpu.memref_slice %arg7[%dma_start3A_87, %dma_start3A_88] : memref<2x64xi32, #tpu.memory_space<vmem>> -> memref<1x64xi32, #tpu.memory_space<vmem>>
    %dma_start3A_90 = tpu.memref_squeeze %dma_start3A_89 : memref<1x64xi32, #tpu.memory_space<vmem>> -> memref<64xi32, #tpu.memory_space<vmem>>
    %dma_start3A_91 = tpu.memref_slice %arg3[%add3A_77, %mul3A_0] : memref<8x1024xi32, #tpu.memory_space<hbm>> -> memref<1x64xi32, #tpu.memory_space<hbm>>
    %dma_start3A_92 = tpu.memref_squeeze %dma_start3A_91 : memref<1x64xi32, #tpu.memory_space<hbm>> -> memref<64xi32, #tpu.memory_space<hbm>>
    %dma_start3A_93 = arith.constant 0 : i32
    %dma_start3A_94 = tpu.memref_slice %arg7[%dma_start3A_87, %dma_start3A_93] : memref<2x64xi32, #tpu.memory_space<vmem>> -> memref<1x64xi32, #tpu.memory_space<vmem>>
    %dma_start3A_95 = tpu.memref_squeeze %dma_start3A_94 : memref<1x64xi32, #tpu.memory_space<vmem>> -> memref<64xi32, #tpu.memory_space<vmem>>
    %dma_start3A_96 = tpu.memref_slice %arg3[%add3A_77, %mul3A_0] : memref<8x1024xi32, #tpu.memory_space<hbm>> -> memref<1x64xi32, #tpu.memory_space<hbm>>
    %dma_start3A_97 = tpu.memref_squeeze %dma_start3A_96 : memref<1x64xi32, #tpu.memory_space<hbm>> -> memref<64xi32, #tpu.memory_space<hbm>>
    tpu.enqueue_dma source(%dma_start3A_97 : memref<64xi32, #tpu.memory_space<hbm>>) target(%dma_start3A_95 : memref<64xi32, #tpu.memory_space<vmem>>) target_semaphore(%arg8 : memref<!tpu.dma_semaphore, #tpu.memory_space<semaphore_mem>>)
    %dma_start3A_98 = arith.constant 1 : i32
    %dma_start3A_99 = arith.constant 0 : i32
    %dma_start3A_100 = arith.constant 0 : i32
    %dma_start3A_101 = tpu.memref_slice %arg6[%dma_start3A_98, %dma_start3A_99, %dma_start3A_100] : memref<2x64x128xf32, #tpu.memory_space<vmem>> -> memref<1x64x128xf32, #tpu.memory_space<vmem>>
    %dma_start3A_102 = tpu.memref_squeeze %dma_start3A_101 : memref<1x64x128xf32, #tpu.memory_space<vmem>> -> memref<64x128xf32, #tpu.memory_space<vmem>>
    %dma_start3A_103 = arith.constant 0 : i32
    %dma_start3A_104 = tpu.memref_slice %arg2[%add3A_77, %mul3A_0, %dma_start3A_103] : memref<8x2048x128xf32, #tpu.memory_space<hbm>> -> memref<1x64x128xf32, #tpu.memory_space<hbm>>
    %dma_start3A_105 = tpu.memref_squeeze %dma_start3A_104 : memref<1x64x128xf32, #tpu.memory_space<hbm>> -> memref<64x128xf32, #tpu.memory_space<hbm>>
    %dma_start3A_106 = arith.constant 0 : i32
    %dma_start3A_107 = arith.constant 0 : i32
    %dma_start3A_108 = tpu.memref_slice %arg6[%dma_start3A_98, %dma_start3A_106, %dma_start3A_107] : memref<2x64x128xf32, #tpu.memory_space<vmem>> -> memref<1x64x128xf32, #tpu.memory_space<vmem>>
    %dma_start3A_109 = tpu.memref_squeeze %dma_start3A_108 : memref<1x64x128xf32, #tpu.memory_space<vmem>> -> memref<64x128xf32, #tpu.memory_space<vmem>>
    %dma_start3A_110 = arith.constant 0 : i32
    %dma_start3A_111 = tpu.memref_slice %arg2[%add3A_77, %mul3A_0, %dma_start3A_110] : memref<8x2048x128xf32, #tpu.memory_space<hbm>> -> memref<1x64x128xf32, #tpu.memory_space<hbm>>
    %dma_start3A_112 = tpu.memref_squeeze %dma_start3A_111 : memref<1x64x128xf32, #tpu.memory_space<hbm>> -> memref<64x128xf32, #tpu.memory_space<hbm>>
    tpu.enqueue_dma source(%dma_start3A_112 : memref<64x128xf32, #tpu.memory_space<hbm>>) target(%dma_start3A_109 : memref<64x128xf32, #tpu.memory_space<vmem>>) target_semaphore(%arg8 : memref<!tpu.dma_semaphore, #tpu.memory_space<semaphore_mem>>)
    %run_scoped3A = arith.constant 0 : i32
    %run_scoped3A_113 = arith.constant 0 : i32
    %run_scoped3A_114 = arith.constant 0 : i32
    "tpu.region"() ({
      %run_scoped3A_324 = tpu.sem_alloc : memref<!tpu.dma_semaphore, #tpu.memory_space<semaphore_mem>>
      %dma_start3A_325 = arith.constant 0 : i32
      %dma_start3A_326 = arith.constant 0 : i32
      %dma_start3A_327 = tpu.memref_slice %arg6[%run_scoped3A, %dma_start3A_325, %dma_start3A_326] : memref<2x64x128xf32, #tpu.memory_space<vmem>> -> memref<1x64x128xf32, #tpu.memory_space<vmem>>
      %dma_start3A_328 = tpu.memref_squeeze %dma_start3A_327 : memref<1x64x128xf32, #tpu.memory_space<vmem>> -> memref<64x128xf32, #tpu.memory_space<vmem>>
      %dma_start3A_329 = arith.constant 0 : i32
      %dma_start3A_330 = tpu.memref_slice %arg7[%run_scoped3A_114, %dma_start3A_329] : memref<2x64xi32, #tpu.memory_space<vmem>> -> memref<1x64xi32, #tpu.memory_space<vmem>>
      %dma_start3A_331 = tpu.memref_squeeze %dma_start3A_330 : memref<1x64xi32, #tpu.memory_space<vmem>> -> memref<64xi32, #tpu.memory_space<vmem>>
      %dma_start3A_332 = arith.constant 0 : i32
      %dma_start3A_333 = arith.constant 0 : i32
      %dma_start3A_334 = tpu.memref_slice %arg5[%run_scoped3A_113, %dma_start3A_332, %dma_start3A_333] : memref<2x1024x128xf32, #tpu.memory_space<vmem_shared>> -> memref<1x1024x128xf32, #tpu.memory_space<vmem_shared>>
      %dma_start3A_335 = tpu.memref_squeeze %dma_start3A_334 : memref<1x1024x128xf32, #tpu.memory_space<vmem_shared>> -> memref<1024x128xf32, #tpu.memory_space<vmem_shared>>
      %dma_start3A_336 = arith.constant 0 : i32
      %dma_start3A_337 = arith.constant 0 : i32
      %dma_start3A_338 = tpu.memref_slice %dma_start3A_335[%dma_start3A_336, %dma_start3A_337] : memref<1024x128xf32, #tpu.memory_space<vmem_shared>> -> memref<1024x128xf32, #tpu.memory_space<vmem_shared>>
      tpu.enqueue_indirect_dma source(%dma_start3A_328 : memref<64x128xf32, #tpu.memory_space<vmem>>) target(%dma_start3A_338 : memref<1024x128xf32, #tpu.memory_space<vmem_shared>>) offsets(%dma_start3A_331 : memref<64xi32, #tpu.memory_space<vmem>>) semaphore(%run_scoped3A_324 : memref<!tpu.dma_semaphore, #tpu.memory_space<semaphore_mem>>) {add = true}
      %dma_wait3A_339 = arith.constant 0 : i32
      %dma_wait3A_340 = arith.constant 0 : i32
      %dma_wait3A_341 = tpu.memref_slice %arg6[%run_scoped3A, %dma_wait3A_339, %dma_wait3A_340] : memref<2x64x128xf32, #tpu.memory_space<vmem>> -> memref<1x64x128xf32, #tpu.memory_space<vmem>>
      %dma_wait3A_342 = tpu.memref_squeeze %dma_wait3A_341 : memref<1x64x128xf32, #tpu.memory_space<vmem>> -> memref<64x128xf32, #tpu.memory_space<vmem>>
      %dma_wait3A_343 = arith.constant 0 : i32
      %dma_wait3A_344 = tpu.memref_slice %arg7[%run_scoped3A_114, %dma_wait3A_343] : memref<2x64xi32, #tpu.memory_space<vmem>> -> memref<1x64xi32, #tpu.memory_space<vmem>>
      %dma_wait3A_345 = tpu.memref_squeeze %dma_wait3A_344 : memref<1x64xi32, #tpu.memory_space<vmem>> -> memref<64xi32, #tpu.memory_space<vmem>>
      %dma_wait3A_346 = arith.constant 0 : i32
      %dma_wait3A_347 = arith.constant 0 : i32
      %dma_wait3A_348 = tpu.memref_slice %arg5[%run_scoped3A_113, %dma_wait3A_346, %dma_wait3A_347] : memref<2x1024x128xf32, #tpu.memory_space<vmem_shared>> -> memref<1x1024x128xf32, #tpu.memory_space<vmem_shared>>
      %dma_wait3A_349 = tpu.memref_squeeze %dma_wait3A_348 : memref<1x1024x128xf32, #tpu.memory_space<vmem_shared>> -> memref<1024x128xf32, #tpu.memory_space<vmem_shared>>
      %dma_wait3A_350 = arith.constant 0 : i32
      %dma_wait3A_351 = arith.constant 0 : i32
      %dma_wait3A_352 = tpu.memref_slice %dma_wait3A_349[%dma_wait3A_350, %dma_wait3A_351] : memref<1024x128xf32, #tpu.memory_space<vmem_shared>> -> memref<1024x128xf32, #tpu.memory_space<vmem_shared>>
      tpu.wait_indirect_dma semaphore(%run_scoped3A_324 : memref<!tpu.dma_semaphore, #tpu.memory_space<semaphore_mem>>) src(%dma_wait3A_342 : memref<64x128xf32, #tpu.memory_space<vmem>>) dst(%dma_wait3A_352 : memref<1024x128xf32, #tpu.memory_space<vmem_shared>>)
      tpu.yield
    }) : () -> ()
    %barrier3A_115 = arith.constant 0 : index
    tpu.barrier barrier_id(%barrier3A_115)
    %run_scoped3A_116 = arith.constant 0 : i32
    "tpu.region"() ({
      %run_scoped3A_324 = tpu.sem_alloc : memref<!tpu.dma_semaphore, #tpu.memory_space<semaphore_mem>>
      %dma_start3A_325 = arith.constant 0 : i32
      %dma_start3A_326 = tpu.memref_slice %arg4[%add3A_41, %mul3A_0, %dma_start3A_325] : memref<8x1024x128xf32, #tpu.memory_space<hbm>> -> memref<1x64x128xf32, #tpu.memory_space<hbm>>
      %dma_start3A_327 = tpu.memref_squeeze %dma_start3A_326 : memref<1x64x128xf32, #tpu.memory_space<hbm>> -> memref<64x128xf32, #tpu.memory_space<hbm>>
      %dma_start3A_328 = arith.constant 0 : i32
      %dma_start3A_329 = tpu.memref_slice %arg5[%run_scoped3A_116, %mul3A_0, %dma_start3A_328] : memref<2x1024x128xf32, #tpu.memory_space<vmem_shared>> -> memref<1x64x128xf32, #tpu.memory_space<vmem_shared>>
      %dma_start3A_330 = tpu.memref_squeeze %dma_start3A_329 : memref<1x64x128xf32, #tpu.memory_space<vmem_shared>> -> memref<64x128xf32, #tpu.memory_space<vmem_shared>>
      tpu.enqueue_dma source(%dma_start3A_330 : memref<64x128xf32, #tpu.memory_space<vmem_shared>>) target(%dma_start3A_327 : memref<64x128xf32, #tpu.memory_space<hbm>>) target_semaphore(%run_scoped3A_324 : memref<!tpu.dma_semaphore, #tpu.memory_space<semaphore_mem>>)
      %dma_wait3A_331 = arith.constant 0 : i32
      %dma_wait3A_332 = tpu.memref_slice %arg4[%add3A_41, %mul3A_0, %dma_wait3A_331] : memref<8x1024x128xf32, #tpu.memory_space<hbm>> -> memref<1x64x128xf32, #tpu.memory_space<hbm>>
      %dma_wait3A_333 = tpu.memref_squeeze %dma_wait3A_332 : memref<1x64x128xf32, #tpu.memory_space<hbm>> -> memref<64x128xf32, #tpu.memory_space<hbm>>
      %dma_wait3A_334 = arith.constant 0 : i32
      %dma_wait3A_335 = tpu.memref_slice %arg5[%run_scoped3A_116, %mul3A_0, %dma_wait3A_334] : memref<2x1024x128xf32, #tpu.memory_space<vmem_shared>> -> memref<1x64x128xf32, #tpu.memory_space<vmem_shared>>
      %dma_wait3A_336 = tpu.memref_squeeze %dma_wait3A_335 : memref<1x64x128xf32, #tpu.memory_space<vmem_shared>> -> memref<64x128xf32, #tpu.memory_space<vmem_shared>>
      tpu.wait_dma2 semaphore(%run_scoped3A_324 : memref<!tpu.dma_semaphore, #tpu.memory_space<semaphore_mem>>) src(%dma_wait3A_336 : memref<64x128xf32, #tpu.memory_space<vmem_shared>>) dst(%dma_wait3A_333 : memref<64x128xf32, #tpu.memory_space<hbm>>)
      tpu.yield
    }) : () -> ()
    %mul3A_117 = arith.constant 4 : i32
    %mul3A_118 = arith.muli %arg0, %mul3A_117 : i32
    %add3A_119 = arith.constant 1 : i32
    %add3A_120 = arith.addi %mul3A_118, %add3A_119 : i32
    %dma_wait3A_121 = arith.constant 1 : i32
    %dma_wait3A_122 = arith.constant 0 : i32
    %dma_wait3A_123 = tpu.memref_slice %arg5[%dma_wait3A_121, %mul3A_0, %dma_wait3A_122] : memref<2x1024x128xf32, #tpu.memory_space<vmem_shared>> -> memref<1x64x128xf32, #tpu.memory_space<vmem_shared>>
    %dma_wait3A_124 = tpu.memref_squeeze %dma_wait3A_123 : memref<1x64x128xf32, #tpu.memory_space<vmem_shared>> -> memref<64x128xf32, #tpu.memory_space<vmem_shared>>
    %dma_wait3A_125 = arith.constant 0 : i32
    %dma_wait3A_126 = tpu.memref_slice %arg2[%add3A_77, %add3A_79, %dma_wait3A_125] : memref<8x2048x128xf32, #tpu.memory_space<hbm>> -> memref<1x64x128xf32, #tpu.memory_space<hbm>>
    %dma_wait3A_127 = tpu.memref_squeeze %dma_wait3A_126 : memref<1x64x128xf32, #tpu.memory_space<hbm>> -> memref<64x128xf32, #tpu.memory_space<hbm>>
    tpu.wait_dma2 semaphore(%arg8 : memref<!tpu.dma_semaphore, #tpu.memory_space<semaphore_mem>>) src(%dma_wait3A_127 : memref<64x128xf32, #tpu.memory_space<hbm>>) dst(%dma_wait3A_124 : memref<64x128xf32, #tpu.memory_space<vmem_shared>>)
    %dma_wait3A_128 = arith.constant 1 : i32
    %dma_wait3A_129 = arith.constant 0 : i32
    %dma_wait3A_130 = tpu.memref_slice %arg7[%dma_wait3A_128, %dma_wait3A_129] : memref<2x64xi32, #tpu.memory_space<vmem>> -> memref<1x64xi32, #tpu.memory_space<vmem>>
    %dma_wait3A_131 = tpu.memref_squeeze %dma_wait3A_130 : memref<1x64xi32, #tpu.memory_space<vmem>> -> memref<64xi32, #tpu.memory_space<vmem>>
    %dma_wait3A_132 = tpu.memref_slice %arg3[%add3A_77, %mul3A_0] : memref<8x1024xi32, #tpu.memory_space<hbm>> -> memref<1x64xi32, #tpu.memory_space<hbm>>
    %dma_wait3A_133 = tpu.memref_squeeze %dma_wait3A_132 : memref<1x64xi32, #tpu.memory_space<hbm>> -> memref<64xi32, #tpu.memory_space<hbm>>
    %dma_wait3A_134 = arith.constant 0 : i32
    %dma_wait3A_135 = tpu.memref_slice %arg7[%dma_wait3A_128, %dma_wait3A_134] : memref<2x64xi32, #tpu.memory_space<vmem>> -> memref<1x64xi32, #tpu.memory_space<vmem>>
    %dma_wait3A_136 = tpu.memref_squeeze %dma_wait3A_135 : memref<1x64xi32, #tpu.memory_space<vmem>> -> memref<64xi32, #tpu.memory_space<vmem>>
    %dma_wait3A_137 = tpu.memref_slice %arg3[%add3A_77, %mul3A_0] : memref<8x1024xi32, #tpu.memory_space<hbm>> -> memref<1x64xi32, #tpu.memory_space<hbm>>
    %dma_wait3A_138 = tpu.memref_squeeze %dma_wait3A_137 : memref<1x64xi32, #tpu.memory_space<hbm>> -> memref<64xi32, #tpu.memory_space<hbm>>
    tpu.wait_dma2 semaphore(%arg8 : memref<!tpu.dma_semaphore, #tpu.memory_space<semaphore_mem>>) src(%dma_wait3A_138 : memref<64xi32, #tpu.memory_space<hbm>>) dst(%dma_wait3A_136 : memref<64xi32, #tpu.memory_space<vmem>>)
    %dma_wait3A_139 = arith.constant 1 : i32
    %dma_wait3A_140 = arith.constant 0 : i32
    %dma_wait3A_141 = arith.constant 0 : i32
    %dma_wait3A_142 = tpu.memref_slice %arg6[%dma_wait3A_139, %dma_wait3A_140, %dma_wait3A_141] : memref<2x64x128xf32, #tpu.memory_space<vmem>> -> memref<1x64x128xf32, #tpu.memory_space<vmem>>
    %dma_wait3A_143 = tpu.memref_squeeze %dma_wait3A_142 : memref<1x64x128xf32, #tpu.memory_space<vmem>> -> memref<64x128xf32, #tpu.memory_space<vmem>>
    %dma_wait3A_144 = arith.constant 0 : i32
    %dma_wait3A_145 = tpu.memref_slice %arg2[%add3A_77, %mul3A_0, %dma_wait3A_144] : memref<8x2048x128xf32, #tpu.memory_space<hbm>> -> memref<1x64x128xf32, #tpu.memory_space<hbm>>
    %dma_wait3A_146 = tpu.memref_squeeze %dma_wait3A_145 : memref<1x64x128xf32, #tpu.memory_space<hbm>> -> memref<64x128xf32, #tpu.memory_space<hbm>>
    %dma_wait3A_147 = arith.constant 0 : i32
    %dma_wait3A_148 = arith.constant 0 : i32
    %dma_wait3A_149 = tpu.memref_slice %arg6[%dma_wait3A_139, %dma_wait3A_147, %dma_wait3A_148] : memref<2x64x128xf32, #tpu.memory_space<vmem>> -> memref<1x64x128xf32, #tpu.memory_space<vmem>>
    %dma_wait3A_150 = tpu.memref_squeeze %dma_wait3A_149 : memref<1x64x128xf32, #tpu.memory_space<vmem>> -> memref<64x128xf32, #tpu.memory_space<vmem>>
    %dma_wait3A_151 = arith.constant 0 : i32
    %dma_wait3A_152 = tpu.memref_slice %arg2[%add3A_77, %mul3A_0, %dma_wait3A_151] : memref<8x2048x128xf32, #tpu.memory_space<hbm>> -> memref<1x64x128xf32, #tpu.memory_space<hbm>>
    %dma_wait3A_153 = tpu.memref_squeeze %dma_wait3A_152 : memref<1x64x128xf32, #tpu.memory_space<hbm>> -> memref<64x128xf32, #tpu.memory_space<hbm>>
    tpu.wait_dma2 semaphore(%arg8 : memref<!tpu.dma_semaphore, #tpu.memory_space<semaphore_mem>>) src(%dma_wait3A_153 : memref<64x128xf32, #tpu.memory_space<hbm>>) dst(%dma_wait3A_150 : memref<64x128xf32, #tpu.memory_space<vmem>>)
    %barrier3A_154 = arith.constant 0 : index
    tpu.barrier barrier_id(%barrier3A_154)
    %mul3A_155 = arith.constant 4 : i32
    %mul3A_156 = arith.muli %arg0, %mul3A_155 : i32
    %add3A_157 = arith.constant 2 : i32
    %add3A_158 = arith.addi %mul3A_156, %add3A_157 : i32
    %add3A_159 = arith.constant 1024 : i32
    %add3A_160 = arith.addi %add3A_159, %mul3A_0 : i32
    %dma_start3A_161 = arith.constant 0 : i32
    %dma_start3A_162 = arith.constant 0 : i32
    %dma_start3A_163 = tpu.memref_slice %arg5[%dma_start3A_161, %mul3A_0, %dma_start3A_162] : memref<2x1024x128xf32, #tpu.memory_space<vmem_shared>> -> memref<1x64x128xf32, #tpu.memory_space<vmem_shared>>
    %dma_start3A_164 = tpu.memref_squeeze %dma_start3A_163 : memref<1x64x128xf32, #tpu.memory_space<vmem_shared>> -> memref<64x128xf32, #tpu.memory_space<vmem_shared>>
    %dma_start3A_165 = arith.constant 0 : i32
    %dma_start3A_166 = tpu.memref_slice %arg2[%add3A_158, %add3A_160, %dma_start3A_165] : memref<8x2048x128xf32, #tpu.memory_space<hbm>> -> memref<1x64x128xf32, #tpu.memory_space<hbm>>
    %dma_start3A_167 = tpu.memref_squeeze %dma_start3A_166 : memref<1x64x128xf32, #tpu.memory_space<hbm>> -> memref<64x128xf32, #tpu.memory_space<hbm>>
    tpu.enqueue_dma source(%dma_start3A_167 : memref<64x128xf32, #tpu.memory_space<hbm>>) target(%dma_start3A_164 : memref<64x128xf32, #tpu.memory_space<vmem_shared>>) target_semaphore(%arg8 : memref<!tpu.dma_semaphore, #tpu.memory_space<semaphore_mem>>)
    %dma_start3A_168 = arith.constant 0 : i32
    %dma_start3A_169 = arith.constant 0 : i32
    %dma_start3A_170 = tpu.memref_slice %arg7[%dma_start3A_168, %dma_start3A_169] : memref<2x64xi32, #tpu.memory_space<vmem>> -> memref<1x64xi32, #tpu.memory_space<vmem>>
    %dma_start3A_171 = tpu.memref_squeeze %dma_start3A_170 : memref<1x64xi32, #tpu.memory_space<vmem>> -> memref<64xi32, #tpu.memory_space<vmem>>
    %dma_start3A_172 = tpu.memref_slice %arg3[%add3A_158, %mul3A_0] : memref<8x1024xi32, #tpu.memory_space<hbm>> -> memref<1x64xi32, #tpu.memory_space<hbm>>
    %dma_start3A_173 = tpu.memref_squeeze %dma_start3A_172 : memref<1x64xi32, #tpu.memory_space<hbm>> -> memref<64xi32, #tpu.memory_space<hbm>>
    %dma_start3A_174 = arith.constant 0 : i32
    %dma_start3A_175 = tpu.memref_slice %arg7[%dma_start3A_168, %dma_start3A_174] : memref<2x64xi32, #tpu.memory_space<vmem>> -> memref<1x64xi32, #tpu.memory_space<vmem>>
    %dma_start3A_176 = tpu.memref_squeeze %dma_start3A_175 : memref<1x64xi32, #tpu.memory_space<vmem>> -> memref<64xi32, #tpu.memory_space<vmem>>
    %dma_start3A_177 = tpu.memref_slice %arg3[%add3A_158, %mul3A_0] : memref<8x1024xi32, #tpu.memory_space<hbm>> -> memref<1x64xi32, #tpu.memory_space<hbm>>
    %dma_start3A_178 = tpu.memref_squeeze %dma_start3A_177 : memref<1x64xi32, #tpu.memory_space<hbm>> -> memref<64xi32, #tpu.memory_space<hbm>>
    tpu.enqueue_dma source(%dma_start3A_178 : memref<64xi32, #tpu.memory_space<hbm>>) target(%dma_start3A_176 : memref<64xi32, #tpu.memory_space<vmem>>) target_semaphore(%arg8 : memref<!tpu.dma_semaphore, #tpu.memory_space<semaphore_mem>>)
    %dma_start3A_179 = arith.constant 0 : i32
    %dma_start3A_180 = arith.constant 0 : i32
    %dma_start3A_181 = arith.constant 0 : i32
    %dma_start3A_182 = tpu.memref_slice %arg6[%dma_start3A_179, %dma_start3A_180, %dma_start3A_181] : memref<2x64x128xf32, #tpu.memory_space<vmem>> -> memref<1x64x128xf32, #tpu.memory_space<vmem>>
    %dma_start3A_183 = tpu.memref_squeeze %dma_start3A_182 : memref<1x64x128xf32, #tpu.memory_space<vmem>> -> memref<64x128xf32, #tpu.memory_space<vmem>>
    %dma_start3A_184 = arith.constant 0 : i32
    %dma_start3A_185 = tpu.memref_slice %arg2[%add3A_158, %mul3A_0, %dma_start3A_184] : memref<8x2048x128xf32, #tpu.memory_space<hbm>> -> memref<1x64x128xf32, #tpu.memory_space<hbm>>
    %dma_start3A_186 = tpu.memref_squeeze %dma_start3A_185 : memref<1x64x128xf32, #tpu.memory_space<hbm>> -> memref<64x128xf32, #tpu.memory_space<hbm>>
    %dma_start3A_187 = arith.constant 0 : i32
    %dma_start3A_188 = arith.constant 0 : i32
    %dma_start3A_189 = tpu.memref_slice %arg6[%dma_start3A_179, %dma_start3A_187, %dma_start3A_188] : memref<2x64x128xf32, #tpu.memory_space<vmem>> -> memref<1x64x128xf32, #tpu.memory_space<vmem>>
    %dma_start3A_190 = tpu.memref_squeeze %dma_start3A_189 : memref<1x64x128xf32, #tpu.memory_space<vmem>> -> memref<64x128xf32, #tpu.memory_space<vmem>>
    %dma_start3A_191 = arith.constant 0 : i32
    %dma_start3A_192 = tpu.memref_slice %arg2[%add3A_158, %mul3A_0, %dma_start3A_191] : memref<8x2048x128xf32, #tpu.memory_space<hbm>> -> memref<1x64x128xf32, #tpu.memory_space<hbm>>
    %dma_start3A_193 = tpu.memref_squeeze %dma_start3A_192 : memref<1x64x128xf32, #tpu.memory_space<hbm>> -> memref<64x128xf32, #tpu.memory_space<hbm>>
    tpu.enqueue_dma source(%dma_start3A_193 : memref<64x128xf32, #tpu.memory_space<hbm>>) target(%dma_start3A_190 : memref<64x128xf32, #tpu.memory_space<vmem>>) target_semaphore(%arg8 : memref<!tpu.dma_semaphore, #tpu.memory_space<semaphore_mem>>)
    %run_scoped3A_194 = arith.constant 1 : i32
    %run_scoped3A_195 = arith.constant 1 : i32
    %run_scoped3A_196 = arith.constant 1 : i32
    "tpu.region"() ({
      %run_scoped3A_324 = tpu.sem_alloc : memref<!tpu.dma_semaphore, #tpu.memory_space<semaphore_mem>>
      %dma_start3A_325 = arith.constant 0 : i32
      %dma_start3A_326 = arith.constant 0 : i32
      %dma_start3A_327 = tpu.memref_slice %arg6[%run_scoped3A_194, %dma_start3A_325, %dma_start3A_326] : memref<2x64x128xf32, #tpu.memory_space<vmem>> -> memref<1x64x128xf32, #tpu.memory_space<vmem>>
      %dma_start3A_328 = tpu.memref_squeeze %dma_start3A_327 : memref<1x64x128xf32, #tpu.memory_space<vmem>> -> memref<64x128xf32, #tpu.memory_space<vmem>>
      %dma_start3A_329 = arith.constant 0 : i32
      %dma_start3A_330 = tpu.memref_slice %arg7[%run_scoped3A_196, %dma_start3A_329] : memref<2x64xi32, #tpu.memory_space<vmem>> -> memref<1x64xi32, #tpu.memory_space<vmem>>
      %dma_start3A_331 = tpu.memref_squeeze %dma_start3A_330 : memref<1x64xi32, #tpu.memory_space<vmem>> -> memref<64xi32, #tpu.memory_space<vmem>>
      %dma_start3A_332 = arith.constant 0 : i32
      %dma_start3A_333 = arith.constant 0 : i32
      %dma_start3A_334 = tpu.memref_slice %arg5[%run_scoped3A_195, %dma_start3A_332, %dma_start3A_333] : memref<2x1024x128xf32, #tpu.memory_space<vmem_shared>> -> memref<1x1024x128xf32, #tpu.memory_space<vmem_shared>>
      %dma_start3A_335 = tpu.memref_squeeze %dma_start3A_334 : memref<1x1024x128xf32, #tpu.memory_space<vmem_shared>> -> memref<1024x128xf32, #tpu.memory_space<vmem_shared>>
      %dma_start3A_336 = arith.constant 0 : i32
      %dma_start3A_337 = arith.constant 0 : i32
      %dma_start3A_338 = tpu.memref_slice %dma_start3A_335[%dma_start3A_336, %dma_start3A_337] : memref<1024x128xf32, #tpu.memory_space<vmem_shared>> -> memref<1024x128xf32, #tpu.memory_space<vmem_shared>>
      tpu.enqueue_indirect_dma source(%dma_start3A_328 : memref<64x128xf32, #tpu.memory_space<vmem>>) target(%dma_start3A_338 : memref<1024x128xf32, #tpu.memory_space<vmem_shared>>) offsets(%dma_start3A_331 : memref<64xi32, #tpu.memory_space<vmem>>) semaphore(%run_scoped3A_324 : memref<!tpu.dma_semaphore, #tpu.memory_space<semaphore_mem>>) {add = true}
      %dma_wait3A_339 = arith.constant 0 : i32
      %dma_wait3A_340 = arith.constant 0 : i32
      %dma_wait3A_341 = tpu.memref_slice %arg6[%run_scoped3A_194, %dma_wait3A_339, %dma_wait3A_340] : memref<2x64x128xf32, #tpu.memory_space<vmem>> -> memref<1x64x128xf32, #tpu.memory_space<vmem>>
      %dma_wait3A_342 = tpu.memref_squeeze %dma_wait3A_341 : memref<1x64x128xf32, #tpu.memory_space<vmem>> -> memref<64x128xf32, #tpu.memory_space<vmem>>
      %dma_wait3A_343 = arith.constant 0 : i32
      %dma_wait3A_344 = tpu.memref_slice %arg7[%run_scoped3A_196, %dma_wait3A_343] : memref<2x64xi32, #tpu.memory_space<vmem>> -> memref<1x64xi32, #tpu.memory_space<vmem>>
      %dma_wait3A_345 = tpu.memref_squeeze %dma_wait3A_344 : memref<1x64xi32, #tpu.memory_space<vmem>> -> memref<64xi32, #tpu.memory_space<vmem>>
      %dma_wait3A_346 = arith.constant 0 : i32
      %dma_wait3A_347 = arith.constant 0 : i32
      %dma_wait3A_348 = tpu.memref_slice %arg5[%run_scoped3A_195, %dma_wait3A_346, %dma_wait3A_347] : memref<2x1024x128xf32, #tpu.memory_space<vmem_shared>> -> memref<1x1024x128xf32, #tpu.memory_space<vmem_shared>>
      %dma_wait3A_349 = tpu.memref_squeeze %dma_wait3A_348 : memref<1x1024x128xf32, #tpu.memory_space<vmem_shared>> -> memref<1024x128xf32, #tpu.memory_space<vmem_shared>>
      %dma_wait3A_350 = arith.constant 0 : i32
      %dma_wait3A_351 = arith.constant 0 : i32
      %dma_wait3A_352 = tpu.memref_slice %dma_wait3A_349[%dma_wait3A_350, %dma_wait3A_351] : memref<1024x128xf32, #tpu.memory_space<vmem_shared>> -> memref<1024x128xf32, #tpu.memory_space<vmem_shared>>
      tpu.wait_indirect_dma semaphore(%run_scoped3A_324 : memref<!tpu.dma_semaphore, #tpu.memory_space<semaphore_mem>>) src(%dma_wait3A_342 : memref<64x128xf32, #tpu.memory_space<vmem>>) dst(%dma_wait3A_352 : memref<1024x128xf32, #tpu.memory_space<vmem_shared>>)
      tpu.yield
    }) : () -> ()
    %barrier3A_197 = arith.constant 0 : index
    tpu.barrier barrier_id(%barrier3A_197)
    %run_scoped3A_198 = arith.constant 1 : i32
    "tpu.region"() ({
      %run_scoped3A_324 = tpu.sem_alloc : memref<!tpu.dma_semaphore, #tpu.memory_space<semaphore_mem>>
      %dma_start3A_325 = arith.constant 0 : i32
      %dma_start3A_326 = tpu.memref_slice %arg4[%add3A_120, %mul3A_0, %dma_start3A_325] : memref<8x1024x128xf32, #tpu.memory_space<hbm>> -> memref<1x64x128xf32, #tpu.memory_space<hbm>>
      %dma_start3A_327 = tpu.memref_squeeze %dma_start3A_326 : memref<1x64x128xf32, #tpu.memory_space<hbm>> -> memref<64x128xf32, #tpu.memory_space<hbm>>
      %dma_start3A_328 = arith.constant 0 : i32
      %dma_start3A_329 = tpu.memref_slice %arg5[%run_scoped3A_198, %mul3A_0, %dma_start3A_328] : memref<2x1024x128xf32, #tpu.memory_space<vmem_shared>> -> memref<1x64x128xf32, #tpu.memory_space<vmem_shared>>
      %dma_start3A_330 = tpu.memref_squeeze %dma_start3A_329 : memref<1x64x128xf32, #tpu.memory_space<vmem_shared>> -> memref<64x128xf32, #tpu.memory_space<vmem_shared>>
      tpu.enqueue_dma source(%dma_start3A_330 : memref<64x128xf32, #tpu.memory_space<vmem_shared>>) target(%dma_start3A_327 : memref<64x128xf32, #tpu.memory_space<hbm>>) target_semaphore(%run_scoped3A_324 : memref<!tpu.dma_semaphore, #tpu.memory_space<semaphore_mem>>)
      %dma_wait3A_331 = arith.constant 0 : i32
      %dma_wait3A_332 = tpu.memref_slice %arg4[%add3A_120, %mul3A_0, %dma_wait3A_331] : memref<8x1024x128xf32, #tpu.memory_space<hbm>> -> memref<1x64x128xf32, #tpu.memory_space<hbm>>
      %dma_wait3A_333 = tpu.memref_squeeze %dma_wait3A_332 : memref<1x64x128xf32, #tpu.memory_space<hbm>> -> memref<64x128xf32, #tpu.memory_space<hbm>>
      %dma_wait3A_334 = arith.constant 0 : i32
      %dma_wait3A_335 = tpu.memref_slice %arg5[%run_scoped3A_198, %mul3A_0, %dma_wait3A_334] : memref<2x1024x128xf32, #tpu.memory_space<vmem_shared>> -> memref<1x64x128xf32, #tpu.memory_space<vmem_shared>>
      %dma_wait3A_336 = tpu.memref_squeeze %dma_wait3A_335 : memref<1x64x128xf32, #tpu.memory_space<vmem_shared>> -> memref<64x128xf32, #tpu.memory_space<vmem_shared>>
      tpu.wait_dma2 semaphore(%run_scoped3A_324 : memref<!tpu.dma_semaphore, #tpu.memory_space<semaphore_mem>>) src(%dma_wait3A_336 : memref<64x128xf32, #tpu.memory_space<vmem_shared>>) dst(%dma_wait3A_333 : memref<64x128xf32, #tpu.memory_space<hbm>>)
      tpu.yield
    }) : () -> ()
    %mul3A_199 = arith.constant 4 : i32
    %mul3A_200 = arith.muli %arg0, %mul3A_199 : i32
    %add3A_201 = arith.constant 2 : i32
    %add3A_202 = arith.addi %mul3A_200, %add3A_201 : i32
    %dma_wait3A_203 = arith.constant 0 : i32
    %dma_wait3A_204 = arith.constant 0 : i32
    %dma_wait3A_205 = tpu.memref_slice %arg5[%dma_wait3A_203, %mul3A_0, %dma_wait3A_204] : memref<2x1024x128xf32, #tpu.memory_space<vmem_shared>> -> memref<1x64x128xf32, #tpu.memory_space<vmem_shared>>
    %dma_wait3A_206 = tpu.memref_squeeze %dma_wait3A_205 : memref<1x64x128xf32, #tpu.memory_space<vmem_shared>> -> memref<64x128xf32, #tpu.memory_space<vmem_shared>>
    %dma_wait3A_207 = arith.constant 0 : i32
    %dma_wait3A_208 = tpu.memref_slice %arg2[%add3A_158, %add3A_160, %dma_wait3A_207] : memref<8x2048x128xf32, #tpu.memory_space<hbm>> -> memref<1x64x128xf32, #tpu.memory_space<hbm>>
    %dma_wait3A_209 = tpu.memref_squeeze %dma_wait3A_208 : memref<1x64x128xf32, #tpu.memory_space<hbm>> -> memref<64x128xf32, #tpu.memory_space<hbm>>
    tpu.wait_dma2 semaphore(%arg8 : memref<!tpu.dma_semaphore, #tpu.memory_space<semaphore_mem>>) src(%dma_wait3A_209 : memref<64x128xf32, #tpu.memory_space<hbm>>) dst(%dma_wait3A_206 : memref<64x128xf32, #tpu.memory_space<vmem_shared>>)
    %dma_wait3A_210 = arith.constant 0 : i32
    %dma_wait3A_211 = arith.constant 0 : i32
    %dma_wait3A_212 = tpu.memref_slice %arg7[%dma_wait3A_210, %dma_wait3A_211] : memref<2x64xi32, #tpu.memory_space<vmem>> -> memref<1x64xi32, #tpu.memory_space<vmem>>
    %dma_wait3A_213 = tpu.memref_squeeze %dma_wait3A_212 : memref<1x64xi32, #tpu.memory_space<vmem>> -> memref<64xi32, #tpu.memory_space<vmem>>
    %dma_wait3A_214 = tpu.memref_slice %arg3[%add3A_158, %mul3A_0] : memref<8x1024xi32, #tpu.memory_space<hbm>> -> memref<1x64xi32, #tpu.memory_space<hbm>>
    %dma_wait3A_215 = tpu.memref_squeeze %dma_wait3A_214 : memref<1x64xi32, #tpu.memory_space<hbm>> -> memref<64xi32, #tpu.memory_space<hbm>>
    %dma_wait3A_216 = arith.constant 0 : i32
    %dma_wait3A_217 = tpu.memref_slice %arg7[%dma_wait3A_210, %dma_wait3A_216] : memref<2x64xi32, #tpu.memory_space<vmem>> -> memref<1x64xi32, #tpu.memory_space<vmem>>
    %dma_wait3A_218 = tpu.memref_squeeze %dma_wait3A_217 : memref<1x64xi32, #tpu.memory_space<vmem>> -> memref<64xi32, #tpu.memory_space<vmem>>
    %dma_wait3A_219 = tpu.memref_slice %arg3[%add3A_158, %mul3A_0] : memref<8x1024xi32, #tpu.memory_space<hbm>> -> memref<1x64xi32, #tpu.memory_space<hbm>>
    %dma_wait3A_220 = tpu.memref_squeeze %dma_wait3A_219 : memref<1x64xi32, #tpu.memory_space<hbm>> -> memref<64xi32, #tpu.memory_space<hbm>>
    tpu.wait_dma2 semaphore(%arg8 : memref<!tpu.dma_semaphore, #tpu.memory_space<semaphore_mem>>) src(%dma_wait3A_220 : memref<64xi32, #tpu.memory_space<hbm>>) dst(%dma_wait3A_218 : memref<64xi32, #tpu.memory_space<vmem>>)
    %dma_wait3A_221 = arith.constant 0 : i32
    %dma_wait3A_222 = arith.constant 0 : i32
    %dma_wait3A_223 = arith.constant 0 : i32
    %dma_wait3A_224 = tpu.memref_slice %arg6[%dma_wait3A_221, %dma_wait3A_222, %dma_wait3A_223] : memref<2x64x128xf32, #tpu.memory_space<vmem>> -> memref<1x64x128xf32, #tpu.memory_space<vmem>>
    %dma_wait3A_225 = tpu.memref_squeeze %dma_wait3A_224 : memref<1x64x128xf32, #tpu.memory_space<vmem>> -> memref<64x128xf32, #tpu.memory_space<vmem>>
    %dma_wait3A_226 = arith.constant 0 : i32
    %dma_wait3A_227 = tpu.memref_slice %arg2[%add3A_158, %mul3A_0, %dma_wait3A_226] : memref<8x2048x128xf32, #tpu.memory_space<hbm>> -> memref<1x64x128xf32, #tpu.memory_space<hbm>>
    %dma_wait3A_228 = tpu.memref_squeeze %dma_wait3A_227 : memref<1x64x128xf32, #tpu.memory_space<hbm>> -> memref<64x128xf32, #tpu.memory_space<hbm>>
    %dma_wait3A_229 = arith.constant 0 : i32
    %dma_wait3A_230 = arith.constant 0 : i32
    %dma_wait3A_231 = tpu.memref_slice %arg6[%dma_wait3A_221, %dma_wait3A_229, %dma_wait3A_230] : memref<2x64x128xf32, #tpu.memory_space<vmem>> -> memref<1x64x128xf32, #tpu.memory_space<vmem>>
    %dma_wait3A_232 = tpu.memref_squeeze %dma_wait3A_231 : memref<1x64x128xf32, #tpu.memory_space<vmem>> -> memref<64x128xf32, #tpu.memory_space<vmem>>
    %dma_wait3A_233 = arith.constant 0 : i32
    %dma_wait3A_234 = tpu.memref_slice %arg2[%add3A_158, %mul3A_0, %dma_wait3A_233] : memref<8x2048x128xf32, #tpu.memory_space<hbm>> -> memref<1x64x128xf32, #tpu.memory_space<hbm>>
    %dma_wait3A_235 = tpu.memref_squeeze %dma_wait3A_234 : memref<1x64x128xf32, #tpu.memory_space<hbm>> -> memref<64x128xf32, #tpu.memory_space<hbm>>
    tpu.wait_dma2 semaphore(%arg8 : memref<!tpu.dma_semaphore, #tpu.memory_space<semaphore_mem>>) src(%dma_wait3A_235 : memref<64x128xf32, #tpu.memory_space<hbm>>) dst(%dma_wait3A_232 : memref<64x128xf32, #tpu.memory_space<vmem>>)
    %barrier3A_236 = arith.constant 0 : index
    tpu.barrier barrier_id(%barrier3A_236)
    %mul3A_237 = arith.constant 4 : i32
    %mul3A_238 = arith.muli %arg0, %mul3A_237 : i32
    %add3A_239 = arith.constant 3 : i32
    %add3A_240 = arith.addi %mul3A_238, %add3A_239 : i32
    %add3A_241 = arith.constant 1024 : i32
    %add3A_242 = arith.addi %add3A_241, %mul3A_0 : i32
    %dma_start3A_243 = arith.constant 1 : i32
    %dma_start3A_244 = arith.constant 0 : i32
    %dma_start3A_245 = tpu.memref_slice %arg5[%dma_start3A_243, %mul3A_0, %dma_start3A_244] : memref<2x1024x128xf32, #tpu.memory_space<vmem_shared>> -> memref<1x64x128xf32, #tpu.memory_space<vmem_shared>>
    %dma_start3A_246 = tpu.memref_squeeze %dma_start3A_245 : memref<1x64x128xf32, #tpu.memory_space<vmem_shared>> -> memref<64x128xf32, #tpu.memory_space<vmem_shared>>
    %dma_start3A_247 = arith.constant 0 : i32
    %dma_start3A_248 = tpu.memref_slice %arg2[%add3A_240, %add3A_242, %dma_start3A_247] : memref<8x2048x128xf32, #tpu.memory_space<hbm>> -> memref<1x64x128xf32, #tpu.memory_space<hbm>>
    %dma_start3A_249 = tpu.memref_squeeze %dma_start3A_248 : memref<1x64x128xf32, #tpu.memory_space<hbm>> -> memref<64x128xf32, #tpu.memory_space<hbm>>
    tpu.enqueue_dma source(%dma_start3A_249 : memref<64x128xf32, #tpu.memory_space<hbm>>) target(%dma_start3A_246 : memref<64x128xf32, #tpu.memory_space<vmem_shared>>) target_semaphore(%arg8 : memref<!tpu.dma_semaphore, #tpu.memory_space<semaphore_mem>>)
    %dma_start3A_250 = arith.constant 1 : i32
    %dma_start3A_251 = arith.constant 0 : i32
    %dma_start3A_252 = tpu.memref_slice %arg7[%dma_start3A_250, %dma_start3A_251] : memref<2x64xi32, #tpu.memory_space<vmem>> -> memref<1x64xi32, #tpu.memory_space<vmem>>
    %dma_start3A_253 = tpu.memref_squeeze %dma_start3A_252 : memref<1x64xi32, #tpu.memory_space<vmem>> -> memref<64xi32, #tpu.memory_space<vmem>>
    %dma_start3A_254 = tpu.memref_slice %arg3[%add3A_240, %mul3A_0] : memref<8x1024xi32, #tpu.memory_space<hbm>> -> memref<1x64xi32, #tpu.memory_space<hbm>>
    %dma_start3A_255 = tpu.memref_squeeze %dma_start3A_254 : memref<1x64xi32, #tpu.memory_space<hbm>> -> memref<64xi32, #tpu.memory_space<hbm>>
    %dma_start3A_256 = arith.constant 0 : i32
    %dma_start3A_257 = tpu.memref_slice %arg7[%dma_start3A_250, %dma_start3A_256] : memref<2x64xi32, #tpu.memory_space<vmem>> -> memref<1x64xi32, #tpu.memory_space<vmem>>
    %dma_start3A_258 = tpu.memref_squeeze %dma_start3A_257 : memref<1x64xi32, #tpu.memory_space<vmem>> -> memref<64xi32, #tpu.memory_space<vmem>>
    %dma_start3A_259 = tpu.memref_slice %arg3[%add3A_240, %mul3A_0] : memref<8x1024xi32, #tpu.memory_space<hbm>> -> memref<1x64xi32, #tpu.memory_space<hbm>>
    %dma_start3A_260 = tpu.memref_squeeze %dma_start3A_259 : memref<1x64xi32, #tpu.memory_space<hbm>> -> memref<64xi32, #tpu.memory_space<hbm>>
    tpu.enqueue_dma source(%dma_start3A_260 : memref<64xi32, #tpu.memory_space<hbm>>) target(%dma_start3A_258 : memref<64xi32, #tpu.memory_space<vmem>>) target_semaphore(%arg8 : memref<!tpu.dma_semaphore, #tpu.memory_space<semaphore_mem>>)
    %dma_start3A_261 = arith.constant 1 : i32
    %dma_start3A_262 = arith.constant 0 : i32
    %dma_start3A_263 = arith.constant 0 : i32
    %dma_start3A_264 = tpu.memref_slice %arg6[%dma_start3A_261, %dma_start3A_262, %dma_start3A_263] : memref<2x64x128xf32, #tpu.memory_space<vmem>> -> memref<1x64x128xf32, #tpu.memory_space<vmem>>
    %dma_start3A_265 = tpu.memref_squeeze %dma_start3A_264 : memref<1x64x128xf32, #tpu.memory_space<vmem>> -> memref<64x128xf32, #tpu.memory_space<vmem>>
    %dma_start3A_266 = arith.constant 0 : i32
    %dma_start3A_267 = tpu.memref_slice %arg2[%add3A_240, %mul3A_0, %dma_start3A_266] : memref<8x2048x128xf32, #tpu.memory_space<hbm>> -> memref<1x64x128xf32, #tpu.memory_space<hbm>>
    %dma_start3A_268 = tpu.memref_squeeze %dma_start3A_267 : memref<1x64x128xf32, #tpu.memory_space<hbm>> -> memref<64x128xf32, #tpu.memory_space<hbm>>
    %dma_start3A_269 = arith.constant 0 : i32
    %dma_start3A_270 = arith.constant 0 : i32
    %dma_start3A_271 = tpu.memref_slice %arg6[%dma_start3A_261, %dma_start3A_269, %dma_start3A_270] : memref<2x64x128xf32, #tpu.memory_space<vmem>> -> memref<1x64x128xf32, #tpu.memory_space<vmem>>
    %dma_start3A_272 = tpu.memref_squeeze %dma_start3A_271 : memref<1x64x128xf32, #tpu.memory_space<vmem>> -> memref<64x128xf32, #tpu.memory_space<vmem>>
    %dma_start3A_273 = arith.constant 0 : i32
    %dma_start3A_274 = tpu.memref_slice %arg2[%add3A_240, %mul3A_0, %dma_start3A_273] : memref<8x2048x128xf32, #tpu.memory_space<hbm>> -> memref<1x64x128xf32, #tpu.memory_space<hbm>>
    %dma_start3A_275 = tpu.memref_squeeze %dma_start3A_274 : memref<1x64x128xf32, #tpu.memory_space<hbm>> -> memref<64x128xf32, #tpu.memory_space<hbm>>
    tpu.enqueue_dma source(%dma_start3A_275 : memref<64x128xf32, #tpu.memory_space<hbm>>) target(%dma_start3A_272 : memref<64x128xf32, #tpu.memory_space<vmem>>) target_semaphore(%arg8 : memref<!tpu.dma_semaphore, #tpu.memory_space<semaphore_mem>>)
    %run_scoped3A_276 = arith.constant 0 : i32
    %run_scoped3A_277 = arith.constant 0 : i32
    %run_scoped3A_278 = arith.constant 0 : i32
    "tpu.region"() ({
      %run_scoped3A_324 = tpu.sem_alloc : memref<!tpu.dma_semaphore, #tpu.memory_space<semaphore_mem>>
      %dma_start3A_325 = arith.constant 0 : i32
      %dma_start3A_326 = arith.constant 0 : i32
      %dma_start3A_327 = tpu.memref_slice %arg6[%run_scoped3A_276, %dma_start3A_325, %dma_start3A_326] : memref<2x64x128xf32, #tpu.memory_space<vmem>> -> memref<1x64x128xf32, #tpu.memory_space<vmem>>
      %dma_start3A_328 = tpu.memref_squeeze %dma_start3A_327 : memref<1x64x128xf32, #tpu.memory_space<vmem>> -> memref<64x128xf32, #tpu.memory_space<vmem>>
      %dma_start3A_329 = arith.constant 0 : i32
      %dma_start3A_330 = tpu.memref_slice %arg7[%run_scoped3A_278, %dma_start3A_329] : memref<2x64xi32, #tpu.memory_space<vmem>> -> memref<1x64xi32, #tpu.memory_space<vmem>>
      %dma_start3A_331 = tpu.memref_squeeze %dma_start3A_330 : memref<1x64xi32, #tpu.memory_space<vmem>> -> memref<64xi32, #tpu.memory_space<vmem>>
      %dma_start3A_332 = arith.constant 0 : i32
      %dma_start3A_333 = arith.constant 0 : i32
      %dma_start3A_334 = tpu.memref_slice %arg5[%run_scoped3A_277, %dma_start3A_332, %dma_start3A_333] : memref<2x1024x128xf32, #tpu.memory_space<vmem_shared>> -> memref<1x1024x128xf32, #tpu.memory_space<vmem_shared>>
      %dma_start3A_335 = tpu.memref_squeeze %dma_start3A_334 : memref<1x1024x128xf32, #tpu.memory_space<vmem_shared>> -> memref<1024x128xf32, #tpu.memory_space<vmem_shared>>
      %dma_start3A_336 = arith.constant 0 : i32
      %dma_start3A_337 = arith.constant 0 : i32
      %dma_start3A_338 = tpu.memref_slice %dma_start3A_335[%dma_start3A_336, %dma_start3A_337] : memref<1024x128xf32, #tpu.memory_space<vmem_shared>> -> memref<1024x128xf32, #tpu.memory_space<vmem_shared>>
      tpu.enqueue_indirect_dma source(%dma_start3A_328 : memref<64x128xf32, #tpu.memory_space<vmem>>) target(%dma_start3A_338 : memref<1024x128xf32, #tpu.memory_space<vmem_shared>>) offsets(%dma_start3A_331 : memref<64xi32, #tpu.memory_space<vmem>>) semaphore(%run_scoped3A_324 : memref<!tpu.dma_semaphore, #tpu.memory_space<semaphore_mem>>) {add = true}
      %dma_wait3A_339 = arith.constant 0 : i32
      %dma_wait3A_340 = arith.constant 0 : i32
      %dma_wait3A_341 = tpu.memref_slice %arg6[%run_scoped3A_276, %dma_wait3A_339, %dma_wait3A_340] : memref<2x64x128xf32, #tpu.memory_space<vmem>> -> memref<1x64x128xf32, #tpu.memory_space<vmem>>
      %dma_wait3A_342 = tpu.memref_squeeze %dma_wait3A_341 : memref<1x64x128xf32, #tpu.memory_space<vmem>> -> memref<64x128xf32, #tpu.memory_space<vmem>>
      %dma_wait3A_343 = arith.constant 0 : i32
      %dma_wait3A_344 = tpu.memref_slice %arg7[%run_scoped3A_278, %dma_wait3A_343] : memref<2x64xi32, #tpu.memory_space<vmem>> -> memref<1x64xi32, #tpu.memory_space<vmem>>
      %dma_wait3A_345 = tpu.memref_squeeze %dma_wait3A_344 : memref<1x64xi32, #tpu.memory_space<vmem>> -> memref<64xi32, #tpu.memory_space<vmem>>
      %dma_wait3A_346 = arith.constant 0 : i32
      %dma_wait3A_347 = arith.constant 0 : i32
      %dma_wait3A_348 = tpu.memref_slice %arg5[%run_scoped3A_277, %dma_wait3A_346, %dma_wait3A_347] : memref<2x1024x128xf32, #tpu.memory_space<vmem_shared>> -> memref<1x1024x128xf32, #tpu.memory_space<vmem_shared>>
      %dma_wait3A_349 = tpu.memref_squeeze %dma_wait3A_348 : memref<1x1024x128xf32, #tpu.memory_space<vmem_shared>> -> memref<1024x128xf32, #tpu.memory_space<vmem_shared>>
      %dma_wait3A_350 = arith.constant 0 : i32
      %dma_wait3A_351 = arith.constant 0 : i32
      %dma_wait3A_352 = tpu.memref_slice %dma_wait3A_349[%dma_wait3A_350, %dma_wait3A_351] : memref<1024x128xf32, #tpu.memory_space<vmem_shared>> -> memref<1024x128xf32, #tpu.memory_space<vmem_shared>>
      tpu.wait_indirect_dma semaphore(%run_scoped3A_324 : memref<!tpu.dma_semaphore, #tpu.memory_space<semaphore_mem>>) src(%dma_wait3A_342 : memref<64x128xf32, #tpu.memory_space<vmem>>) dst(%dma_wait3A_352 : memref<1024x128xf32, #tpu.memory_space<vmem_shared>>)
      tpu.yield
    }) : () -> ()
    %barrier3A_279 = arith.constant 0 : index
    tpu.barrier barrier_id(%barrier3A_279)
    %run_scoped3A_280 = arith.constant 0 : i32
    "tpu.region"() ({
      %run_scoped3A_324 = tpu.sem_alloc : memref<!tpu.dma_semaphore, #tpu.memory_space<semaphore_mem>>
      %dma_start3A_325 = arith.constant 0 : i32
      %dma_start3A_326 = tpu.memref_slice %arg4[%add3A_202, %mul3A_0, %dma_start3A_325] : memref<8x1024x128xf32, #tpu.memory_space<hbm>> -> memref<1x64x128xf32, #tpu.memory_space<hbm>>
      %dma_start3A_327 = tpu.memref_squeeze %dma_start3A_326 : memref<1x64x128xf32, #tpu.memory_space<hbm>> -> memref<64x128xf32, #tpu.memory_space<hbm>>
      %dma_start3A_328 = arith.constant 0 : i32
      %dma_start3A_329 = tpu.memref_slice %arg5[%run_scoped3A_280, %mul3A_0, %dma_start3A_328] : memref<2x1024x128xf32, #tpu.memory_space<vmem_shared>> -> memref<1x64x128xf32, #tpu.memory_space<vmem_shared>>
      %dma_start3A_330 = tpu.memref_squeeze %dma_start3A_329 : memref<1x64x128xf32, #tpu.memory_space<vmem_shared>> -> memref<64x128xf32, #tpu.memory_space<vmem_shared>>
      tpu.enqueue_dma source(%dma_start3A_330 : memref<64x128xf32, #tpu.memory_space<vmem_shared>>) target(%dma_start3A_327 : memref<64x128xf32, #tpu.memory_space<hbm>>) target_semaphore(%run_scoped3A_324 : memref<!tpu.dma_semaphore, #tpu.memory_space<semaphore_mem>>)
      %dma_wait3A_331 = arith.constant 0 : i32
      %dma_wait3A_332 = tpu.memref_slice %arg4[%add3A_202, %mul3A_0, %dma_wait3A_331] : memref<8x1024x128xf32, #tpu.memory_space<hbm>> -> memref<1x64x128xf32, #tpu.memory_space<hbm>>
      %dma_wait3A_333 = tpu.memref_squeeze %dma_wait3A_332 : memref<1x64x128xf32, #tpu.memory_space<hbm>> -> memref<64x128xf32, #tpu.memory_space<hbm>>
      %dma_wait3A_334 = arith.constant 0 : i32
      %dma_wait3A_335 = tpu.memref_slice %arg5[%run_scoped3A_280, %mul3A_0, %dma_wait3A_334] : memref<2x1024x128xf32, #tpu.memory_space<vmem_shared>> -> memref<1x64x128xf32, #tpu.memory_space<vmem_shared>>
      %dma_wait3A_336 = tpu.memref_squeeze %dma_wait3A_335 : memref<1x64x128xf32, #tpu.memory_space<vmem_shared>> -> memref<64x128xf32, #tpu.memory_space<vmem_shared>>
      tpu.wait_dma2 semaphore(%run_scoped3A_324 : memref<!tpu.dma_semaphore, #tpu.memory_space<semaphore_mem>>) src(%dma_wait3A_336 : memref<64x128xf32, #tpu.memory_space<vmem_shared>>) dst(%dma_wait3A_333 : memref<64x128xf32, #tpu.memory_space<hbm>>)
      tpu.yield
    }) : () -> ()
    %mul3A_281 = arith.constant 4 : i32
    %mul3A_282 = arith.muli %arg0, %mul3A_281 : i32
    %add3A_283 = arith.constant 3 : i32
    %add3A_284 = arith.addi %mul3A_282, %add3A_283 : i32
    %dma_wait3A_285 = arith.constant 1 : i32
    %dma_wait3A_286 = arith.constant 0 : i32
    %dma_wait3A_287 = tpu.memref_slice %arg5[%dma_wait3A_285, %mul3A_0, %dma_wait3A_286] : memref<2x1024x128xf32, #tpu.memory_space<vmem_shared>> -> memref<1x64x128xf32, #tpu.memory_space<vmem_shared>>
    %dma_wait3A_288 = tpu.memref_squeeze %dma_wait3A_287 : memref<1x64x128xf32, #tpu.memory_space<vmem_shared>> -> memref<64x128xf32, #tpu.memory_space<vmem_shared>>
    %dma_wait3A_289 = arith.constant 0 : i32
    %dma_wait3A_290 = tpu.memref_slice %arg2[%add3A_240, %add3A_242, %dma_wait3A_289] : memref<8x2048x128xf32, #tpu.memory_space<hbm>> -> memref<1x64x128xf32, #tpu.memory_space<hbm>>
    %dma_wait3A_291 = tpu.memref_squeeze %dma_wait3A_290 : memref<1x64x128xf32, #tpu.memory_space<hbm>> -> memref<64x128xf32, #tpu.memory_space<hbm>>
    tpu.wait_dma2 semaphore(%arg8 : memref<!tpu.dma_semaphore, #tpu.memory_space<semaphore_mem>>) src(%dma_wait3A_291 : memref<64x128xf32, #tpu.memory_space<hbm>>) dst(%dma_wait3A_288 : memref<64x128xf32, #tpu.memory_space<vmem_shared>>)
    %dma_wait3A_292 = arith.constant 1 : i32
    %dma_wait3A_293 = arith.constant 0 : i32
    %dma_wait3A_294 = tpu.memref_slice %arg7[%dma_wait3A_292, %dma_wait3A_293] : memref<2x64xi32, #tpu.memory_space<vmem>> -> memref<1x64xi32, #tpu.memory_space<vmem>>
    %dma_wait3A_295 = tpu.memref_squeeze %dma_wait3A_294 : memref<1x64xi32, #tpu.memory_space<vmem>> -> memref<64xi32, #tpu.memory_space<vmem>>
    %dma_wait3A_296 = tpu.memref_slice %arg3[%add3A_240, %mul3A_0] : memref<8x1024xi32, #tpu.memory_space<hbm>> -> memref<1x64xi32, #tpu.memory_space<hbm>>
    %dma_wait3A_297 = tpu.memref_squeeze %dma_wait3A_296 : memref<1x64xi32, #tpu.memory_space<hbm>> -> memref<64xi32, #tpu.memory_space<hbm>>
    %dma_wait3A_298 = arith.constant 0 : i32
    %dma_wait3A_299 = tpu.memref_slice %arg7[%dma_wait3A_292, %dma_wait3A_298] : memref<2x64xi32, #tpu.memory_space<vmem>> -> memref<1x64xi32, #tpu.memory_space<vmem>>
    %dma_wait3A_300 = tpu.memref_squeeze %dma_wait3A_299 : memref<1x64xi32, #tpu.memory_space<vmem>> -> memref<64xi32, #tpu.memory_space<vmem>>
    %dma_wait3A_301 = tpu.memref_slice %arg3[%add3A_240, %mul3A_0] : memref<8x1024xi32, #tpu.memory_space<hbm>> -> memref<1x64xi32, #tpu.memory_space<hbm>>
    %dma_wait3A_302 = tpu.memref_squeeze %dma_wait3A_301 : memref<1x64xi32, #tpu.memory_space<hbm>> -> memref<64xi32, #tpu.memory_space<hbm>>
    tpu.wait_dma2 semaphore(%arg8 : memref<!tpu.dma_semaphore, #tpu.memory_space<semaphore_mem>>) src(%dma_wait3A_302 : memref<64xi32, #tpu.memory_space<hbm>>) dst(%dma_wait3A_300 : memref<64xi32, #tpu.memory_space<vmem>>)
    %dma_wait3A_303 = arith.constant 1 : i32
    %dma_wait3A_304 = arith.constant 0 : i32
    %dma_wait3A_305 = arith.constant 0 : i32
    %dma_wait3A_306 = tpu.memref_slice %arg6[%dma_wait3A_303, %dma_wait3A_304, %dma_wait3A_305] : memref<2x64x128xf32, #tpu.memory_space<vmem>> -> memref<1x64x128xf32, #tpu.memory_space<vmem>>
    %dma_wait3A_307 = tpu.memref_squeeze %dma_wait3A_306 : memref<1x64x128xf32, #tpu.memory_space<vmem>> -> memref<64x128xf32, #tpu.memory_space<vmem>>
    %dma_wait3A_308 = arith.constant 0 : i32
    %dma_wait3A_309 = tpu.memref_slice %arg2[%add3A_240, %mul3A_0, %dma_wait3A_308] : memref<8x2048x128xf32, #tpu.memory_space<hbm>> -> memref<1x64x128xf32, #tpu.memory_space<hbm>>
    %dma_wait3A_310 = tpu.memref_squeeze %dma_wait3A_309 : memref<1x64x128xf32, #tpu.memory_space<hbm>> -> memref<64x128xf32, #tpu.memory_space<hbm>>
    %dma_wait3A_311 = arith.constant 0 : i32
    %dma_wait3A_312 = arith.constant 0 : i32
    %dma_wait3A_313 = tpu.memref_slice %arg6[%dma_wait3A_303, %dma_wait3A_311, %dma_wait3A_312] : memref<2x64x128xf32, #tpu.memory_space<vmem>> -> memref<1x64x128xf32, #tpu.memory_space<vmem>>
    %dma_wait3A_314 = tpu.memref_squeeze %dma_wait3A_313 : memref<1x64x128xf32, #tpu.memory_space<vmem>> -> memref<64x128xf32, #tpu.memory_space<vmem>>
    %dma_wait3A_315 = arith.constant 0 : i32
    %dma_wait3A_316 = tpu.memref_slice %arg2[%add3A_240, %mul3A_0, %dma_wait3A_315] : memref<8x2048x128xf32, #tpu.memory_space<hbm>> -> memref<1x64x128xf32, #tpu.memory_space<hbm>>
    %dma_wait3A_317 = tpu.memref_squeeze %dma_wait3A_316 : memref<1x64x128xf32, #tpu.memory_space<hbm>> -> memref<64x128xf32, #tpu.memory_space<hbm>>
    tpu.wait_dma2 semaphore(%arg8 : memref<!tpu.dma_semaphore, #tpu.memory_space<semaphore_mem>>) src(%dma_wait3A_317 : memref<64x128xf32, #tpu.memory_space<hbm>>) dst(%dma_wait3A_314 : memref<64x128xf32, #tpu.memory_space<vmem>>)
    %barrier3A_318 = arith.constant 0 : index
    tpu.barrier barrier_id(%barrier3A_318)
    %run_scoped3A_319 = arith.constant 1 : i32
    %run_scoped3A_320 = arith.constant 1 : i32
    %run_scoped3A_321 = arith.constant 1 : i32
    "tpu.region"() ({
      %run_scoped3A_324 = tpu.sem_alloc : memref<!tpu.dma_semaphore, #tpu.memory_space<semaphore_mem>>
      %dma_start3A_325 = arith.constant 0 : i32
      %dma_start3A_326 = arith.constant 0 : i32
      %dma_start3A_327 = tpu.memref_slice %arg6[%run_scoped3A_319, %dma_start3A_325, %dma_start3A_326] : memref<2x64x128xf32, #tpu.memory_space<vmem>> -> memref<1x64x128xf32, #tpu.memory_space<vmem>>
      %dma_start3A_328 = tpu.memref_squeeze %dma_start3A_327 : memref<1x64x128xf32, #tpu.memory_space<vmem>> -> memref<64x128xf32, #tpu.memory_space<vmem>>
      %dma_start3A_329 = arith.constant 0 : i32
      %dma_start3A_330 = tpu.memref_slice %arg7[%run_scoped3A_321, %dma_start3A_329] : memref<2x64xi32, #tpu.memory_space<vmem>> -> memref<1x64xi32, #tpu.memory_space<vmem>>
      %dma_start3A_331 = tpu.memref_squeeze %dma_start3A_330 : memref<1x64xi32, #tpu.memory_space<vmem>> -> memref<64xi32, #tpu.memory_space<vmem>>
      %dma_start3A_332 = arith.constant 0 : i32
      %dma_start3A_333 = arith.constant 0 : i32
      %dma_start3A_334 = tpu.memref_slice %arg5[%run_scoped3A_320, %dma_start3A_332, %dma_start3A_333] : memref<2x1024x128xf32, #tpu.memory_space<vmem_shared>> -> memref<1x1024x128xf32, #tpu.memory_space<vmem_shared>>
      %dma_start3A_335 = tpu.memref_squeeze %dma_start3A_334 : memref<1x1024x128xf32, #tpu.memory_space<vmem_shared>> -> memref<1024x128xf32, #tpu.memory_space<vmem_shared>>
      %dma_start3A_336 = arith.constant 0 : i32
      %dma_start3A_337 = arith.constant 0 : i32
      %dma_start3A_338 = tpu.memref_slice %dma_start3A_335[%dma_start3A_336, %dma_start3A_337] : memref<1024x128xf32, #tpu.memory_space<vmem_shared>> -> memref<1024x128xf32, #tpu.memory_space<vmem_shared>>
      tpu.enqueue_indirect_dma source(%dma_start3A_328 : memref<64x128xf32, #tpu.memory_space<vmem>>) target(%dma_start3A_338 : memref<1024x128xf32, #tpu.memory_space<vmem_shared>>) offsets(%dma_start3A_331 : memref<64xi32, #tpu.memory_space<vmem>>) semaphore(%run_scoped3A_324 : memref<!tpu.dma_semaphore, #tpu.memory_space<semaphore_mem>>) {add = true}
      %dma_wait3A_339 = arith.constant 0 : i32
      %dma_wait3A_340 = arith.constant 0 : i32
      %dma_wait3A_341 = tpu.memref_slice %arg6[%run_scoped3A_319, %dma_wait3A_339, %dma_wait3A_340] : memref<2x64x128xf32, #tpu.memory_space<vmem>> -> memref<1x64x128xf32, #tpu.memory_space<vmem>>
      %dma_wait3A_342 = tpu.memref_squeeze %dma_wait3A_341 : memref<1x64x128xf32, #tpu.memory_space<vmem>> -> memref<64x128xf32, #tpu.memory_space<vmem>>
      %dma_wait3A_343 = arith.constant 0 : i32
      %dma_wait3A_344 = tpu.memref_slice %arg7[%run_scoped3A_321, %dma_wait3A_343] : memref<2x64xi32, #tpu.memory_space<vmem>> -> memref<1x64xi32, #tpu.memory_space<vmem>>
      %dma_wait3A_345 = tpu.memref_squeeze %dma_wait3A_344 : memref<1x64xi32, #tpu.memory_space<vmem>> -> memref<64xi32, #tpu.memory_space<vmem>>
      %dma_wait3A_346 = arith.constant 0 : i32
      %dma_wait3A_347 = arith.constant 0 : i32
      %dma_wait3A_348 = tpu.memref_slice %arg5[%run_scoped3A_320, %dma_wait3A_346, %dma_wait3A_347] : memref<2x1024x128xf32, #tpu.memory_space<vmem_shared>> -> memref<1x1024x128xf32, #tpu.memory_space<vmem_shared>>
      %dma_wait3A_349 = tpu.memref_squeeze %dma_wait3A_348 : memref<1x1024x128xf32, #tpu.memory_space<vmem_shared>> -> memref<1024x128xf32, #tpu.memory_space<vmem_shared>>
      %dma_wait3A_350 = arith.constant 0 : i32
      %dma_wait3A_351 = arith.constant 0 : i32
      %dma_wait3A_352 = tpu.memref_slice %dma_wait3A_349[%dma_wait3A_350, %dma_wait3A_351] : memref<1024x128xf32, #tpu.memory_space<vmem_shared>> -> memref<1024x128xf32, #tpu.memory_space<vmem_shared>>
      tpu.wait_indirect_dma semaphore(%run_scoped3A_324 : memref<!tpu.dma_semaphore, #tpu.memory_space<semaphore_mem>>) src(%dma_wait3A_342 : memref<64x128xf32, #tpu.memory_space<vmem>>) dst(%dma_wait3A_352 : memref<1024x128xf32, #tpu.memory_space<vmem_shared>>)
      tpu.yield
    }) : () -> ()
    %barrier3A_322 = arith.constant 0 : index
    tpu.barrier barrier_id(%barrier3A_322)
    %run_scoped3A_323 = arith.constant 1 : i32
    "tpu.region"() ({
      %run_scoped3A_324 = tpu.sem_alloc : memref<!tpu.dma_semaphore, #tpu.memory_space<semaphore_mem>>
      %dma_start3A_325 = arith.constant 0 : i32
      %dma_start3A_326 = tpu.memref_slice %arg4[%add3A_284, %mul3A_0, %dma_start3A_325] : memref<8x1024x128xf32, #tpu.memory_space<hbm>> -> memref<1x64x128xf32, #tpu.memory_space<hbm>>
      %dma_start3A_327 = tpu.memref_squeeze %dma_start3A_326 : memref<1x64x128xf32, #tpu.memory_space<hbm>> -> memref<64x128xf32, #tpu.memory_space<hbm>>
      %dma_start3A_328 = arith.constant 0 : i32
      %dma_start3A_329 = tpu.memref_slice %arg5[%run_scoped3A_323, %mul3A_0, %dma_start3A_328] : memref<2x1024x128xf32, #tpu.memory_space<vmem_shared>> -> memref<1x64x128xf32, #tpu.memory_space<vmem_shared>>
      %dma_start3A_330 = tpu.memref_squeeze %dma_start3A_329 : memref<1x64x128xf32, #tpu.memory_space<vmem_shared>> -> memref<64x128xf32, #tpu.memory_space<vmem_shared>>
      tpu.enqueue_dma source(%dma_start3A_330 : memref<64x128xf32, #tpu.memory_space<vmem_shared>>) target(%dma_start3A_327 : memref<64x128xf32, #tpu.memory_space<hbm>>) target_semaphore(%run_scoped3A_324 : memref<!tpu.dma_semaphore, #tpu.memory_space<semaphore_mem>>)
      %dma_wait3A_331 = arith.constant 0 : i32
      %dma_wait3A_332 = tpu.memref_slice %arg4[%add3A_284, %mul3A_0, %dma_wait3A_331] : memref<8x1024x128xf32, #tpu.memory_space<hbm>> -> memref<1x64x128xf32, #tpu.memory_space<hbm>>
      %dma_wait3A_333 = tpu.memref_squeeze %dma_wait3A_332 : memref<1x64x128xf32, #tpu.memory_space<hbm>> -> memref<64x128xf32, #tpu.memory_space<hbm>>
      %dma_wait3A_334 = arith.constant 0 : i32
      %dma_wait3A_335 = tpu.memref_slice %arg5[%run_scoped3A_323, %mul3A_0, %dma_wait3A_334] : memref<2x1024x128xf32, #tpu.memory_space<vmem_shared>> -> memref<1x64x128xf32, #tpu.memory_space<vmem_shared>>
      %dma_wait3A_336 = tpu.memref_squeeze %dma_wait3A_335 : memref<1x64x128xf32, #tpu.memory_space<vmem_shared>> -> memref<64x128xf32, #tpu.memory_space<vmem_shared>>
      tpu.wait_dma2 semaphore(%run_scoped3A_324 : memref<!tpu.dma_semaphore, #tpu.memory_space<semaphore_mem>>) src(%dma_wait3A_336 : memref<64x128xf32, #tpu.memory_space<vmem_shared>>) dst(%dma_wait3A_333 : memref<64x128xf32, #tpu.memory_space<hbm>>)
      tpu.yield
    }) : () -> ()
    return
  }
}

module attributes {stable_mosaic.version = 14 : i64} {
  func.func @_k1_body(%arg0: i32, %arg1: memref<1x96x4096xf32, #tpu.memory_space<vmem>>, %arg2: memref<2x2xf32, #tpu.memory_space<smem>>, %arg3: memref<1x4096x128xf32, #tpu.memory_space<vmem>>, %arg4: memref<1x1x2048xi32, #tpu.memory_space<vmem>>, %arg5: memref<2048x2048xf32, #tpu.memory_space<vmem>>) attributes {dimension_semantics = [#tpu.dimension_semantics<arbitrary>], iteration_bounds = array<i64: 8>, scalar_prefetch = 0 : i64, scratch_operands = 1 : i64, tpu.core_type = #tpu.core_type<tc>, window_params = [{transform_indices = @transform_0, window_bounds = array<i64: 1, 96, 4096>}, {transform_indices = @transform_1, window_bounds = array<i64: 2, 2>}, {transform_indices = @transform_2, window_bounds = array<i64: 1, 4096, 128>}, {transform_indices = @transform_3, window_bounds = array<i64: 1, 1, 2048>}]} {
    %eq3A = arith.constant 0 : i32
    %eq3A_0 = arith.cmpi eq, %arg0, %eq3A : i32
    %convert_element_type3A = arith.extui %eq3A_0 : i1 to i32
    %cond3A = arith.constant 0 : i32
    %cond3A_1 = arith.cmpi ne, %convert_element_type3A, %cond3A : i32
    scf.if %cond3A_1 {
      %get3A_83 = arith.constant 0 : index
      %get3A_84 = arith.constant 1 : index
      %get3A_85 = memref.load %arg2[%get3A_83, %get3A_84] : memref<2x2xf32, #tpu.memory_space<smem>>
      %iota3A_86 = tpu.iota {dimensions = array<i32: 0>} : vector<2048x1xi32>
      %jit3A_87 = arith.constant 64 : i32
      %div3A_88 = vector.broadcast %jit3A_87 : i32 to vector<2048x1xi32>
      %div3A_89 = arith.divsi %iota3A_86, %div3A_88 : vector<2048x1xi32>
      %sign3A = arith.constant 0 : i32
      %sign3A_90 = vector.broadcast %sign3A : i32 to vector<2048x1xi32>
      %sign3A_91 = arith.cmpi sgt, %iota3A_86, %sign3A_90 : vector<2048x1xi32>
      %sign3A_92 = arith.extui %sign3A_91 : vector<2048x1xi1> to vector<2048x1xi32>
      %sign3A_93 = arith.constant 0 : i32
      %sign3A_94 = vector.broadcast %sign3A_93 : i32 to vector<2048x1xi32>
      %sign3A_95 = arith.cmpi slt, %iota3A_86, %sign3A_94 : vector<2048x1xi32>
      %sign3A_96 = arith.extui %sign3A_95 : vector<2048x1xi1> to vector<2048x1xi32>
      %sign3A_97 = arith.subi %sign3A_92, %sign3A_96 : vector<2048x1xi32>
      %sign3A_98 = arith.constant 0 : i32
      %sign3A_99 = arith.cmpi sgt, %jit3A_87, %sign3A_98 : i32
      %sign3A_100 = arith.extui %sign3A_99 : i1 to i32
      %sign3A_101 = arith.constant 0 : i32
      %sign3A_102 = arith.cmpi slt, %jit3A_87, %sign3A_101 : i32
      %sign3A_103 = arith.extui %sign3A_102 : i1 to i32
      %sign3A_104 = arith.subi %sign3A_100, %sign3A_103 : i32
      %ne3A = vector.broadcast %sign3A_104 : i32 to vector<2048x1xi32>
      %ne3A_105 = arith.cmpi ne, %sign3A_97, %ne3A : vector<2048x1xi32>
      %rem3A = vector.broadcast %jit3A_87 : i32 to vector<2048x1xi32>
      %rem3A_106 = arith.remsi %iota3A_86, %rem3A : vector<2048x1xi32>
      %ne3A_107 = arith.constant 0 : i32
      %ne3A_108 = vector.broadcast %ne3A_107 : i32 to vector<2048x1xi32>
      %ne3A_109 = arith.cmpi ne, %rem3A_106, %ne3A_108 : vector<2048x1xi32>
      %and3A = arith.andi %ne3A_105, %ne3A_109 : vector<2048x1xi1>
      %sub3A = arith.constant 1 : i32
      %sub3A_110 = vector.broadcast %sub3A : i32 to vector<2048x1xi32>
      %sub3A_111 = arith.subi %div3A_89, %sub3A_110 : vector<2048x1xi32>
      %select_n3A_112 = arith.select %and3A, %sub3A_111, %div3A_89 : vector<2048x1xi1>, vector<2048x1xi32>
      %convert_element_type3A_113 = arith.sitofp %select_n3A_112 : vector<2048x1xi32> to vector<2048x1xf32>
      %jit3A_114 = arith.constant 64 : i32
      %eq3A_115 = arith.constant 0 : i32
      %eq3A_116 = arith.cmpi eq, %jit3A_114, %eq3A_115 : i32
      %jit3A_117 = arith.constant 1 : i32
      %select_n3A_118 = arith.select %eq3A_116, %jit3A_117, %jit3A_114 : i32
      %rem3A_119 = vector.broadcast %select_n3A_118 : i32 to vector<2048x1xi32>
      %rem3A_120 = arith.remsi %iota3A_86, %rem3A_119 : vector<2048x1xi32>
      %ne3A_121 = arith.constant 0 : i32
      %ne3A_122 = vector.broadcast %ne3A_121 : i32 to vector<2048x1xi32>
      %ne3A_123 = arith.cmpi ne, %rem3A_120, %ne3A_122 : vector<2048x1xi32>
      %lt3A = arith.constant 0 : i32
      %lt3A_124 = vector.broadcast %lt3A : i32 to vector<2048x1xi32>
      %lt3A_125 = arith.cmpi slt, %rem3A_120, %lt3A_124 : vector<2048x1xi32>
      %lt3A_126 = arith.constant 0 : i32
      %lt3A_127 = arith.cmpi slt, %select_n3A_118, %lt3A_126 : i32
      %ne3A_128 = vector.broadcast %lt3A_127 : i1 to vector<2048x1xi1>
      %ne3A_129 = vector.broadcast %ne3A_128 : vector<2048x1xi1> to vector<2048x1xi1>
      %ne3A_130 = arith.xori %lt3A_125, %ne3A_129 : vector<2048x1xi1>
      %and3A_131 = arith.andi %ne3A_130, %ne3A_123 : vector<2048x1xi1>
      %add3A_132 = vector.broadcast %select_n3A_118 : i32 to vector<2048x1xi32>
      %add3A_133 = arith.addi %rem3A_120, %add3A_132 : vector<2048x1xi32>
      %select_n3A_134 = arith.select %and3A_131, %add3A_133, %rem3A_120 : vector<2048x1xi1>, vector<2048x1xi32>
      %convert_element_type3A_135 = arith.sitofp %select_n3A_134 : vector<2048x1xi32> to vector<2048x1xf32>
      %iota3A_136 = tpu.iota {dimensions = array<i32: 1>} : vector<1x1024xi32>
      %add3A_137 = arith.constant 2048 : i32
      %add3A_138 = vector.broadcast %add3A_137 : i32 to vector<1x1024xi32>
      %add3A_139 = arith.addi %iota3A_136, %add3A_138 : vector<1x1024xi32>
      %jit3A_140 = arith.constant 64 : i32
      %div3A_141 = vector.broadcast %jit3A_140 : i32 to vector<1x1024xi32>
      %div3A_142 = arith.divsi %add3A_139, %div3A_141 : vector<1x1024xi32>
      %sign3A_143 = arith.constant 0 : i32
      %sign3A_144 = vector.broadcast %sign3A_143 : i32 to vector<1x1024xi32>
      %sign3A_145 = arith.cmpi sgt, %add3A_139, %sign3A_144 : vector<1x1024xi32>
      %sign3A_146 = arith.extui %sign3A_145 : vector<1x1024xi1> to vector<1x1024xi32>
      %sign3A_147 = arith.constant 0 : i32
      %sign3A_148 = vector.broadcast %sign3A_147 : i32 to vector<1x1024xi32>
      %sign3A_149 = arith.cmpi slt, %add3A_139, %sign3A_148 : vector<1x1024xi32>
      %sign3A_150 = arith.extui %sign3A_149 : vector<1x1024xi1> to vector<1x1024xi32>
      %sign3A_151 = arith.subi %sign3A_146, %sign3A_150 : vector<1x1024xi32>
      %sign3A_152 = arith.constant 0 : i32
      %sign3A_153 = arith.cmpi sgt, %jit3A_140, %sign3A_152 : i32
      %sign3A_154 = arith.extui %sign3A_153 : i1 to i32
      %sign3A_155 = arith.constant 0 : i32
      %sign3A_156 = arith.cmpi slt, %jit3A_140, %sign3A_155 : i32
      %sign3A_157 = arith.extui %sign3A_156 : i1 to i32
      %sign3A_158 = arith.subi %sign3A_154, %sign3A_157 : i32
      %ne3A_159 = vector.broadcast %sign3A_158 : i32 to vector<1x1024xi32>
      %ne3A_160 = arith.cmpi ne, %sign3A_151, %ne3A_159 : vector<1x1024xi32>
      %rem3A_161 = vector.broadcast %jit3A_140 : i32 to vector<1x1024xi32>
      %rem3A_162 = arith.remsi %add3A_139, %rem3A_161 : vector<1x1024xi32>
      %ne3A_163 = arith.constant 0 : i32
      %ne3A_164 = vector.broadcast %ne3A_163 : i32 to vector<1x1024xi32>
      %ne3A_165 = arith.cmpi ne, %rem3A_162, %ne3A_164 : vector<1x1024xi32>
      %and3A_166 = arith.andi %ne3A_160, %ne3A_165 : vector<1x1024xi1>
      %sub3A_167 = arith.constant 1 : i32
      %sub3A_168 = vector.broadcast %sub3A_167 : i32 to vector<1x1024xi32>
      %sub3A_169 = arith.subi %div3A_142, %sub3A_168 : vector<1x1024xi32>
      %select_n3A_170 = arith.select %and3A_166, %sub3A_169, %div3A_142 : vector<1x1024xi1>, vector<1x1024xi32>
      %convert_element_type3A_171 = arith.sitofp %select_n3A_170 : vector<1x1024xi32> to vector<1x1024xf32>
      %jit3A_172 = arith.constant 64 : i32
      %eq3A_173 = arith.constant 0 : i32
      %eq3A_174 = arith.cmpi eq, %jit3A_172, %eq3A_173 : i32
      %jit3A_175 = arith.constant 1 : i32
      %select_n3A_176 = arith.select %eq3A_174, %jit3A_175, %jit3A_172 : i32
      %rem3A_177 = vector.broadcast %select_n3A_176 : i32 to vector<1x1024xi32>
      %rem3A_178 = arith.remsi %add3A_139, %rem3A_177 : vector<1x1024xi32>
      %ne3A_179 = arith.constant 0 : i32
      %ne3A_180 = vector.broadcast %ne3A_179 : i32 to vector<1x1024xi32>
      %ne3A_181 = arith.cmpi ne, %rem3A_178, %ne3A_180 : vector<1x1024xi32>
      %lt3A_182 = arith.constant 0 : i32
      %lt3A_183 = vector.broadcast %lt3A_182 : i32 to vector<1x1024xi32>
      %lt3A_184 = arith.cmpi slt, %rem3A_178, %lt3A_183 : vector<1x1024xi32>
      %lt3A_185 = arith.constant 0 : i32
      %lt3A_186 = arith.cmpi slt, %select_n3A_176, %lt3A_185 : i32
      %ne3A_187 = vector.broadcast %lt3A_186 : i1 to vector<1x1024xi1>
      %ne3A_188 = vector.broadcast %ne3A_187 : vector<1x1024xi1> to vector<1x1024xi1>
      %ne3A_189 = arith.xori %lt3A_184, %ne3A_188 : vector<1x1024xi1>
      %and3A_190 = arith.andi %ne3A_189, %ne3A_181 : vector<1x1024xi1>
      %add3A_191 = vector.broadcast %select_n3A_176 : i32 to vector<1x1024xi32>
      %add3A_192 = arith.addi %rem3A_178, %add3A_191 : vector<1x1024xi32>
      %select_n3A_193 = arith.select %and3A_190, %add3A_192, %rem3A_178 : vector<1x1024xi1>, vector<1x1024xi32>
      %convert_element_type3A_194 = arith.sitofp %select_n3A_193 : vector<1x1024xi32> to vector<1x1024xf32>
      %sub3A_195 = vector.broadcast %convert_element_type3A_113 : vector<2048x1xf32> to vector<2048x1024xf32>
      %sub3A_196 = vector.broadcast %convert_element_type3A_171 : vector<1x1024xf32> to vector<2048x1024xf32>
      %sub3A_197 = arith.subf %sub3A_195, %sub3A_196 : vector<2048x1024xf32>
      %sub3A_198 = vector.broadcast %convert_element_type3A_135 : vector<2048x1xf32> to vector<2048x1024xf32>
      %sub3A_199 = vector.broadcast %convert_element_type3A_194 : vector<1x1024xf32> to vector<2048x1024xf32>
      %sub3A_200 = arith.subf %sub3A_198, %sub3A_199 : vector<2048x1024xf32>
      %mul3A_201 = arith.mulf %sub3A_197, %sub3A_197 : vector<2048x1024xf32>
      %mul3A_202 = arith.mulf %sub3A_200, %sub3A_200 : vector<2048x1024xf32>
      %add3A_203 = arith.addf %mul3A_201, %mul3A_202 : vector<2048x1024xf32>
      %sqrt3A_204 = math.sqrt %add3A_203 : vector<2048x1024xf32>
      %add3A_205 = arith.constant 9.99999997E-7 : f32
      %add3A_206 = vector.broadcast %add3A_205 : f32 to vector<2048x1024xf32>
      %add3A_207 = arith.addf %sqrt3A_204, %add3A_206 : vector<2048x1024xf32>
      %div3A_208 = arith.constant 1.000000e+00 : f32
      %div3A_209 = vector.broadcast %div3A_208 : f32 to vector<2048x1024xf32>
      %div3A_210 = arith.divf %div3A_209, %add3A_207 : vector<2048x1024xf32>
      %mul3A_211 = vector.broadcast %get3A_85 : f32 to vector<2048x1024xf32>
      %mul3A_212 = arith.mulf %mul3A_211, %div3A_210 : vector<2048x1024xf32>
      %swap3A_213 = arith.constant 0 : index
      %swap3A_214 = arith.constant 0 : index
      %swap3A_215 = vector.load %arg5[%swap3A_213, %swap3A_214] : memref<2048x2048xf32, #tpu.memory_space<vmem>>, vector<2048x1024xf32>
      tpu.vector_store %arg5[%swap3A_213, %swap3A_214], %mul3A_212 {strides = array<i32>} : memref<2048x2048xf32, #tpu.memory_space<vmem>>, vector<2048x1024xf32>,
      %iota3A_216 = tpu.iota {dimensions = array<i32: 1>} : vector<1x1024xi32>
      %add3A_217 = arith.constant 3072 : i32
      %add3A_218 = vector.broadcast %add3A_217 : i32 to vector<1x1024xi32>
      %add3A_219 = arith.addi %iota3A_216, %add3A_218 : vector<1x1024xi32>
      %jit3A_220 = arith.constant 64 : i32
      %div3A_221 = vector.broadcast %jit3A_220 : i32 to vector<1x1024xi32>
      %div3A_222 = arith.divsi %add3A_219, %div3A_221 : vector<1x1024xi32>
      %sign3A_223 = arith.constant 0 : i32
      %sign3A_224 = vector.broadcast %sign3A_223 : i32 to vector<1x1024xi32>
      %sign3A_225 = arith.cmpi sgt, %add3A_219, %sign3A_224 : vector<1x1024xi32>
      %sign3A_226 = arith.extui %sign3A_225 : vector<1x1024xi1> to vector<1x1024xi32>
      %sign3A_227 = arith.constant 0 : i32
      %sign3A_228 = vector.broadcast %sign3A_227 : i32 to vector<1x1024xi32>
      %sign3A_229 = arith.cmpi slt, %add3A_219, %sign3A_228 : vector<1x1024xi32>
      %sign3A_230 = arith.extui %sign3A_229 : vector<1x1024xi1> to vector<1x1024xi32>
      %sign3A_231 = arith.subi %sign3A_226, %sign3A_230 : vector<1x1024xi32>
      %sign3A_232 = arith.constant 0 : i32
      %sign3A_233 = arith.cmpi sgt, %jit3A_220, %sign3A_232 : i32
      %sign3A_234 = arith.extui %sign3A_233 : i1 to i32
      %sign3A_235 = arith.constant 0 : i32
      %sign3A_236 = arith.cmpi slt, %jit3A_220, %sign3A_235 : i32
      %sign3A_237 = arith.extui %sign3A_236 : i1 to i32
      %sign3A_238 = arith.subi %sign3A_234, %sign3A_237 : i32
      %ne3A_239 = vector.broadcast %sign3A_238 : i32 to vector<1x1024xi32>
      %ne3A_240 = arith.cmpi ne, %sign3A_231, %ne3A_239 : vector<1x1024xi32>
      %rem3A_241 = vector.broadcast %jit3A_220 : i32 to vector<1x1024xi32>
      %rem3A_242 = arith.remsi %add3A_219, %rem3A_241 : vector<1x1024xi32>
      %ne3A_243 = arith.constant 0 : i32
      %ne3A_244 = vector.broadcast %ne3A_243 : i32 to vector<1x1024xi32>
      %ne3A_245 = arith.cmpi ne, %rem3A_242, %ne3A_244 : vector<1x1024xi32>
      %and3A_246 = arith.andi %ne3A_240, %ne3A_245 : vector<1x1024xi1>
      %sub3A_247 = arith.constant 1 : i32
      %sub3A_248 = vector.broadcast %sub3A_247 : i32 to vector<1x1024xi32>
      %sub3A_249 = arith.subi %div3A_222, %sub3A_248 : vector<1x1024xi32>
      %select_n3A_250 = arith.select %and3A_246, %sub3A_249, %div3A_222 : vector<1x1024xi1>, vector<1x1024xi32>
      %convert_element_type3A_251 = arith.sitofp %select_n3A_250 : vector<1x1024xi32> to vector<1x1024xf32>
      %jit3A_252 = arith.constant 64 : i32
      %eq3A_253 = arith.constant 0 : i32
      %eq3A_254 = arith.cmpi eq, %jit3A_252, %eq3A_253 : i32
      %jit3A_255 = arith.constant 1 : i32
      %select_n3A_256 = arith.select %eq3A_254, %jit3A_255, %jit3A_252 : i32
      %rem3A_257 = vector.broadcast %select_n3A_256 : i32 to vector<1x1024xi32>
      %rem3A_258 = arith.remsi %add3A_219, %rem3A_257 : vector<1x1024xi32>
      %ne3A_259 = arith.constant 0 : i32
      %ne3A_260 = vector.broadcast %ne3A_259 : i32 to vector<1x1024xi32>
      %ne3A_261 = arith.cmpi ne, %rem3A_258, %ne3A_260 : vector<1x1024xi32>
      %lt3A_262 = arith.constant 0 : i32
      %lt3A_263 = vector.broadcast %lt3A_262 : i32 to vector<1x1024xi32>
      %lt3A_264 = arith.cmpi slt, %rem3A_258, %lt3A_263 : vector<1x1024xi32>
      %lt3A_265 = arith.constant 0 : i32
      %lt3A_266 = arith.cmpi slt, %select_n3A_256, %lt3A_265 : i32
      %ne3A_267 = vector.broadcast %lt3A_266 : i1 to vector<1x1024xi1>
      %ne3A_268 = vector.broadcast %ne3A_267 : vector<1x1024xi1> to vector<1x1024xi1>
      %ne3A_269 = arith.xori %lt3A_264, %ne3A_268 : vector<1x1024xi1>
      %and3A_270 = arith.andi %ne3A_269, %ne3A_261 : vector<1x1024xi1>
      %add3A_271 = vector.broadcast %select_n3A_256 : i32 to vector<1x1024xi32>
      %add3A_272 = arith.addi %rem3A_258, %add3A_271 : vector<1x1024xi32>
      %select_n3A_273 = arith.select %and3A_270, %add3A_272, %rem3A_258 : vector<1x1024xi1>, vector<1x1024xi32>
      %convert_element_type3A_274 = arith.sitofp %select_n3A_273 : vector<1x1024xi32> to vector<1x1024xf32>
      %sub3A_275 = vector.broadcast %convert_element_type3A_113 : vector<2048x1xf32> to vector<2048x1024xf32>
      %sub3A_276 = vector.broadcast %convert_element_type3A_251 : vector<1x1024xf32> to vector<2048x1024xf32>
      %sub3A_277 = arith.subf %sub3A_275, %sub3A_276 : vector<2048x1024xf32>
      %sub3A_278 = vector.broadcast %convert_element_type3A_135 : vector<2048x1xf32> to vector<2048x1024xf32>
      %sub3A_279 = vector.broadcast %convert_element_type3A_274 : vector<1x1024xf32> to vector<2048x1024xf32>
      %sub3A_280 = arith.subf %sub3A_278, %sub3A_279 : vector<2048x1024xf32>
      %mul3A_281 = arith.mulf %sub3A_277, %sub3A_277 : vector<2048x1024xf32>
      %mul3A_282 = arith.mulf %sub3A_280, %sub3A_280 : vector<2048x1024xf32>
      %add3A_283 = arith.addf %mul3A_281, %mul3A_282 : vector<2048x1024xf32>
      %sqrt3A_284 = math.sqrt %add3A_283 : vector<2048x1024xf32>
      %add3A_285 = arith.constant 9.99999997E-7 : f32
      %add3A_286 = vector.broadcast %add3A_285 : f32 to vector<2048x1024xf32>
      %add3A_287 = arith.addf %sqrt3A_284, %add3A_286 : vector<2048x1024xf32>
      %div3A_288 = arith.constant 1.000000e+00 : f32
      %div3A_289 = vector.broadcast %div3A_288 : f32 to vector<2048x1024xf32>
      %div3A_290 = arith.divf %div3A_289, %add3A_287 : vector<2048x1024xf32>
      %mul3A_291 = vector.broadcast %get3A_85 : f32 to vector<2048x1024xf32>
      %mul3A_292 = arith.mulf %mul3A_291, %div3A_290 : vector<2048x1024xf32>
      %swap3A_293 = arith.constant 0 : index
      %swap3A_294 = arith.constant 1024 : index
      %swap3A_295 = vector.load %arg5[%swap3A_293, %swap3A_294] : memref<2048x2048xf32, #tpu.memory_space<vmem>>, vector<2048x1024xf32>
      tpu.vector_store %arg5[%swap3A_293, %swap3A_294], %mul3A_292 {strides = array<i32>} : memref<2048x2048xf32, #tpu.memory_space<vmem>>, vector<2048x1024xf32>,
    } else {
    }
    %get3A = arith.constant 0 : index
    %get3A_2 = arith.constant 0 : index
    %get3A_3 = arith.constant 0 : index
    %get3A_4 = vector.load %arg1[%get3A, %get3A_2, %get3A_3] : memref<1x96x4096xf32, #tpu.memory_space<vmem>>, vector<1x96x4096xf32>
    %get3A_5 = vector.shape_cast %get3A_4 : vector<1x96x4096xf32> to vector<96x4096xf32>
    %get3A_6 = arith.constant 0 : index
    %get3A_7 = arith.constant 0 : index
    %get3A_8 = memref.load %arg2[%get3A_6, %get3A_7] : memref<2x2xf32, #tpu.memory_space<smem>>
    %mul3A = arith.mulf %get3A_5, %get3A_5 : vector<96x4096xf32>
    %reduce_sum3A = arith.constant dense<0.000000e+00> : vector<4096xf32>
    %reduce_sum3A_9 = vector.multi_reduction <add>, %mul3A, %reduce_sum3A [0] : vector<96x4096xf32> to vector<4096xf32>
    %broadcast_in_dim3A = vector.shape_cast %reduce_sum3A_9 : vector<4096xf32> to vector<1x4096xf32>
    %sqrt3A = math.sqrt %broadcast_in_dim3A : vector<1x4096xf32>
    %slice3A = vector.extract_strided_slice %get3A_5 {offsets = [0, 0], sizes = [96, 2048], strides = [1, 1]} : vector<96x4096xf32> to vector<96x2048xf32>
    %slice3A_10 = vector.extract_strided_slice %sqrt3A {offsets = [0, 0], sizes = [1, 2048], strides = [1, 1]} : vector<1x4096xf32> to vector<1x2048xf32>
    %div3A = vector.broadcast %slice3A_10 : vector<1x2048xf32> to vector<96x2048xf32>
    %div3A_11 = arith.divf %slice3A, %div3A : vector<96x2048xf32>
    %convert_element_type3A_12 = arith.truncf %div3A_11 : vector<96x2048xf32> to vector<96x2048xbf16>
    %slice3A_13 = vector.extract_strided_slice %get3A_5 {offsets = [0, 2048], sizes = [96, 2048], strides = [1, 1]} : vector<96x4096xf32> to vector<96x2048xf32>
    %slice3A_14 = vector.extract_strided_slice %sqrt3A {offsets = [0, 2048], sizes = [1, 2048], strides = [1, 1]} : vector<1x4096xf32> to vector<1x2048xf32>
    %div3A_15 = vector.broadcast %slice3A_14 : vector<1x2048xf32> to vector<96x2048xf32>
    %div3A_16 = arith.divf %slice3A_13, %div3A_15 : vector<96x2048xf32>
    %convert_element_type3A_17 = arith.truncf %div3A_16 : vector<96x2048xf32> to vector<96x2048xbf16>
    %broadcast_in_dim3A_18 = arith.constant 0xFF800000 : f32
    %broadcast_in_dim3A_19 = vector.broadcast %broadcast_in_dim3A_18 : f32 to vector<2048x1xf32>
    %broadcast_in_dim3A_20 = arith.constant 0 : i32
    %broadcast_in_dim3A_21 = vector.broadcast %broadcast_in_dim3A_20 : i32 to vector<2048x1xi32>
    %slice3A_22 = vector.extract_strided_slice %convert_element_type3A_17 {offsets = [0, 0], sizes = [96, 1024], strides = [1, 1]} : vector<96x2048xbf16> to vector<96x1024xbf16>
    %dot_general3A = arith.constant dense<0.000000e+00> : vector<2048x1024xf32>
    %dot_general3A_23 = tpu.matmul %convert_element_type3A_12, %slice3A_22, %dot_general3A {dimension_numbers = #tpu.dot_dimension_numbers<[0], [0], [1], [1], [0, 1, 1, 1], [], []>, transpose_lhs_hint = false} : vector<96x2048xbf16>, vector<96x1024xbf16>, vector<2048x1024xf32> -> vector<2048x1024xf32>
    %mul3A_24 = vector.broadcast %get3A_8 : f32 to vector<2048x1024xf32>
    %mul3A_25 = arith.mulf %mul3A_24, %dot_general3A_23 : vector<2048x1024xf32>
    %get3A_26 = arith.constant 0 : index
    %get3A_27 = arith.constant 0 : index
    %get3A_28 = vector.load %arg5[%get3A_26, %get3A_27] : memref<2048x2048xf32, #tpu.memory_space<vmem>>, vector<2048x1024xf32>
    %add3A = arith.addf %mul3A_25, %get3A_28 : vector<2048x1024xf32>
    %reduce_max3A = arith.constant dense<0xFF800000> : vector<2048xf32>
    %reduce_max3A_29 = vector.multi_reduction <maximumf>, %add3A, %reduce_max3A [1] : vector<2048x1024xf32> to vector<2048xf32>
    %broadcast_in_dim3A_30 = vector.shape_cast %reduce_max3A_29 : vector<2048xf32> to vector<2048x1xf32>
    %iota3A = tpu.iota {dimensions = array<i32: 1>} : vector<2048x1024xi32>
    %add3A_31 = arith.constant 0 : i32
    %add3A_32 = vector.broadcast %add3A_31 : i32 to vector<2048x1024xi32>
    %add3A_33 = arith.addi %iota3A, %add3A_32 : vector<2048x1024xi32>
    %eq3A_34 = vector.broadcast %broadcast_in_dim3A_30 : vector<2048x1xf32> to vector<2048x1024xf32>
    %eq3A_35 = arith.cmpf oeq, %add3A, %eq3A_34 : vector<2048x1024xf32>
    %jit3A = arith.constant 2048 : i32
    %broadcast_in_dim3A_36 = vector.broadcast %jit3A : i32 to vector<2048x1024xi32>
    %select_n3A = arith.select %eq3A_35, %add3A_33, %broadcast_in_dim3A_36 : vector<2048x1024xi1>, vector<2048x1024xi32>
    %reduce_min3A = arith.constant dense<2147483647> : vector<2048xi32>
    %reduce_min3A_37 = vector.multi_reduction <minsi>, %select_n3A, %reduce_min3A [1] : vector<2048x1024xi32> to vector<2048xi32>
    %broadcast_in_dim3A_38 = vector.shape_cast %reduce_min3A_37 : vector<2048xi32> to vector<2048x1xi32>
    %gt3A = arith.cmpf ogt, %broadcast_in_dim3A_30, %broadcast_in_dim3A_19 : vector<2048x1xf32>
    %select_n3A_39 = arith.select %gt3A, %broadcast_in_dim3A_30, %broadcast_in_dim3A_19 : vector<2048x1xi1>, vector<2048x1xf32>
    %select_n3A_40 = arith.select %gt3A, %broadcast_in_dim3A_38, %broadcast_in_dim3A_21 : vector<2048x1xi1>, vector<2048x1xi32>
    %slice3A_41 = vector.extract_strided_slice %convert_element_type3A_17 {offsets = [0, 1024], sizes = [96, 1024], strides = [1, 1]} : vector<96x2048xbf16> to vector<96x1024xbf16>
    %dot_general3A_42 = arith.constant dense<0.000000e+00> : vector<2048x1024xf32>
    %dot_general3A_43 = tpu.matmul %convert_element_type3A_12, %slice3A_41, %dot_general3A_42 {dimension_numbers = #tpu.dot_dimension_numbers<[0], [0], [1], [1], [0, 1, 1, 1], [], []>, transpose_lhs_hint = false} : vector<96x2048xbf16>, vector<96x1024xbf16>, vector<2048x1024xf32> -> vector<2048x1024xf32>
    %mul3A_44 = vector.broadcast %get3A_8 : f32 to vector<2048x1024xf32>
    %mul3A_45 = arith.mulf %mul3A_44, %dot_general3A_43 : vector<2048x1024xf32>
    %get3A_46 = arith.constant 0 : index
    %get3A_47 = arith.constant 1024 : index
    %get3A_48 = vector.load %arg5[%get3A_46, %get3A_47] : memref<2048x2048xf32, #tpu.memory_space<vmem>>, vector<2048x1024xf32>
    %add3A_49 = arith.addf %mul3A_45, %get3A_48 : vector<2048x1024xf32>
    %reduce_max3A_50 = arith.constant dense<0xFF800000> : vector<2048xf32>
    %reduce_max3A_51 = vector.multi_reduction <maximumf>, %add3A_49, %reduce_max3A_50 [1] : vector<2048x1024xf32> to vector<2048xf32>
    %broadcast_in_dim3A_52 = vector.shape_cast %reduce_max3A_51 : vector<2048xf32> to vector<2048x1xf32>
    %iota3A_53 = tpu.iota {dimensions = array<i32: 1>} : vector<2048x1024xi32>
    %add3A_54 = arith.constant 1024 : i32
    %add3A_55 = vector.broadcast %add3A_54 : i32 to vector<2048x1024xi32>
    %add3A_56 = arith.addi %iota3A_53, %add3A_55 : vector<2048x1024xi32>
    %eq3A_57 = vector.broadcast %broadcast_in_dim3A_52 : vector<2048x1xf32> to vector<2048x1024xf32>
    %eq3A_58 = arith.cmpf oeq, %add3A_49, %eq3A_57 : vector<2048x1024xf32>
    %jit3A_59 = arith.constant 2048 : i32
    %broadcast_in_dim3A_60 = vector.broadcast %jit3A_59 : i32 to vector<2048x1024xi32>
    %select_n3A_61 = arith.select %eq3A_58, %add3A_56, %broadcast_in_dim3A_60 : vector<2048x1024xi1>, vector<2048x1024xi32>
    %reduce_min3A_62 = arith.constant dense<2147483647> : vector<2048xi32>
    %reduce_min3A_63 = vector.multi_reduction <minsi>, %select_n3A_61, %reduce_min3A_62 [1] : vector<2048x1024xi32> to vector<2048xi32>
    %broadcast_in_dim3A_64 = vector.shape_cast %reduce_min3A_63 : vector<2048xi32> to vector<2048x1xi32>
    %gt3A_65 = arith.cmpf ogt, %broadcast_in_dim3A_52, %select_n3A_39 : vector<2048x1xf32>
    %select_n3A_66 = arith.select %gt3A_65, %broadcast_in_dim3A_64, %select_n3A_40 : vector<2048x1xi1>, vector<2048x1xi32>
    %transpose3A = tpu.transpose %select_n3A_66, [1, 0] : vector<2048x1xi32> -> vector<1x2048xi32>
    %swap3A = arith.constant 0 : index
    %swap3A_67 = arith.constant 0 : index
    %swap3A_68 = arith.constant 0 : index
    %swap3A_69 = vector.load %arg4[%swap3A, %swap3A_67, %swap3A_68] : memref<1x1x2048xi32, #tpu.memory_space<vmem>>, vector<1x1x2048xi32>
    %swap3A_70 = vector.shape_cast %swap3A_69 : vector<1x1x2048xi32> to vector<1x2048xi32>
    %swap3A_71 = vector.shape_cast %transpose3A : vector<1x2048xi32> to vector<1x1x2048xi32>
    tpu.vector_store %arg4[%swap3A, %swap3A_67, %swap3A_68], %swap3A_71 {strides = array<i32>} : memref<1x1x2048xi32, #tpu.memory_space<vmem>>, vector<1x1x2048xi32>,
    %broadcast_in_dim3A_72 = arith.constant 1.000000e+00 : f32
    %broadcast_in_dim3A_73 = vector.broadcast %broadcast_in_dim3A_72 : f32 to vector<1x4096xf32>
    %broadcast_in_dim3A_74 = arith.constant 0.000000e+00 : f32
    %broadcast_in_dim3A_75 = vector.broadcast %broadcast_in_dim3A_74 : f32 to vector<31x4096xf32>
    %concatenate3A = tpu.concatenate %get3A_5, %broadcast_in_dim3A_73, %broadcast_in_dim3A_75 in 0 : vector<96x4096xf32>, vector<1x4096xf32>, vector<31x4096xf32> -> vector<128x4096xf32>
    %transpose3A_76 = tpu.transpose %concatenate3A, [1, 0] : vector<128x4096xf32> -> vector<4096x128xf32>
    %swap3A_77 = arith.constant 0 : index
    %swap3A_78 = arith.constant 0 : index
    %swap3A_79 = arith.constant 0 : index
    %swap3A_80 = vector.load %arg3[%swap3A_77, %swap3A_78, %swap3A_79] : memref<1x4096x128xf32, #tpu.memory_space<vmem>>, vector<1x4096x128xf32>
    %swap3A_81 = vector.shape_cast %swap3A_80 : vector<1x4096x128xf32> to vector<4096x128xf32>
    %swap3A_82 = vector.shape_cast %transpose3A_76 : vector<4096x128xf32> to vector<1x4096x128xf32>
    tpu.vector_store %arg3[%swap3A_77, %swap3A_78, %swap3A_79], %swap3A_82 {strides = array<i32>} : memref<1x4096x128xf32, #tpu.memory_space<vmem>>, vector<1x4096x128xf32>,
    return
  }
  func.func @transform_0(%arg0: i32) -> (i32, i32, i32) {
    %c0_i32 = arith.constant 0 : i32
    %c0_i32_0 = arith.constant 0 : i32
    %c0_i32_1 = arith.constant 0 : i32
    return %arg0, %c0_i32, %c0_i32_0 : i32, i32, i32
  }
  func.func @transform_1(%arg0: i32) -> (i32, i32) {
    %c0_i32 = arith.constant 0 : i32
    %c0_i32_0 = arith.constant 0 : i32
    %c0_i32_1 = arith.constant 0 : i32
    return %c0_i32, %c0_i32_0 : i32, i32
  }
  func.func @transform_2(%arg0: i32) -> (i32, i32, i32) {
    %c0_i32 = arith.constant 0 : i32
    %c0_i32_0 = arith.constant 0 : i32
    %c0_i32_1 = arith.constant 0 : i32
    return %arg0, %c0_i32, %c0_i32_0 : i32, i32, i32
  }
  func.func @transform_3(%arg0: i32) -> (i32, i32, i32) {
    %c0_i32 = arith.constant 0 : i32
    %c0_i32_0 = arith.constant 0 : i32
    %c0_i32_1 = arith.constant 0 : i32
    return %arg0, %c0_i32, %c0_i32_0 : i32, i32, i32
  }
}

module attributes {stable_mosaic.version = 14 : i64} {
  func.func @_k3_body(%arg0: i32, %arg1: memref<1x2048x128xf32, #tpu.memory_space<vmem>>, %arg2: memref<2x2xf32, #tpu.memory_space<smem>>, %arg3: memref<1x1x1024xi32, #tpu.memory_space<vmem>>, %arg4: memref<1x2048x128xf32, #tpu.memory_space<vmem>>, %arg5: memref<1024x1024xf32, #tpu.memory_space<vmem>>) attributes {dimension_semantics = [#tpu.dimension_semantics<arbitrary>], iteration_bounds = array<i64: 8>, scalar_prefetch = 0 : i64, scratch_operands = 1 : i64, tpu.core_type = #tpu.core_type<tc>, window_params = [{transform_indices = @transform_0, window_bounds = array<i64: 1, 2048, 128>}, {transform_indices = @transform_1, window_bounds = array<i64: 2, 2>}, {transform_indices = @transform_2, window_bounds = array<i64: 1, 1, 1024>}, {transform_indices = @transform_3, window_bounds = array<i64: 1, 2048, 128>}]} {
    %eq3A = arith.constant 0 : i32
    %eq3A_0 = arith.cmpi eq, %arg0, %eq3A : i32
    %convert_element_type3A = arith.extui %eq3A_0 : i1 to i32
    %cond3A = arith.constant 0 : i32
    %cond3A_1 = arith.cmpi ne, %convert_element_type3A, %cond3A : i32
    scf.if %cond3A_1 {
      %get3A_60 = arith.constant 1 : index
      %get3A_61 = arith.constant 1 : index
      %get3A_62 = memref.load %arg2[%get3A_60, %get3A_61] : memref<2x2xf32, #tpu.memory_space<smem>>
      %iota3A_63 = tpu.iota {dimensions = array<i32: 0>} : vector<1024x1xi32>
      %jit3A_64 = arith.constant 45 : i32
      %div3A_65 = vector.broadcast %jit3A_64 : i32 to vector<1024x1xi32>
      %div3A_66 = arith.divsi %iota3A_63, %div3A_65 : vector<1024x1xi32>
      %sign3A = arith.constant 0 : i32
      %sign3A_67 = vector.broadcast %sign3A : i32 to vector<1024x1xi32>
      %sign3A_68 = arith.cmpi sgt, %iota3A_63, %sign3A_67 : vector<1024x1xi32>
      %sign3A_69 = arith.extui %sign3A_68 : vector<1024x1xi1> to vector<1024x1xi32>
      %sign3A_70 = arith.constant 0 : i32
      %sign3A_71 = vector.broadcast %sign3A_70 : i32 to vector<1024x1xi32>
      %sign3A_72 = arith.cmpi slt, %iota3A_63, %sign3A_71 : vector<1024x1xi32>
      %sign3A_73 = arith.extui %sign3A_72 : vector<1024x1xi1> to vector<1024x1xi32>
      %sign3A_74 = arith.subi %sign3A_69, %sign3A_73 : vector<1024x1xi32>
      %sign3A_75 = arith.constant 0 : i32
      %sign3A_76 = arith.cmpi sgt, %jit3A_64, %sign3A_75 : i32
      %sign3A_77 = arith.extui %sign3A_76 : i1 to i32
      %sign3A_78 = arith.constant 0 : i32
      %sign3A_79 = arith.cmpi slt, %jit3A_64, %sign3A_78 : i32
      %sign3A_80 = arith.extui %sign3A_79 : i1 to i32
      %sign3A_81 = arith.subi %sign3A_77, %sign3A_80 : i32
      %ne3A = vector.broadcast %sign3A_81 : i32 to vector<1024x1xi32>
      %ne3A_82 = arith.cmpi ne, %sign3A_74, %ne3A : vector<1024x1xi32>
      %rem3A = vector.broadcast %jit3A_64 : i32 to vector<1024x1xi32>
      %rem3A_83 = arith.remsi %iota3A_63, %rem3A : vector<1024x1xi32>
      %ne3A_84 = arith.constant 0 : i32
      %ne3A_85 = vector.broadcast %ne3A_84 : i32 to vector<1024x1xi32>
      %ne3A_86 = arith.cmpi ne, %rem3A_83, %ne3A_85 : vector<1024x1xi32>
      %and3A = arith.andi %ne3A_82, %ne3A_86 : vector<1024x1xi1>
      %sub3A = arith.constant 1 : i32
      %sub3A_87 = vector.broadcast %sub3A : i32 to vector<1024x1xi32>
      %sub3A_88 = arith.subi %div3A_66, %sub3A_87 : vector<1024x1xi32>
      %select_n3A_89 = arith.select %and3A, %sub3A_88, %div3A_66 : vector<1024x1xi1>, vector<1024x1xi32>
      %convert_element_type3A_90 = arith.sitofp %select_n3A_89 : vector<1024x1xi32> to vector<1024x1xf32>
      %jit3A_91 = arith.constant 45 : i32
      %eq3A_92 = arith.constant 0 : i32
      %eq3A_93 = arith.cmpi eq, %jit3A_91, %eq3A_92 : i32
      %jit3A_94 = arith.constant 1 : i32
      %select_n3A_95 = arith.select %eq3A_93, %jit3A_94, %jit3A_91 : i32
      %rem3A_96 = vector.broadcast %select_n3A_95 : i32 to vector<1024x1xi32>
      %rem3A_97 = arith.remsi %iota3A_63, %rem3A_96 : vector<1024x1xi32>
      %ne3A_98 = arith.constant 0 : i32
      %ne3A_99 = vector.broadcast %ne3A_98 : i32 to vector<1024x1xi32>
      %ne3A_100 = arith.cmpi ne, %rem3A_97, %ne3A_99 : vector<1024x1xi32>
      %lt3A = arith.constant 0 : i32
      %lt3A_101 = vector.broadcast %lt3A : i32 to vector<1024x1xi32>
      %lt3A_102 = arith.cmpi slt, %rem3A_97, %lt3A_101 : vector<1024x1xi32>
      %lt3A_103 = arith.constant 0 : i32
      %lt3A_104 = arith.cmpi slt, %select_n3A_95, %lt3A_103 : i32
      %ne3A_105 = vector.broadcast %lt3A_104 : i1 to vector<1024x1xi1>
      %ne3A_106 = vector.broadcast %ne3A_105 : vector<1024x1xi1> to vector<1024x1xi1>
      %ne3A_107 = arith.xori %lt3A_102, %ne3A_106 : vector<1024x1xi1>
      %and3A_108 = arith.andi %ne3A_107, %ne3A_100 : vector<1024x1xi1>
      %add3A_109 = vector.broadcast %select_n3A_95 : i32 to vector<1024x1xi32>
      %add3A_110 = arith.addi %rem3A_97, %add3A_109 : vector<1024x1xi32>
      %select_n3A_111 = arith.select %and3A_108, %add3A_110, %rem3A_97 : vector<1024x1xi1>, vector<1024x1xi32>
      %convert_element_type3A_112 = arith.sitofp %select_n3A_111 : vector<1024x1xi32> to vector<1024x1xf32>
      %iota3A_113 = tpu.iota {dimensions = array<i32: 1>} : vector<1x1024xi32>
      %add3A_114 = arith.constant 1024 : i32
      %add3A_115 = vector.broadcast %add3A_114 : i32 to vector<1x1024xi32>
      %add3A_116 = arith.addi %iota3A_113, %add3A_115 : vector<1x1024xi32>
      %jit3A_117 = arith.constant 45 : i32
      %div3A_118 = vector.broadcast %jit3A_117 : i32 to vector<1x1024xi32>
      %div3A_119 = arith.divsi %add3A_116, %div3A_118 : vector<1x1024xi32>
      %sign3A_120 = arith.constant 0 : i32
      %sign3A_121 = vector.broadcast %sign3A_120 : i32 to vector<1x1024xi32>
      %sign3A_122 = arith.cmpi sgt, %add3A_116, %sign3A_121 : vector<1x1024xi32>
      %sign3A_123 = arith.extui %sign3A_122 : vector<1x1024xi1> to vector<1x1024xi32>
      %sign3A_124 = arith.constant 0 : i32
      %sign3A_125 = vector.broadcast %sign3A_124 : i32 to vector<1x1024xi32>
      %sign3A_126 = arith.cmpi slt, %add3A_116, %sign3A_125 : vector<1x1024xi32>
      %sign3A_127 = arith.extui %sign3A_126 : vector<1x1024xi1> to vector<1x1024xi32>
      %sign3A_128 = arith.subi %sign3A_123, %sign3A_127 : vector<1x1024xi32>
      %sign3A_129 = arith.constant 0 : i32
      %sign3A_130 = arith.cmpi sgt, %jit3A_117, %sign3A_129 : i32
      %sign3A_131 = arith.extui %sign3A_130 : i1 to i32
      %sign3A_132 = arith.constant 0 : i32
      %sign3A_133 = arith.cmpi slt, %jit3A_117, %sign3A_132 : i32
      %sign3A_134 = arith.extui %sign3A_133 : i1 to i32
      %sign3A_135 = arith.subi %sign3A_131, %sign3A_134 : i32
      %ne3A_136 = vector.broadcast %sign3A_135 : i32 to vector<1x1024xi32>
      %ne3A_137 = arith.cmpi ne, %sign3A_128, %ne3A_136 : vector<1x1024xi32>
      %rem3A_138 = vector.broadcast %jit3A_117 : i32 to vector<1x1024xi32>
      %rem3A_139 = arith.remsi %add3A_116, %rem3A_138 : vector<1x1024xi32>
      %ne3A_140 = arith.constant 0 : i32
      %ne3A_141 = vector.broadcast %ne3A_140 : i32 to vector<1x1024xi32>
      %ne3A_142 = arith.cmpi ne, %rem3A_139, %ne3A_141 : vector<1x1024xi32>
      %and3A_143 = arith.andi %ne3A_137, %ne3A_142 : vector<1x1024xi1>
      %sub3A_144 = arith.constant 1 : i32
      %sub3A_145 = vector.broadcast %sub3A_144 : i32 to vector<1x1024xi32>
      %sub3A_146 = arith.subi %div3A_119, %sub3A_145 : vector<1x1024xi32>
      %select_n3A_147 = arith.select %and3A_143, %sub3A_146, %div3A_119 : vector<1x1024xi1>, vector<1x1024xi32>
      %convert_element_type3A_148 = arith.sitofp %select_n3A_147 : vector<1x1024xi32> to vector<1x1024xf32>
      %jit3A_149 = arith.constant 45 : i32
      %eq3A_150 = arith.constant 0 : i32
      %eq3A_151 = arith.cmpi eq, %jit3A_149, %eq3A_150 : i32
      %jit3A_152 = arith.constant 1 : i32
      %select_n3A_153 = arith.select %eq3A_151, %jit3A_152, %jit3A_149 : i32
      %rem3A_154 = vector.broadcast %select_n3A_153 : i32 to vector<1x1024xi32>
      %rem3A_155 = arith.remsi %add3A_116, %rem3A_154 : vector<1x1024xi32>
      %ne3A_156 = arith.constant 0 : i32
      %ne3A_157 = vector.broadcast %ne3A_156 : i32 to vector<1x1024xi32>
      %ne3A_158 = arith.cmpi ne, %rem3A_155, %ne3A_157 : vector<1x1024xi32>
      %lt3A_159 = arith.constant 0 : i32
      %lt3A_160 = vector.broadcast %lt3A_159 : i32 to vector<1x1024xi32>
      %lt3A_161 = arith.cmpi slt, %rem3A_155, %lt3A_160 : vector<1x1024xi32>
      %lt3A_162 = arith.constant 0 : i32
      %lt3A_163 = arith.cmpi slt, %select_n3A_153, %lt3A_162 : i32
      %ne3A_164 = vector.broadcast %lt3A_163 : i1 to vector<1x1024xi1>
      %ne3A_165 = vector.broadcast %ne3A_164 : vector<1x1024xi1> to vector<1x1024xi1>
      %ne3A_166 = arith.xori %lt3A_161, %ne3A_165 : vector<1x1024xi1>
      %and3A_167 = arith.andi %ne3A_166, %ne3A_158 : vector<1x1024xi1>
      %add3A_168 = vector.broadcast %select_n3A_153 : i32 to vector<1x1024xi32>
      %add3A_169 = arith.addi %rem3A_155, %add3A_168 : vector<1x1024xi32>
      %select_n3A_170 = arith.select %and3A_167, %add3A_169, %rem3A_155 : vector<1x1024xi1>, vector<1x1024xi32>
      %convert_element_type3A_171 = arith.sitofp %select_n3A_170 : vector<1x1024xi32> to vector<1x1024xf32>
      %sub3A_172 = vector.broadcast %convert_element_type3A_90 : vector<1024x1xf32> to vector<1024x1024xf32>
      %sub3A_173 = vector.broadcast %convert_element_type3A_148 : vector<1x1024xf32> to vector<1024x1024xf32>
      %sub3A_174 = arith.subf %sub3A_172, %sub3A_173 : vector<1024x1024xf32>
      %sub3A_175 = vector.broadcast %convert_element_type3A_112 : vector<1024x1xf32> to vector<1024x1024xf32>
      %sub3A_176 = vector.broadcast %convert_element_type3A_171 : vector<1x1024xf32> to vector<1024x1024xf32>
      %sub3A_177 = arith.subf %sub3A_175, %sub3A_176 : vector<1024x1024xf32>
      %mul3A_178 = arith.mulf %sub3A_174, %sub3A_174 : vector<1024x1024xf32>
      %mul3A_179 = arith.mulf %sub3A_177, %sub3A_177 : vector<1024x1024xf32>
      %add3A_180 = arith.addf %mul3A_178, %mul3A_179 : vector<1024x1024xf32>
      %sqrt3A_181 = math.sqrt %add3A_180 : vector<1024x1024xf32>
      %add3A_182 = arith.constant 9.99999997E-7 : f32
      %add3A_183 = vector.broadcast %add3A_182 : f32 to vector<1024x1024xf32>
      %add3A_184 = arith.addf %sqrt3A_181, %add3A_183 : vector<1024x1024xf32>
      %div3A_185 = arith.constant 1.000000e+00 : f32
      %div3A_186 = vector.broadcast %div3A_185 : f32 to vector<1024x1024xf32>
      %div3A_187 = arith.divf %div3A_186, %add3A_184 : vector<1024x1024xf32>
      %mul3A_188 = vector.broadcast %get3A_62 : f32 to vector<1024x1024xf32>
      %mul3A_189 = arith.mulf %mul3A_188, %div3A_187 : vector<1024x1024xf32>
      %swap3A_190 = arith.constant 0 : index
      %swap3A_191 = arith.constant 0 : index
      %swap3A_192 = vector.load %arg5[%swap3A_190, %swap3A_191] : memref<1024x1024xf32, #tpu.memory_space<vmem>>, vector<1024x1024xf32>
      tpu.vector_store %arg5[%swap3A_190, %swap3A_191], %mul3A_189 {strides = array<i32>} : memref<1024x1024xf32, #tpu.memory_space<vmem>>, vector<1024x1024xf32>,
    } else {
    }
    %get3A = arith.constant 0 : index
    %get3A_2 = arith.constant 0 : index
    %get3A_3 = arith.constant 0 : index
    %get3A_4 = vector.load %arg1[%get3A, %get3A_2, %get3A_3] : memref<1x2048x128xf32, #tpu.memory_space<vmem>>, vector<1x2048x128xf32>
    %get3A_5 = vector.shape_cast %get3A_4 : vector<1x2048x128xf32> to vector<2048x128xf32>
    %transpose3A = tpu.transpose %get3A_5, [1, 0] : vector<2048x128xf32> -> vector<128x2048xf32>
    %slice3A = vector.extract_strided_slice %transpose3A {offsets = [0, 0], sizes = [96, 2048], strides = [1, 1]} : vector<128x2048xf32> to vector<96x2048xf32>
    %slice3A_6 = vector.extract_strided_slice %transpose3A {offsets = [96, 0], sizes = [1, 2048], strides = [1, 1]} : vector<128x2048xf32> to vector<1x2048xf32>
    %div3A = vector.broadcast %slice3A_6 : vector<1x2048xf32> to vector<96x2048xf32>
    %div3A_7 = arith.divf %slice3A, %div3A : vector<96x2048xf32>
    %get3A_8 = arith.constant 1 : index
    %get3A_9 = arith.constant 0 : index
    %get3A_10 = memref.load %arg2[%get3A_8, %get3A_9] : memref<2x2xf32, #tpu.memory_space<smem>>
    %mul3A = arith.mulf %div3A_7, %div3A_7 : vector<96x2048xf32>
    %reduce_sum3A = arith.constant dense<0.000000e+00> : vector<2048xf32>
    %reduce_sum3A_11 = vector.multi_reduction <add>, %mul3A, %reduce_sum3A [0] : vector<96x2048xf32> to vector<2048xf32>
    %broadcast_in_dim3A = vector.shape_cast %reduce_sum3A_11 : vector<2048xf32> to vector<1x2048xf32>
    %sqrt3A = math.sqrt %broadcast_in_dim3A : vector<1x2048xf32>
    %slice3A_12 = vector.extract_strided_slice %div3A_7 {offsets = [0, 0], sizes = [96, 1024], strides = [1, 1]} : vector<96x2048xf32> to vector<96x1024xf32>
    %slice3A_13 = vector.extract_strided_slice %sqrt3A {offsets = [0, 0], sizes = [1, 1024], strides = [1, 1]} : vector<1x2048xf32> to vector<1x1024xf32>
    %div3A_14 = vector.broadcast %slice3A_13 : vector<1x1024xf32> to vector<96x1024xf32>
    %div3A_15 = arith.divf %slice3A_12, %div3A_14 : vector<96x1024xf32>
    %convert_element_type3A_16 = arith.truncf %div3A_15 : vector<96x1024xf32> to vector<96x1024xbf16>
    %slice3A_17 = vector.extract_strided_slice %div3A_7 {offsets = [0, 1024], sizes = [96, 1024], strides = [1, 1]} : vector<96x2048xf32> to vector<96x1024xf32>
    %slice3A_18 = vector.extract_strided_slice %sqrt3A {offsets = [0, 1024], sizes = [1, 1024], strides = [1, 1]} : vector<1x2048xf32> to vector<1x1024xf32>
    %div3A_19 = vector.broadcast %slice3A_18 : vector<1x1024xf32> to vector<96x1024xf32>
    %div3A_20 = arith.divf %slice3A_17, %div3A_19 : vector<96x1024xf32>
    %convert_element_type3A_21 = arith.truncf %div3A_20 : vector<96x1024xf32> to vector<96x1024xbf16>
    %broadcast_in_dim3A_22 = arith.constant 0xFF800000 : f32
    %broadcast_in_dim3A_23 = vector.broadcast %broadcast_in_dim3A_22 : f32 to vector<1024x1xf32>
    %broadcast_in_dim3A_24 = arith.constant 0 : i32
    %broadcast_in_dim3A_25 = vector.broadcast %broadcast_in_dim3A_24 : i32 to vector<1024x1xi32>
    %dot_general3A = arith.constant dense<0.000000e+00> : vector<1024x1024xf32>
    %dot_general3A_26 = tpu.matmul %convert_element_type3A_16, %convert_element_type3A_21, %dot_general3A {dimension_numbers = #tpu.dot_dimension_numbers<[0], [0], [1], [1], [0, 1, 1, 1], [], []>, transpose_lhs_hint = false} : vector<96x1024xbf16>, vector<96x1024xbf16>, vector<1024x1024xf32> -> vector<1024x1024xf32>
    %mul3A_27 = vector.broadcast %get3A_10 : f32 to vector<1024x1024xf32>
    %mul3A_28 = arith.mulf %mul3A_27, %dot_general3A_26 : vector<1024x1024xf32>
    %get3A_29 = arith.constant 0 : index
    %get3A_30 = arith.constant 0 : index
    %get3A_31 = vector.load %arg5[%get3A_29, %get3A_30] : memref<1024x1024xf32, #tpu.memory_space<vmem>>, vector<1024x1024xf32>
    %add3A = arith.addf %mul3A_28, %get3A_31 : vector<1024x1024xf32>
    %reduce_max3A = arith.constant dense<0xFF800000> : vector<1024xf32>
    %reduce_max3A_32 = vector.multi_reduction <maximumf>, %add3A, %reduce_max3A [1] : vector<1024x1024xf32> to vector<1024xf32>
    %broadcast_in_dim3A_33 = vector.shape_cast %reduce_max3A_32 : vector<1024xf32> to vector<1024x1xf32>
    %iota3A = tpu.iota {dimensions = array<i32: 1>} : vector<1024x1024xi32>
    %add3A_34 = arith.constant 0 : i32
    %add3A_35 = vector.broadcast %add3A_34 : i32 to vector<1024x1024xi32>
    %add3A_36 = arith.addi %iota3A, %add3A_35 : vector<1024x1024xi32>
    %eq3A_37 = vector.broadcast %broadcast_in_dim3A_33 : vector<1024x1xf32> to vector<1024x1024xf32>
    %eq3A_38 = arith.cmpf oeq, %add3A, %eq3A_37 : vector<1024x1024xf32>
    %jit3A = arith.constant 1024 : i32
    %broadcast_in_dim3A_39 = vector.broadcast %jit3A : i32 to vector<1024x1024xi32>
    %select_n3A = arith.select %eq3A_38, %add3A_36, %broadcast_in_dim3A_39 : vector<1024x1024xi1>, vector<1024x1024xi32>
    %reduce_min3A = arith.constant dense<2147483647> : vector<1024xi32>
    %reduce_min3A_40 = vector.multi_reduction <minsi>, %select_n3A, %reduce_min3A [1] : vector<1024x1024xi32> to vector<1024xi32>
    %broadcast_in_dim3A_41 = vector.shape_cast %reduce_min3A_40 : vector<1024xi32> to vector<1024x1xi32>
    %gt3A = arith.cmpf ogt, %broadcast_in_dim3A_33, %broadcast_in_dim3A_23 : vector<1024x1xf32>
    %select_n3A_42 = arith.select %gt3A, %broadcast_in_dim3A_41, %broadcast_in_dim3A_25 : vector<1024x1xi1>, vector<1024x1xi32>
    %transpose3A_43 = tpu.transpose %select_n3A_42, [1, 0] : vector<1024x1xi32> -> vector<1x1024xi32>
    %swap3A = arith.constant 0 : index
    %swap3A_44 = arith.constant 0 : index
    %swap3A_45 = arith.constant 0 : index
    %swap3A_46 = vector.load %arg3[%swap3A, %swap3A_44, %swap3A_45] : memref<1x1x1024xi32, #tpu.memory_space<vmem>>, vector<1x1x1024xi32>
    %swap3A_47 = vector.shape_cast %swap3A_46 : vector<1x1x1024xi32> to vector<1x1024xi32>
    %swap3A_48 = vector.shape_cast %transpose3A_43 : vector<1x1024xi32> to vector<1x1x1024xi32>
    tpu.vector_store %arg3[%swap3A, %swap3A_44, %swap3A_45], %swap3A_48 {strides = array<i32>} : memref<1x1x1024xi32, #tpu.memory_space<vmem>>, vector<1x1x1024xi32>,
    %broadcast_in_dim3A_49 = arith.constant 1.000000e+00 : f32
    %broadcast_in_dim3A_50 = vector.broadcast %broadcast_in_dim3A_49 : f32 to vector<1x2048xf32>
    %broadcast_in_dim3A_51 = arith.constant 0.000000e+00 : f32
    %broadcast_in_dim3A_52 = vector.broadcast %broadcast_in_dim3A_51 : f32 to vector<31x2048xf32>
    %concatenate3A = tpu.concatenate %div3A_7, %broadcast_in_dim3A_50, %broadcast_in_dim3A_52 in 0 : vector<96x2048xf32>, vector<1x2048xf32>, vector<31x2048xf32> -> vector<128x2048xf32>
    %transpose3A_53 = tpu.transpose %concatenate3A, [1, 0] : vector<128x2048xf32> -> vector<2048x128xf32>
    %swap3A_54 = arith.constant 0 : index
    %swap3A_55 = arith.constant 0 : index
    %swap3A_56 = arith.constant 0 : index
    %swap3A_57 = vector.load %arg4[%swap3A_54, %swap3A_55, %swap3A_56] : memref<1x2048x128xf32, #tpu.memory_space<vmem>>, vector<1x2048x128xf32>
    %swap3A_58 = vector.shape_cast %swap3A_57 : vector<1x2048x128xf32> to vector<2048x128xf32>
    %swap3A_59 = vector.shape_cast %transpose3A_53 : vector<2048x128xf32> to vector<1x2048x128xf32>
    tpu.vector_store %arg4[%swap3A_54, %swap3A_55, %swap3A_56], %swap3A_59 {strides = array<i32>} : memref<1x2048x128xf32, #tpu.memory_space<vmem>>, vector<1x2048x128xf32>,
    return
  }
  func.func @transform_0(%arg0: i32) -> (i32, i32, i32) {
    %c0_i32 = arith.constant 0 : i32
    %c0_i32_0 = arith.constant 0 : i32
    %c0_i32_1 = arith.constant 0 : i32
    return %arg0, %c0_i32, %c0_i32_0 : i32, i32, i32
  }
  func.func @transform_1(%arg0: i32) -> (i32, i32) {
    %c0_i32 = arith.constant 0 : i32
    %c0_i32_0 = arith.constant 0 : i32
    %c0_i32_1 = arith.constant 0 : i32
    return %c0_i32, %c0_i32_0 : i32, i32
  }
  func.func @transform_2(%arg0: i32) -> (i32, i32, i32) {
    %c0_i32 = arith.constant 0 : i32
    %c0_i32_0 = arith.constant 0 : i32
    %c0_i32_1 = arith.constant 0 : i32
    return %arg0, %c0_i32, %c0_i32_0 : i32, i32, i32
  }
  func.func @transform_3(%arg0: i32) -> (i32, i32, i32) {
    %c0_i32 = arith.constant 0 : i32
    %c0_i32_0 = arith.constant 0 : i32
    %c0_i32_1 = arith.constant 0 : i32
    return %arg0, %c0_i32, %c0_i32_0 : i32, i32, i32
  }
}

module attributes {stable_mosaic.version = 14 : i64} {
  func.func @_k5_body(%arg0: i32, %arg1: memref<1x1024x128xf32, #tpu.memory_space<vmem>>, %arg2: memref<96x96xf32, #tpu.memory_space<vmem>>, %arg3: memref<96x1xf32, #tpu.memory_space<vmem>>, %arg4: memref<1x96x1024xf32, #tpu.memory_space<vmem>>) attributes {dimension_semantics = [#tpu.dimension_semantics<parallel>], iteration_bounds = array<i64: 8>, scalar_prefetch = 0 : i64, scratch_operands = 0 : i64, tpu.core_type = #tpu.core_type<tc>, window_params = [{transform_indices = @transform_0, window_bounds = array<i64: 1, 1024, 128>}, {pipeline_mode = #tpu.pipeline_mode<synchronous>, transform_indices = @transform_1, window_bounds = array<i64: 96, 96>}, {pipeline_mode = #tpu.pipeline_mode<synchronous>, transform_indices = @transform_2, window_bounds = array<i64: 96, 1>}, {transform_indices = @transform_3, window_bounds = array<i64: 1, 96, 1024>}]} {
    %get3A = arith.constant 0 : index
    %get3A_0 = arith.constant 0 : index
    %get3A_1 = arith.constant 0 : index
    %get3A_2 = vector.load %arg1[%get3A, %get3A_0, %get3A_1] : memref<1x1024x128xf32, #tpu.memory_space<vmem>>, vector<1x1024x128xf32>
    %get3A_3 = vector.shape_cast %get3A_2 : vector<1x1024x128xf32> to vector<1024x128xf32>
    %transpose3A = tpu.transpose %get3A_3, [1, 0] : vector<1024x128xf32> -> vector<128x1024xf32>
    %slice3A = vector.extract_strided_slice %transpose3A {offsets = [0, 0], sizes = [96, 1024], strides = [1, 1]} : vector<128x1024xf32> to vector<96x1024xf32>
    %slice3A_4 = vector.extract_strided_slice %transpose3A {offsets = [96, 0], sizes = [1, 1024], strides = [1, 1]} : vector<128x1024xf32> to vector<1x1024xf32>
    %div3A = vector.broadcast %slice3A_4 : vector<1x1024xf32> to vector<96x1024xf32>
    %div3A_5 = arith.divf %slice3A, %div3A : vector<96x1024xf32>
    %get3A_6 = arith.constant 0 : index
    %get3A_7 = arith.constant 0 : index
    %get3A_8 = vector.load %arg2[%get3A_6, %get3A_7] : memref<96x96xf32, #tpu.memory_space<vmem>>, vector<96x96xf32>
    %dot_general3A = arith.constant dense<0.000000e+00> : vector<96x1024xf32>
    %dot_general3A_9 = tpu.matmul %get3A_8, %div3A_5, %dot_general3A {dimension_numbers = #tpu.dot_dimension_numbers<[1], [0], [0], [1], [0, 0, 1, 1], [], []>, precision = #tpu.contract_precision<fp32>, transpose_lhs_hint = false} : vector<96x96xf32>, vector<96x1024xf32>, vector<96x1024xf32> -> vector<96x1024xf32>
    %get3A_10 = arith.constant 0 : index
    %get3A_11 = arith.constant 0 : index
    %get3A_12 = vector.load %arg3[%get3A_10, %get3A_11] : memref<96x1xf32, #tpu.memory_space<vmem>>, vector<96x1xf32>
    %add3A = vector.broadcast %get3A_12 : vector<96x1xf32> to vector<96x1024xf32>
    %add3A_13 = arith.addf %dot_general3A_9, %add3A : vector<96x1024xf32>
    %swap3A = arith.constant 0 : index
    %swap3A_14 = arith.constant 0 : index
    %swap3A_15 = arith.constant 0 : index
    %swap3A_16 = vector.load %arg4[%swap3A, %swap3A_14, %swap3A_15] : memref<1x96x1024xf32, #tpu.memory_space<vmem>>, vector<1x96x1024xf32>
    %swap3A_17 = vector.shape_cast %swap3A_16 : vector<1x96x1024xf32> to vector<96x1024xf32>
    %swap3A_18 = vector.shape_cast %add3A_13 : vector<96x1024xf32> to vector<1x96x1024xf32>
    tpu.vector_store %arg4[%swap3A, %swap3A_14, %swap3A_15], %swap3A_18 {strides = array<i32>} : memref<1x96x1024xf32, #tpu.memory_space<vmem>>, vector<1x96x1024xf32>,
    return
  }
  func.func @transform_0(%arg0: i32) -> (i32, i32, i32) {
    %c0_i32 = arith.constant 0 : i32
    %c0_i32_0 = arith.constant 0 : i32
    %c0_i32_1 = arith.constant 0 : i32
    return %arg0, %c0_i32, %c0_i32_0 : i32, i32, i32
  }
  func.func @transform_1(%arg0: i32) -> (i32, i32) {
    %c0_i32 = arith.constant 0 : i32
    %c0_i32_0 = arith.constant 0 : i32
    %c0_i32_1 = arith.constant 0 : i32
    return %c0_i32, %c0_i32_0 : i32, i32
  }
  func.func @transform_2(%arg0: i32) -> (i32, i32) {
    %c0_i32 = arith.constant 0 : i32
    %c0_i32_0 = arith.constant 0 : i32
    %c0_i32_1 = arith.constant 0 : i32
    return %c0_i32, %c0_i32_0 : i32, i32
  }
  func.func @transform_3(%arg0: i32) -> (i32, i32, i32) {
    %c0_i32 = arith.constant 0 : i32
    %c0_i32_0 = arith.constant 0 : i32
    %c0_i32_1 = arith.constant 0 : i32
    return %arg0, %c0_i32, %c0_i32_0 : i32, i32, i32
  }
}

</mosaic_0001>

<sc_bundles>
// kernel: kernel.10.cloned.1.call-start
scs
__scs_entry_jumppad:
0x0: {  	(pc) =	sbr.rel $0x88, $3  }
0x1: {  	(tag) =	ssettag $0x0;
	lr =	simm.s32 $0x1  }
0x2: {  	[smem:$0x3F9C] =	sst lr;
	_ =	strace $0xD0000000  }
0x3: {  	_ = 	snop  }
0x4: {  	_ = 	snop  }
0x5: {  	_ = 	snop  }
0x6: {  	_ = 	snop  }
0x7: {  	_ = 	snop  }
__scs_overlays_trampoline_lowered:
0x8: {  	[smem:$0x3FAB] =	sst s0  }
0x9: {  	[smem:$0x3FAC] =	sst s1  }
0xa: {  	[smem:$0x3FAD] =	sst s2  }
0xb: {  	[smem:$0x3FAE] =	sst s3  }
0xc: {  	[smem:$0x3FAF] =	sst s4  }
0xd: {  	[smem:$0x3FB0] =	sst s5  }
0xe: {  	[smem:$0x3FB1] =	sst s6  }
0xf: {  	[smem:$0x3FB2] =	sst s7  }
0x10: {  	[smem:$0x3FB3] =	sst s8  }
0x11: {  	[smem:$0x3FB4] =	sst s9;
	s0 =	simm.s32 @!p0 $0x0  }
0x12: {  	s1 =	sld [smem:$0x3F9A];
	s0 =	simm.s32 @p0 $0x1  }
0x13: {  	[smem:$0x3FB5] =	sst s0;
	s0 =	simm.s32 @!p1 $0x0  }
0x14: {  	s2 =	sld [smem:$0x3F99];
	s0 =	simm.s32 @p1 $0x1  }
0x15: {  	[smem:$0x3FB6] =	sst s0;
	s0 =	simm.s32 @!p2 $0x0  }
0x16: {  	s3 =	sld [smem:$0x3FDB];
	s0 =	simm.s32 @p2 $0x1  }
0x17: {  	s4 =	simm.s32 $0x1BF5;
	[smem:$0x3FB8] =	sst s0  }
0x18: {  	s0 =	sld [smem:$0x3F9B];
	_ =	swait.ge [sflag:s4], $0x0  }
0x19: {  	s7 =	sld [smem:$0x3F9C]  }
0x1a: {  	s8 =	sadd.s32 $0xFFFFE003, lr  }
0x1b: {  	s9 =	sadd.s32 $0xFFFFFEF7, lr;
	s5 =	simm.s32 $0xFFFFFFFF;
	p2 =	slt.u32 s8, $0xFFFFF086  }
0x1c: {  	p1 =	slt.u32 s9, $0xF7A;
	s5 =	simm.s32 @!p2 $0x0  }
0x1d: {  	s5 =	simm.s32 @p1 $0x1;
	p0 =	seq.s32 s7, s2  }
0x1e: {  	s7 =	smul.u32 @!p0 $0xF7A, s2;
	p2 =	seq.s32 @!p0 s5, $0x0  }
0x1f: {  	s9 =	smul.u32 $0xF7A, s1;
	s8 =	simm.s32 @!p0 $0x1BF5;
	p2 =	por !p2, p0  }
0x20: {  	[sflag:s8] =	ssyncset.s32 @!p0 $0xFFFFF086;
	s6 =	sadd.s32 @!p0 s3, s7;
	s7 =	simm.s32 @!p0 $0x108  }
0x21: {  	s3 =	sadd.s32 s3, s9;
	s6 =	sadd.s32 @!p0 $0x88, s6;
	s7 =	simm.s32 @p2 $0x1082  }
0x22: {  	[simem:s7], [sflag:s8] =	dma.local @!p0 [hbm:s6], $0xF7A  }
0x23: {  	s9 =	sor.u32 $0xD0000000, s2;
	s6 =	simm.s32 $0x108;
	_ =	swait.ge @!p0 [sflag:s8], $0x0  }
0x24: {  	s3 =	sadd.s32 $0x88, s3;
	s6 =	simm.s32 @!p1 $0x1082;
	[sflag:s4] =	ssyncset.s32 $0xFFFFF086  }
0x25: {  	[simem:s6], [sflag:s4] =	dma.local [hbm:s3], $0xF7A  }
0x26: {  	[smem:$0x3F9C] =	sst s1;
	(tag) =	ssettag s2;
	_ =	strace s9  }
0x27: {  	s1 =	sld [smem:$0x3FAC]  }
0x28: {  	s2 =	sld [smem:$0x3FAD]  }
0x29: {  	s4 =	sld [smem:$0x3FAF]  }
0x2a: {  	p0 =	seq.s32 s5, $0x0;
	s5 =	sld [smem:$0x3FB0]  }
0x2b: {  	s6 =	sld [smem:$0x3FB1]  }
0x2c: {  	s7 =	sld [smem:$0x3FB2]  }
0x2d: {  	s3 =	simm.s32 $0x108;
	s8 =	sld [smem:$0x3FB3]  }
0x2e: {  	s3 =	simm.s32 @!p0 $0x1082;
	s9 =	sld [smem:$0x3FB4]  }
0x2f: {  	lr =	sadd.s32 s0, s3;
	s0 =	sld [smem:$0x3FAB]  }
0x30: {  	s3 =	sld [smem:$0x3FAE]  }
0x31: {  	[smem:$0x3FB7] =	sst s10  }
0x32: {  	s10 =	sld [smem:$0x3FB5];
	_ =	sdelay $0x3  }
0x33: {  	p0 =	seq.s32 s10, $0x1;
	s10 =	sld [smem:$0x3FB7];
	_ =	sdelay $0x3  }
0x34: {  	[smem:$0x3FB7] =	sst s10  }
0x35: {  	s10 =	sld [smem:$0x3FB6];
	_ =	sdelay $0x3  }
0x36: {  	p1 =	seq.s32 s10, $0x1;
	s10 =	sld [smem:$0x3FB7];
	_ =	sdelay $0x3  }
0x37: {  	[smem:$0x3FB7] =	sst s10  }
0x38: {  	s10 =	sld [smem:$0x3FB8]  }
0x39: {  	_ = 	snop;
	(pc) =	sbr.ind lr, $3  }
0x3a: {  	_ = 	snop  }
0x3b: {  	_ = 	snop  }
0x3c: {  	p2 =	seq.s32 s10, $0x1;
	s10 =	sld [smem:$0x3FB7]  }
0x3d: {  	_ =	shalt  }
0x3e: {  	_ =	shalt  }
0x3f: {  	_ =	shalt  }
0x40: {  	_ =	shalt  }
0x41: {  	_ =	shalt  }
0x42: {  	_ =	shalt  }
0x43: {  	_ =	shalt  }
0x44: {  	_ =	shalt  }
0x45: {  	_ =	shalt  }
0x46: {  	_ =	shalt  }
0x47: {  	_ =	shalt  }
0x48: {  	_ =	shalt  }
0x49: {  	_ =	shalt  }
0x4a: {  	_ =	shalt  }
0x4b: {  	_ =	shalt  }
0x4c: {  	_ =	shalt  }
0x4d: {  	_ =	shalt  }
0x4e: {  	_ =	shalt  }
0x4f: {  	_ =	shalt  }
0x50: {  	_ =	shalt  }
0x51: {  	_ =	shalt  }
0x52: {  	_ =	shalt  }
0x53: {  	_ =	shalt  }
0x54: {  	_ =	shalt  }
0x55: {  	_ =	shalt  }
0x56: {  	_ =	shalt  }
0x57: {  	_ =	shalt  }
0x58: {  	_ =	shalt  }
0x59: {  	_ =	shalt  }
0x5a: {  	_ =	shalt  }
0x5b: {  	_ =	shalt  }
0x5c: {  	_ =	shalt  }
0x5d: {  	_ =	shalt  }
0x5e: {  	_ =	shalt  }
0x5f: {  	_ =	shalt  }
0x60: {  	_ =	shalt  }
0x61: {  	_ =	shalt  }
0x62: {  	_ =	shalt  }
0x63: {  	_ =	shalt  }
0x64: {  	_ =	shalt  }
0x65: {  	_ =	shalt  }
0x66: {  	_ =	shalt  }
0x67: {  	_ =	shalt  }
0x68: {  	_ =	shalt  }
0x69: {  	_ =	shalt  }
0x6a: {  	_ =	shalt  }
0x6b: {  	_ =	shalt  }
0x6c: {  	_ =	shalt  }
0x6d: {  	_ =	shalt  }
0x6e: {  	_ =	shalt  }
0x6f: {  	_ =	shalt  }
0x70: {  	_ =	shalt  }
0x71: {  	_ =	shalt  }
0x72: {  	_ =	shalt  }
0x73: {  	_ =	shalt  }
0x74: {  	_ =	shalt  }
0x75: {  	_ =	shalt  }
0x76: {  	_ =	shalt  }
0x77: {  	_ =	shalt  }
0x78: {  	_ =	shalt  }
0x79: {  	_ =	shalt  }
0x7a: {  	_ =	shalt  }
0x7b: {  	_ =	shalt  }
0x7c: {  	_ =	shalt  }
0x7d: {  	_ =	shalt  }
0x7e: {  	_ =	shalt  }
0x7f: {  	_ =	shalt  }
0x80: {  	_ =	shalt  }
0x81: {  	_ =	shalt  }
0x82: {  	_ =	shalt  }
0x83: {  	_ =	shalt  }
0x84: {  	_ =	shalt  }
0x85: {  	_ =	shalt  }
0x86: {  	_ =	shalt  }
0x87: {  	_ =	shalt  }
.Lfunc_end0:
.L_simem_size_0:
called_computation.1_lowered:
.L_overlay_start_0:
0x88: {  	s2 =	sld [smem:$0x3FD9]  }
0x89: {  	s3 =	sld [smem:$0x3FFE];
	_ =	sdelay $0x1  }
0x8a: {  	s1 =	srdreg.scid  }
0x8b: {  	s0 =	sand.u32 $0x1, s1  }
0x8c: {  	s17 =	sshll.u32 s0, $0xA;
	s2 =	sadd.s32 s3, s2  }
0x8d: {  	s2 =	sadd.s32 s2, s17  }
0x8e: {  	[smem:$0x3FC3] =	sst s2  }
0x8f: {  	_ = 	snop  }
0x90: {  	s2 =	sld [smem:$0x3FD0];
	(tm) =	ssettm $0x1  }
0x91: {  	s18 =	sld [smem:$0x3FFB];
	_ =	sdelay $0x3  }
0x92: {  	_ =	strace s18  }
0x93: {  	s3 =	sld [smem:$0x3FFC];
	_ =	sdelay $0x3  }
0x94: {  	_ =	strace s3  }
0x95: {  	s3 =	sld [smem:$0x3FFD];
	_ =	sdelay $0x3  }
0x96: {  	_ =	strace s3  }
0x97: {  	_ =	strace $0x8FFFFFFF  }
0x98: {  	s19 =	sld [smem:$0x3FDB];
	_ =	sdelay $0x1  }
0x99: {  	s4 =	simm.s32 $_scs_section_size  }
0x9a: {  	s5 =	simm.s32 $_size__tile_overlayer_lowered;
	s6 =	simm.s32 $_tile_overlayer_lowered  }
0x9b: {  	s22 =	simm.s32 $0x1BFF;
	s21 =	sshll.u32 s6, $0x1;
	s3 =	sadd.s32 s4, s19  }
0x9c: {  	s7 =	simm.s32 $0x0;
	s20 =	sshll.u32 s5, $0x1;
	s5 =	sadd.s32 s21, s3  }
0x9d: {  	[timem:s7], [sflag:s22] =	dma.local [hbm:s5], s20  }
0x9e: {  	_ =	swait.ge [sflag:s22], s20  }
0x9f: {  	s4 =	ssub.s32 $0x0, s20;
	[sflag:s22] =	ssyncset.done $0x0  }
0xa0: {  	[sflag:s22] =	ssyncadd.s32 s4;
	_ =	sdelay $0x1  }
0xa1: {  	s23 =	simm.s32 $0x1B8B  }
0xa2: {  	_ =	swait.ge [sflag:s23], $0x1  }
0xa3: {  	[sflag:s23] =	ssyncset.done $0x0  }
0xa4: {  	s25 =	simm.s32 $0x1B8E;
	s24 =	sld [smem:$0x3FFE];
	[sflag:s23] =	ssyncadd.s32 $0xFFFFFFFF  }
0xa5: {  	s26 =	simm.s32 $execute0_lowered;
	[smem:$0x3FD2] =	sst s25  }
0xa6: {  	s5 =	sshll.u32 s26, $0x1;
	_ =	strace $0x80000049;
	[dreg:$0x1] =	wrdreg $0xFFFFFFFF  }
0xa7: {  	s28 =	simm.s32 $_size_execute0_lowered;
	s3 =	sadd.s32 s3, s5;
	[dreg:$0x0] =	wrdreg $0x0  }
0xa8: {  	s5 =	sshll.u32 s28, $0x1;
	[dreg:$0x2] =	wrdreg s3  }
0xa9: {  	[dreg:$0x3] =	wrdreg s5  }
0xaa: {  	[dreg:$0x4] =	wrdreg $0xC0  }
0xab: {  	_ =	task [dreg:s7], $0x5FFFF  }
0xac: {  	[dreg:$0x1] =	wrdreg $0xFFFFFFFF  }
0xad: {  	[dreg:$0x0] =	wrdreg $0x60  }
0xae: {  	[dreg:$0x2] =	wrdreg s24  }
0xaf: {  	[dreg:$0x3] =	wrdreg s2  }
0xb0: {  	[dreg:$0x4] =	wrdreg $0x0  }
0xb1: {  	[dreg:$0x5] =	wrdreg $0x9  }
0xb2: {  	_ =	task.clear_ibuf [dreg:s7], $0x6FFFF;
	_ =	strace $0x90000049  }
0xb3: {  	s29 =	simm.s32 $0x9;
	_ =	strace $0x8000004B  }
0xb4: {  	_ =	swait.ge [sflag:s29], $0x1  }
0xb5: {  	[sflag:s29] =	ssyncadd.s32 $0xFFFFFFFF  }
0xb6: {  	_ =	strace $0x9000004B  }
0xb7: {  	_ =	sfence  }
0xb8: {  	s30 =	sld [smem:$0x0];
	_ =	sdelay $0x2  }
0xb9: {  	s31 =	sshll.u32 s1, $0xD;
	s1 =	sshrl.u32 s1, $0x2  }
0xba: {  	s3 =	sand.u32 $0x4000, s31;
	s1 =	sadd.s32 s1, s30  }
0xbb: {  	s0 =	sor.u32 s3, s0;
	s1 =	sshll.u32 s1, $0x11  }
0xbc: {  	s0 =	sor.u32 s1, s0  }
0xbd: {  	s0 =	sadd.s32 $0x8F2B, s0  }
0xbe: {  	[sflag:s0] =	ssyncadd.remote.s32 $0x1  }
0xbf: {  	_ =	sfence.sel $0xFFFF  }
0xc0: {  	[dreg:$0x0] =	wrdreg $0xFFFFFFFF;
	(pc) =	sbr.abs _section_cstart, $3  }
0xc1: {  	[dreg:$0x1] =	wrdreg $0xFFFFFFFF  }
0xc2: {  	_ =	task.clear_ibuf [dreg:s7], $0x2FFFF;
	_ =	strace $0x9FFFFFFF  }
0xc3: {  	(tm) =	ssettm $0x7FFFFFFF  }
tec
execute0_lowered:
.L_overlay_start_1:
0x0: {  	(tag) =	ssettag $0x1  }
0x1: {  	s0 =	rddreg [dreg:$0x0]  }
0x2: {  	s7 =	rddreg [dreg:$0x1]  }
0x3: {  	s2 =	rddreg [dreg:$0x2]  }
0x4: {  	s30 =	rddreg [dreg:$0x3];
	s3 =	simm.s32 $0x0;
	s1 =	srdreg.scid  }
0x5: {  	s17 =	stileid.u32;
	p0 =	por $0x0, $0x0;
	[smem:$0x7FF] =	sst s3  }
0x6: {  	s9 =	sand.u32 $0x1, s1;
	s8 =	sadd.s32 $0x1200, s0;
	s5 =	sadd.s32 $0x41200, s0  }
0x7: {  	s12 =	sshll.u32 s17, $0xD;
	s6 =	sshll.u32 s17, $0x6;
	s15 =	sshll.u32 s17, $0x9  }
0x8: {  	_ =	strace $0x8000004A;
	s4 =	ssub.s32 $0x2, s9;
	s0 =	sshll.u32 s9, $0x2  }
0x9: {  	s10 =	sadd.s32 s12, s2;
	s13 =	sshll.u32 s9, $0x14;
	s14 =	sor.u32 $0x20000, s12  }
0xa: {  	s15 =	sand.u32 $0x1C00, s15;
	s16 =	sshll.u32 s9, $0x9;
	s1 =	sshll.u32 s9, $0x13  }
0xb: {  	s18 =	sshrl.u32 s4, $0x1;
	s19 =	sor.u32 s13, s14;
	s16 =	sor.u32 s16, s15  }
0xc: {  	s13 =	sor.u32 s12, s13;
	s23 =	sor.u32 $0x1, s0;
	s25 =	sadd.s32 $0x20000, s10  }
0xd: {  	s0 =	sor.u32 $0x2, s0;
	s11 =	ssub.s32 s4, s18;
	s4 =	sshrl.u32 s19, $0x3  }
0xe: {  	s19 =	sand.u32 $0x40, s6;
	s13 =	sshrl.u32 s13, $0x3;
	s18 =	sshll.u32 s23, $0x12  }
0xf: {  	s22 =	sshll.u32 s23, $0x7;
	s4 =	sadd.s32 s8, s4;
	s16 =	sor.u32 s19, s16  }
0x10: {  	s13 =	sadd.s32 s8, s13;
	s20 =	sor.u32 s14, s18;
	s24 =	sor.u32 s15, s22  }
0x11: {  	s26 =	sor.u32 s12, s18;
	s18 =	sor.u32 s12, s1;
	s22 =	sshll.u32 s0, $0x7  }
0x12: {  	[dreg:$0x4] =	wrdreg s4;
	s4 =	sor.u32 $0x1C01, s6;
	s16 =	sshrl.u32 s16, $0x3  }
0x13: {  	[dreg:$0x6] =	wrdreg s13;
	s21 =	sshrl.u32 s20, $0x3;
	s13 =	sor.u32 s19, s24  }
0x14: {  	s20 =	sshrl.u32 s18, $0x3;
	s16 =	sadd.s32 s5, s16;
	s17 =	sadd.s32 s8, s21  }
0x15: {  	s13 =	sshrl.u32 s13, $0x3;
	s20 =	sadd.s32 s7, s20;
	s21 =	sshll.u32 s0, $0x12  }
0x16: {  	s0 =	sshll.u32 s0, $0x11;
	[dreg:$0x5] =	wrdreg s16;
	s16 =	sshrl.u32 s26, $0x3  }
0x17: {  	s26 =	sadd.s32 s5, s13;
	s13 =	sor.u32 s15, s22;
	s1 =	sor.u32 s14, s21  }
0x18: {  	s0 =	sor.u32 s12, s0;
	s28 =	sadd.s32 s8, s16;
	s16 =	sshllo.u32 s9, $0x2  }
0x19: {  	s18 =	sshrl.u32 s1, $0x3;
	s13 =	sor.u32 s19, s13;
	s9 =	sor.u32 s12, s21  }
0x1a: {  	s0 =	sshrl.u32 s0, $0x3;
	s24 =	sshll.u32 s16, $0x7;
	s18 =	sadd.s32 s8, s18  }
0x1b: {  	s13 =	sshrl.u32 s13, $0x3;
	s9 =	sshrl.u32 s9, $0x3;
	s1 =	sshll.u32 s16, $0x11  }
0x1c: {  	s15 =	sor.u32 s15, s24;
	s21 =	sadd.s32 s5, s13;
	s22 =	sadd.s32 s8, s9  }
0x1d: {  	s15 =	sor.u32 s19, s15;
	s19 =	sshll.u32 s23, $0x11;
	s23 =	sshll.u32 s16, $0x12  }
0x1e: {  	s16 =	smax.u32 s11, $0x1;
	s11 =	simm.s32 $0x1;
	s9 =	sshrl.u32 s15, $0x3  }
0x1f: {  	s13 =	sor.u32 s12, s19;
	s14 =	sor.u32 s14, s23;
	s24 =	sor.u32 s12, s23  }
0x20: {  	s12 =	sor.u32 s12, s1;
	s15 =	sadd.s32 s7, s0;
	s23 =	simm.s32 $0x8000  }
0x21: {  	p1 =	sne.s32 s16, $0x1;
	s31 =	sadd.s32 $0xFFFFFFFF, s16;
	s16 =	simm.s32 $0x40  }
0x22: {  	s0 =	rddreg [dreg:$0x4];
	s9 =	sadd.s32 s5, s9;
	s5 =	sadd.s32 $0x20000, s2  }
.Ltmp0:
0x23: {  	s13 =	sshrl.u32 s13, $0x3;
	s14 =	sshrl.u32 s14, $0x3;
	(pc) =	sbr.rel @!p1 .LBB2_5-.Ltmp0, $4  }
0x24: {  	s29 =	sadd.s32 s7, s13;
	s13 =	sadd.s32 s8, s14;
	s14 =	sshrl.u32 s24, $0x3  }
0x25: {  	s24 =	simm.s32 $0x4000;
	s19 =	sadd.s32 s8, s14;
	s14 =	sshrl.u32 s12, $0x3  }
0x26: {  	s8 =	sshrl.u32 s25, $0x3;
	s25 =	sshrl.u32 s10, $0x3;
	s12 =	simm.s32 $0x8080  }
0x27: {  	s10 =	simm.s32 $0x2;
	s7 =	sadd.s32 s7, s14;
	s14 =	simm.s32 $0x6000  }
0x28: {  	[spmem:s25], [sflag:s4] =	dma.local [hbm:s0], $0x400  }
0x29: {  	s0 =	rddreg [dreg:$0x5]  }
0x2a: {  	[tilespmem:s23], [sflag:$0x1] =	stream.linear.gather [hbm4b:s0+s3], $0x40, $0x38;
	[tilespmem:$0x8100] =	vst v63  }
0x2b: {  	s30 =	rddreg [dreg:$0x6]  }
0x2c: {  	[tilespmem:s24], [sflag:$0x1] =	stream.linear.gather [hbm4b:s30+s3], $0x2000, $0x38;
	[tilespmem:$0x8100] =	vst v63  }
0x2d: {  	_ =	swait.ge [sflag:s11], $0x400  }
0x2e: {  	[sflag:s11] =	ssyncset.done $0x0  }
0x2f: {  	[sflag:s11] =	ssyncadd.s32 $0xFFFFFC00  }
0x30: {  	_ =	swait.ge [sflag:s11], $0x40  }
0x31: {  	[sflag:s11] =	ssyncset.done $0x0  }
0x32: {  	[sflag:s11] =	ssyncadd.s32 $0xFFFFFFC0  }
0x33: {  	_ =	swait.ge [sflag:s11], $0x2000  }
0x34: {  	[sflag:s11] =	ssyncset.done $0x0  }
0x35: {  	[sflag:s11] =	ssyncadd.s32 $0xFFFFE000  }
0x36: {  	[bflag:$0x0] =	sbarrier.arrive $0xFFFF  }
0x37: {  	[spmem:s8], [sflag:s4] =	dma.local [hbm:s17], $0x400  }
0x38: {  	[tilespmem:s12], [sflag:$0x1] =	stream.linear.gather [hbm4b:s26+s3], $0x40, $0x38;
	[tilespmem:$0x8100] =	vst v63  }
0x39: {  	_ = 	snop  }
0x3a: {  	[tilespmem:s14], [sflag:$0x1] =	stream.linear.gather [hbm4b:s28+s3], $0x2000, $0x38;
	[tilespmem:$0x8100] =	vst v63  }
0x3b: {  	_ = 	snop  }
0x3c: {  	[spmem:s2] =	stream.indirect.scatter.add.f32 [tilespmem:s24], [sflag:$0x2], $0x80, s23, s16, $0xb8;
	[tilespmem:$0x8100] =	vst v63  }
0x3d: {  	_ =	swait.ge [sflag:s10], $0x2000  }
0x3e: {  	[sflag:s10] =	ssyncset.done $0x0  }
0x3f: {  	[sflag:s10] =	ssyncadd.s32 $0xFFFFE000  }
0x40: {  	s30 =	sor.u32 $0x1C02, s6;
	[bflag:$0x0] =	sbarrier.arrive $0xFFFF  }
0x41: {  	[hbm:s20], [sflag:s30] =	dma.local [spmem:s25], $0x400  }
0x42: {  	_ =	swait.ge [sflag:s10], $0x400  }
0x43: {  	[sflag:s10] =	ssyncset.done $0x0  }
0x44: {  	[sflag:s10] =	ssyncadd.s32 $0xFFFFFC00  }
0x45: {  	_ =	swait.ge [sflag:s11], $0x400  }
0x46: {  	[sflag:s11] =	ssyncset.done $0x0  }
0x47: {  	[sflag:s11] =	ssyncadd.s32 $0xFFFFFC00  }
0x48: {  	_ =	swait.ge [sflag:s11], $0x40  }
0x49: {  	[sflag:s11] =	ssyncset.done $0x0  }
0x4a: {  	[sflag:s11] =	ssyncadd.s32 $0xFFFFFFC0  }
0x4b: {  	_ =	swait.ge [sflag:s11], $0x2000  }
0x4c: {  	[sflag:s11] =	ssyncset.done $0x0  }
0x4d: {  	[sflag:s11] =	ssyncadd.s32 $0xFFFFE000  }
0x4e: {  	[bflag:$0x0] =	sbarrier.arrive $0xFFFF  }
0x4f: {  	[spmem:s25], [sflag:s4] =	dma.local [hbm:s18], $0x400  }
0x50: {  	[tilespmem:s23], [sflag:$0x1] =	stream.linear.gather [hbm4b:s21+s3], $0x40, $0x38;
	[tilespmem:$0x8100] =	vst v63  }
0x51: {  	_ = 	snop  }
0x52: {  	[tilespmem:s24], [sflag:$0x1] =	stream.linear.gather [hbm4b:s22+s3], $0x2000, $0x38;
	[tilespmem:$0x8100] =	vst v63  }
0x53: {  	_ = 	snop  }
0x54: {  	[spmem:s5] =	stream.indirect.scatter.add.f32 [tilespmem:s14], [sflag:$0x2], $0x80, s12, s16, $0xb8;
	[tilespmem:$0x8100] =	vst v63  }
0x55: {  	_ =	swait.ge [sflag:s10], $0x2000  }
0x56: {  	[sflag:s10] =	ssyncset.done $0x0  }
0x57: {  	[sflag:s10] =	ssyncadd.s32 $0xFFFFE000  }
0x58: {  	[bflag:$0x0] =	sbarrier.arrive $0xFFFF  }
0x59: {  	[hbm:s29], [sflag:s30] =	dma.local [spmem:s8], $0x400  }
0x5a: {  	_ =	swait.ge [sflag:s10], $0x400  }
0x5b: {  	[sflag:s10] =	ssyncset.done $0x0  }
0x5c: {  	[sflag:s10] =	ssyncadd.s32 $0xFFFFFC00  }
0x5d: {  	_ =	swait.ge [sflag:s11], $0x400  }
0x5e: {  	[sflag:s11] =	ssyncset.done $0x0  }
0x5f: {  	[sflag:s11] =	ssyncadd.s32 $0xFFFFFC00  }
0x60: {  	_ =	swait.ge [sflag:s11], $0x40  }
0x61: {  	[sflag:s11] =	ssyncset.done $0x0  }
0x62: {  	[sflag:s11] =	ssyncadd.s32 $0xFFFFFFC0  }
0x63: {  	_ =	swait.ge [sflag:s11], $0x2000  }
0x64: {  	[sflag:s11] =	ssyncset.done $0x0  }
0x65: {  	[sflag:s11] =	ssyncadd.s32 $0xFFFFE000  }
0x66: {  	[bflag:$0x0] =	sbarrier.arrive $0xFFFF  }
0x67: {  	[spmem:s8], [sflag:s4] =	dma.local [hbm:s13], $0x400  }
0x68: {  	[tilespmem:s12], [sflag:$0x1] =	stream.linear.gather [hbm4b:s9+s3], $0x40, $0x38;
	[tilespmem:$0x8100] =	vst v63  }
0x69: {  	_ = 	snop  }
0x6a: {  	[tilespmem:s14], [sflag:$0x1] =	stream.linear.gather [hbm4b:s19+s3], $0x2000, $0x38;
	[tilespmem:$0x8100] =	vst v63  }
0x6b: {  	_ = 	snop  }
0x6c: {  	[spmem:s2] =	stream.indirect.scatter.add.f32 [tilespmem:s24], [sflag:$0x2], $0x80, s23, s16, $0xb8;
	[tilespmem:$0x8100] =	vst v63  }
0x6d: {  	_ =	swait.ge [sflag:s10], $0x2000  }
0x6e: {  	[sflag:s10] =	ssyncset.done $0x0  }
0x6f: {  	[sflag:s10] =	ssyncadd.s32 $0xFFFFE000  }
0x70: {  	[bflag:$0x0] =	sbarrier.arrive $0xFFFF  }
0x71: {  	[hbm:s15], [sflag:s30] =	dma.local [spmem:s25], $0x400  }
0x72: {  	_ =	swait.ge [sflag:s10], $0x400  }
0x73: {  	[sflag:s10] =	ssyncset.done $0x0  }
0x74: {  	[sflag:s10] =	ssyncadd.s32 $0xFFFFFC00  }
0x75: {  	_ =	swait.ge [sflag:s11], $0x400  }
0x76: {  	[sflag:s11] =	ssyncset.done $0x0  }
0x77: {  	[sflag:s11] =	ssyncadd.s32 $0xFFFFFC00  }
0x78: {  	_ =	swait.ge [sflag:s11], $0x40  }
0x79: {  	[sflag:s11] =	ssyncset.done $0x0  }
0x7a: {  	[sflag:s11] =	ssyncadd.s32 $0xFFFFFFC0  }
0x7b: {  	_ =	swait.ge [sflag:s11], $0x2000  }
0x7c: {  	[sflag:s11] =	ssyncset.done $0x0  }
0x7d: {  	[sflag:s11] =	ssyncadd.s32 $0xFFFFE000  }
0x7e: {  	[bflag:$0x0] =	sbarrier.arrive $0xFFFF  }
0x7f: {  	[spmem:s5] =	stream.indirect.scatter.add.f32 [tilespmem:s14], [sflag:$0x2], $0x80, s12, s16, $0xb8;
	[tilespmem:$0x8100] =	vst v63  }
0x80: {  	_ =	swait.ge [sflag:s10], $0x2000  }
0x81: {  	p1 =	sne.s32 s31, $0x1;
	[sflag:s10] =	ssyncset.done $0x0  }
.Ltmp1:
0x82: {  	[sflag:s10] =	ssyncadd.s32 $0xFFFFE000;
	(pc) =	sbr.rel @!p1 .LBB2_2-.Ltmp1, $4  }
0x83: {  	[bflag:$0x0] =	sbarrier.arrive $0xFFFF  }
0x84: {  	[hbm:s7], [sflag:s30] =	dma.local [spmem:s8], $0x400  }
0x85: {  	s31 =	sadd.s32 $0xFFFFFFFF, s31;
	_ =	swait.ge [sflag:s10], $0x400  }
0x86: {  	p0 =	por $0x1, $0x1;
	s0 =	rddreg [dreg:$0x4];
	[sflag:s10] =	ssyncset.done $0x0  }
.LBB2_3:
0x87: {  	[sflag:s10] =	ssyncadd.s32 $0xFFFFFC00  }
0x88: {  	[spmem:s25], [sflag:s4] =	dma.local [hbm:s0], $0x400  }
0x89: {  	s0 =	rddreg [dreg:$0x5]  }
0x8a: {  	[tilespmem:s23], [sflag:$0x1] =	stream.linear.gather [hbm4b:s0+s3], $0x40, $0x38;
	[tilespmem:$0x8100] =	vst v63  }
0x8b: {  	s1 =	rddreg [dreg:$0x6]  }
0x8c: {  	[tilespmem:s24], [sflag:$0x1] =	stream.linear.gather [hbm4b:s1+s3], $0x2000, $0x38;
	[tilespmem:$0x8100] =	vst v63  }
0x8d: {  	_ =	swait.ge [sflag:s11], $0x400  }
0x8e: {  	[sflag:s11] =	ssyncset.done $0x0  }
0x8f: {  	[sflag:s11] =	ssyncadd.s32 $0xFFFFFC00  }
0x90: {  	_ =	swait.ge [sflag:s11], $0x40  }
0x91: {  	[sflag:s11] =	ssyncset.done $0x0  }
0x92: {  	[sflag:s11] =	ssyncadd.s32 $0xFFFFFFC0  }
0x93: {  	_ =	swait.ge [sflag:s11], $0x2000  }
0x94: {  	[sflag:s11] =	ssyncset.done $0x0  }
0x95: {  	[sflag:s11] =	ssyncadd.s32 $0xFFFFE000  }
0x96: {  	[bflag:$0x0] =	sbarrier.arrive $0xFFFF  }
0x97: {  	[spmem:s8], [sflag:s4] =	dma.local [hbm:s17], $0x400  }
0x98: {  	[tilespmem:s12], [sflag:$0x1] =	stream.linear.gather [hbm4b:s26+s3], $0x40, $0x38;
	[tilespmem:$0x8100] =	vst v63  }
0x99: {  	_ = 	snop  }
0x9a: {  	[tilespmem:s14], [sflag:$0x1] =	stream.linear.gather [hbm4b:s28+s3], $0x2000, $0x38;
	[tilespmem:$0x8100] =	vst v63  }
0x9b: {  	_ = 	snop  }
0x9c: {  	[spmem:s2] =	stream.indirect.scatter.add.f32 [tilespmem:s24], [sflag:$0x2], $0x80, s23, s16, $0xb8;
	[tilespmem:$0x8100] =	vst v63  }
0x9d: {  	_ =	swait.ge [sflag:s10], $0x2000  }
0x9e: {  	[sflag:s10] =	ssyncset.done $0x0  }
0x9f: {  	[sflag:s10] =	ssyncadd.s32 $0xFFFFE000  }
0xa0: {  	[bflag:$0x0] =	sbarrier.arrive $0xFFFF  }
0xa1: {  	[hbm:s20], [sflag:s30] =	dma.local [spmem:s25], $0x400  }
0xa2: {  	_ =	swait.ge [sflag:s10], $0x400  }
0xa3: {  	[sflag:s10] =	ssyncset.done $0x0  }
0xa4: {  	[sflag:s10] =	ssyncadd.s32 $0xFFFFFC00  }
0xa5: {  	_ =	swait.ge [sflag:s11], $0x400  }
0xa6: {  	[sflag:s11] =	ssyncset.done $0x0  }
0xa7: {  	[sflag:s11] =	ssyncadd.s32 $0xFFFFFC00  }
0xa8: {  	_ =	swait.ge [sflag:s11], $0x40  }
0xa9: {  	[sflag:s11] =	ssyncset.done $0x0  }
0xaa: {  	[sflag:s11] =	ssyncadd.s32 $0xFFFFFFC0  }
0xab: {  	_ =	swait.ge [sflag:s11], $0x2000  }
0xac: {  	[sflag:s11] =	ssyncset.done $0x0  }
0xad: {  	[sflag:s11] =	ssyncadd.s32 $0xFFFFE000  }
0xae: {  	[bflag:$0x0] =	sbarrier.arrive $0xFFFF  }
0xaf: {  	[spmem:s25], [sflag:s4] =	dma.local [hbm:s18], $0x400  }
0xb0: {  	[tilespmem:s23], [sflag:$0x1] =	stream.linear.gather [hbm4b:s21+s3], $0x40, $0x38;
	[tilespmem:$0x8100] =	vst v63  }
0xb1: {  	_ = 	snop  }
0xb2: {  	[tilespmem:s24], [sflag:$0x1] =	stream.linear.gather [hbm4b:s22+s3], $0x2000, $0x38;
	[tilespmem:$0x8100] =	vst v63  }
0xb3: {  	_ = 	snop  }
0xb4: {  	[spmem:s5] =	stream.indirect.scatter.add.f32 [tilespmem:s14], [sflag:$0x2], $0x80, s12, s16, $0xb8;
	[tilespmem:$0x8100] =	vst v63  }
0xb5: {  	_ =	swait.ge [sflag:s10], $0x2000  }
0xb6: {  	[sflag:s10] =	ssyncset.done $0x0  }
0xb7: {  	[sflag:s10] =	ssyncadd.s32 $0xFFFFE000  }
0xb8: {  	[bflag:$0x0] =	sbarrier.arrive $0xFFFF  }
0xb9: {  	[hbm:s29], [sflag:s30] =	dma.local [spmem:s8], $0x400  }
0xba: {  	_ =	swait.ge [sflag:s10], $0x400  }
0xbb: {  	[sflag:s10] =	ssyncset.done $0x0  }
0xbc: {  	[sflag:s10] =	ssyncadd.s32 $0xFFFFFC00  }
0xbd: {  	_ =	swait.ge [sflag:s11], $0x400  }
0xbe: {  	[sflag:s11] =	ssyncset.done $0x0  }
0xbf: {  	[sflag:s11] =	ssyncadd.s32 $0xFFFFFC00  }
0xc0: {  	_ =	swait.ge [sflag:s11], $0x40  }
0xc1: {  	[sflag:s11] =	ssyncset.done $0x0  }
0xc2: {  	[sflag:s11] =	ssyncadd.s32 $0xFFFFFFC0  }
0xc3: {  	_ =	swait.ge [sflag:s11], $0x2000  }
0xc4: {  	[sflag:s11] =	ssyncset.done $0x0  }
0xc5: {  	[sflag:s11] =	ssyncadd.s32 $0xFFFFE000  }
0xc6: {  	[bflag:$0x0] =	sbarrier.arrive $0xFFFF  }
0xc7: {  	[spmem:s8], [sflag:s4] =	dma.local [hbm:s13], $0x400  }
0xc8: {  	[tilespmem:s12], [sflag:$0x1] =	stream.linear.gather [hbm4b:s9+s3], $0x40, $0x38;
	[tilespmem:$0x8100] =	vst v63  }
0xc9: {  	_ = 	snop  }
0xca: {  	[tilespmem:s14], [sflag:$0x1] =	stream.linear.gather [hbm4b:s19+s3], $0x2000, $0x38;
	[tilespmem:$0x8100] =	vst v63  }
0xcb: {  	_ = 	snop  }
0xcc: {  	[spmem:s2] =	stream.indirect.scatter.add.f32 [tilespmem:s24], [sflag:$0x2], $0x80, s23, s16, $0xb8;
	[tilespmem:$0x8100] =	vst v63  }
0xcd: {  	_ =	swait.ge [sflag:s10], $0x2000  }
0xce: {  	[sflag:s10] =	ssyncset.done $0x0  }
0xcf: {  	[sflag:s10] =	ssyncadd.s32 $0xFFFFE000  }
0xd0: {  	[bflag:$0x0] =	sbarrier.arrive $0xFFFF  }
0xd1: {  	[hbm:s15], [sflag:s30] =	dma.local [spmem:s25], $0x400  }
0xd2: {  	_ =	swait.ge [sflag:s10], $0x400  }
0xd3: {  	[sflag:s10] =	ssyncset.done $0x0  }
0xd4: {  	[sflag:s10] =	ssyncadd.s32 $0xFFFFFC00  }
0xd5: {  	_ =	swait.ge [sflag:s11], $0x400  }
0xd6: {  	[sflag:s11] =	ssyncset.done $0x0  }
0xd7: {  	[sflag:s11] =	ssyncadd.s32 $0xFFFFFC00  }
0xd8: {  	_ =	swait.ge [sflag:s11], $0x40  }
0xd9: {  	[sflag:s11] =	ssyncset.done $0x0  }
0xda: {  	[sflag:s11] =	ssyncadd.s32 $0xFFFFFFC0  }
0xdb: {  	_ =	swait.ge [sflag:s11], $0x2000  }
0xdc: {  	[sflag:s11] =	ssyncset.done $0x0  }
0xdd: {  	[sflag:s11] =	ssyncadd.s32 $0xFFFFE000  }
0xde: {  	[bflag:$0x0] =	sbarrier.arrive $0xFFFF  }
0xdf: {  	[spmem:s5] =	stream.indirect.scatter.add.f32 [tilespmem:s14], [sflag:$0x2], $0x80, s12, s16, $0xb8;
	[tilespmem:$0x8100] =	vst v63  }
0xe0: {  	_ =	swait.ge [sflag:s10], $0x2000  }
0xe1: {  	p1 =	sne.s32 s31, $0x1;
	[sflag:s10] =	ssyncset.done $0x0  }
.Ltmp2:
0xe2: {  	[sflag:s10] =	ssyncadd.s32 $0xFFFFE000;
	(pc) =	sbr.rel @p1 .LBB2_3-.Ltmp2, $4  }
0xe3: {  	[bflag:$0x0] =	sbarrier.arrive $0xFFFF  }
0xe4: {  	[hbm:s7], [sflag:s30] =	dma.local [spmem:s8], $0x400  }
0xe5: {  	_ =	swait.ge [sflag:s10], $0x400  }
0xe6: {  	s31 =	sadd.s32 $0xFFFFFFFF, s31;
	s0 =	rddreg [dreg:$0x4];
	[sflag:s10] =	ssyncset.done $0x0  }
0xe7: {  	s30 =	rddreg [dreg:$0x3]  }
.LBB2_5:
0xe8: {  	[sflag:s10] =	ssyncadd.s32 @p0 $0xFFFFFC00  }
0xe9: {  	[spmem:s25], [sflag:s4] =	dma.local [hbm:s0], $0x400  }
0xea: {  	s0 =	rddreg [dreg:$0x5]  }
0xeb: {  	[tilespmem:s23], [sflag:$0x1] =	stream.linear.gather [hbm4b:s0+s3], $0x40, $0x38;
	[tilespmem:$0x8100] =	vst v63  }
0xec: {  	s1 =	rddreg [dreg:$0x6]  }
0xed: {  	[tilespmem:s24], [sflag:$0x1] =	stream.linear.gather [hbm4b:s1+s3], $0x2000, $0x38;
	[tilespmem:$0x8100] =	vst v63  }
0xee: {  	_ =	swait.ge [sflag:s11], $0x400  }
0xef: {  	[sflag:s11] =	ssyncset.done $0x0  }
0xf0: {  	[sflag:s11] =	ssyncadd.s32 $0xFFFFFC00  }
0xf1: {  	_ =	swait.ge [sflag:s11], $0x40  }
0xf2: {  	[sflag:s11] =	ssyncset.done $0x0  }
0xf3: {  	[sflag:s11] =	ssyncadd.s32 $0xFFFFFFC0  }
0xf4: {  	_ =	swait.ge [sflag:s11], $0x2000  }
0xf5: {  	[sflag:s11] =	ssyncset.done $0x0  }
0xf6: {  	[sflag:s11] =	ssyncadd.s32 $0xFFFFE000  }
0xf7: {  	[bflag:$0x0] =	sbarrier.arrive $0xFFFF  }
0xf8: {  	[spmem:s8], [sflag:s4] =	dma.local [hbm:s17], $0x400  }
0xf9: {  	[tilespmem:s12], [sflag:$0x1] =	stream.linear.gather [hbm4b:s26+s3], $0x40, $0x38;
	[tilespmem:$0x8100] =	vst v63  }
0xfa: {  	_ = 	snop  }
0xfb: {  	[tilespmem:s14], [sflag:$0x1] =	stream.linear.gather [hbm4b:s28+s3], $0x2000, $0x38;
	[tilespmem:$0x8100] =	vst v63  }
0xfc: {  	_ = 	snop  }
0xfd: {  	[spmem:s2] =	stream.indirect.scatter.add.f32 [tilespmem:s24], [sflag:$0x2], $0x80, s23, s16, $0xb8;
	[tilespmem:$0x8100] =	vst v63  }
0xfe: {  	_ =	swait.ge [sflag:s10], $0x2000  }
0xff: {  	[sflag:s10] =	ssyncset.done $0x0  }
0x100: {  	[sflag:s10] =	ssyncadd.s32 $0xFFFFE000  }
0x101: {  	s6 =	sor.u32 $0x1C02, s6;
	[bflag:$0x0] =	sbarrier.arrive $0xFFFF  }
0x102: {  	[hbm:s20], [sflag:s6] =	dma.local [spmem:s25], $0x400  }
0x103: {  	_ =	swait.ge [sflag:s10], $0x400  }
0x104: {  	[sflag:s10] =	ssyncset.done $0x0  }
0x105: {  	[sflag:s10] =	ssyncadd.s32 $0xFFFFFC00  }
0x106: {  	_ =	swait.ge [sflag:s11], $0x400  }
0x107: {  	[sflag:s11] =	ssyncset.done $0x0  }
0x108: {  	[sflag:s11] =	ssyncadd.s32 $0xFFFFFC00  }
0x109: {  	_ =	swait.ge [sflag:s11], $0x40  }
0x10a: {  	[sflag:s11] =	ssyncset.done $0x0  }
0x10b: {  	[sflag:s11] =	ssyncadd.s32 $0xFFFFFFC0  }
0x10c: {  	_ =	swait.ge [sflag:s11], $0x2000  }
0x10d: {  	[sflag:s11] =	ssyncset.done $0x0  }
0x10e: {  	[sflag:s11] =	ssyncadd.s32 $0xFFFFE000  }
0x10f: {  	[bflag:$0x0] =	sbarrier.arrive $0xFFFF  }
0x110: {  	[spmem:s25], [sflag:s4] =	dma.local [hbm:s18], $0x400  }
0x111: {  	[tilespmem:s23], [sflag:$0x1] =	stream.linear.gather [hbm4b:s21+s3], $0x40, $0x38;
	[tilespmem:$0x8100] =	vst v63  }
0x112: {  	_ = 	snop  }
0x113: {  	[tilespmem:s24], [sflag:$0x1] =	stream.linear.gather [hbm4b:s22+s3], $0x2000, $0x38;
	[tilespmem:$0x8100] =	vst v63  }
0x114: {  	_ = 	snop  }
0x115: {  	[spmem:s5] =	stream.indirect.scatter.add.f32 [tilespmem:s14], [sflag:$0x2], $0x80, s12, s16, $0xb8;
	[tilespmem:$0x8100] =	vst v63  }
0x116: {  	_ =	swait.ge [sflag:s10], $0x2000  }
0x117: {  	[sflag:s10] =	ssyncset.done $0x0  }
0x118: {  	[sflag:s10] =	ssyncadd.s32 $0xFFFFE000  }
0x119: {  	[bflag:$0x0] =	sbarrier.arrive $0xFFFF  }
0x11a: {  	[hbm:s29], [sflag:s6] =	dma.local [spmem:s8], $0x400  }
0x11b: {  	_ =	swait.ge [sflag:s10], $0x400  }
0x11c: {  	[sflag:s10] =	ssyncset.done $0x0  }
0x11d: {  	[sflag:s10] =	ssyncadd.s32 $0xFFFFFC00  }
0x11e: {  	_ =	swait.ge [sflag:s11], $0x400  }
0x11f: {  	[sflag:s11] =	ssyncset.done $0x0  }
0x120: {  	[sflag:s11] =	ssyncadd.s32 $0xFFFFFC00  }
0x121: {  	_ =	swait.ge [sflag:s11], $0x40  }
0x122: {  	[sflag:s11] =	ssyncset.done $0x0  }
0x123: {  	[sflag:s11] =	ssyncadd.s32 $0xFFFFFFC0  }
0x124: {  	_ =	swait.ge [sflag:s11], $0x2000  }
0x125: {  	[sflag:s11] =	ssyncset.done $0x0  }
0x126: {  	[sflag:s11] =	ssyncadd.s32 $0xFFFFE000  }
0x127: {  	[bflag:$0x0] =	sbarrier.arrive $0xFFFF  }
0x128: {  	[spmem:s8], [sflag:s4] =	dma.local [hbm:s13], $0x400  }
0x129: {  	[tilespmem:s12], [sflag:$0x1] =	stream.linear.gather [hbm4b:s9+s3], $0x40, $0x38;
	[tilespmem:$0x8100] =	vst v63  }
0x12a: {  	_ = 	snop  }
0x12b: {  	[tilespmem:s14], [sflag:$0x1] =	stream.linear.gather [hbm4b:s19+s3], $0x2000, $0x38;
	[tilespmem:$0x8100] =	vst v63  }
0x12c: {  	_ = 	snop  }
0x12d: {  	[spmem:s2] =	stream.indirect.scatter.add.f32 [tilespmem:s24], [sflag:$0x2], $0x80, s23, s16, $0xb8;
	[tilespmem:$0x8100] =	vst v63  }
0x12e: {  	_ =	swait.ge [sflag:s10], $0x2000  }
0x12f: {  	[sflag:s10] =	ssyncset.done $0x0  }
0x130: {  	[sflag:s10] =	ssyncadd.s32 $0xFFFFE000  }
0x131: {  	[bflag:$0x0] =	sbarrier.arrive $0xFFFF  }
0x132: {  	[hbm:s15], [sflag:s6] =	dma.local [spmem:s25], $0x400  }
0x133: {  	_ =	swait.ge [sflag:s10], $0x400  }
0x134: {  	[sflag:s10] =	ssyncset.done $0x0  }
0x135: {  	[sflag:s10] =	ssyncadd.s32 $0xFFFFFC00  }
0x136: {  	_ =	swait.ge [sflag:s11], $0x400  }
0x137: {  	[sflag:s11] =	ssyncset.done $0x0  }
0x138: {  	[sflag:s11] =	ssyncadd.s32 $0xFFFFFC00  }
0x139: {  	_ =	swait.ge [sflag:s11], $0x40  }
0x13a: {  	[sflag:s11] =	ssyncset.done $0x0  }
0x13b: {  	[sflag:s11] =	ssyncadd.s32 $0xFFFFFFC0  }
0x13c: {  	_ =	swait.ge [sflag:s11], $0x2000  }
0x13d: {  	[sflag:s11] =	ssyncset.done $0x0  }
0x13e: {  	[sflag:s11] =	ssyncadd.s32 $0xFFFFE000  }
0x13f: {  	[bflag:$0x0] =	sbarrier.arrive $0xFFFF  }
0x140: {  	[spmem:s5] =	stream.indirect.scatter.add.f32 [tilespmem:s14], [sflag:$0x2], $0x80, s12, s16, $0xb8;
	[tilespmem:$0x8100] =	vst v63  }
0x141: {  	_ =	swait.ge [sflag:s10], $0x2000  }
0x142: {  	[sflag:s10] =	ssyncset.done $0x0  }
0x143: {  	[sflag:s10] =	ssyncadd.s32 $0xFFFFE000  }
0x144: {  	[bflag:$0x0] =	sbarrier.arrive $0xFFFF  }
0x145: {  	[hbm:s7], [sflag:s6] =	dma.local [spmem:s8], $0x400  }
0x146: {  	_ =	swait.ge [sflag:s10], $0x400  }
0x147: {  	[sflag:s10] =	ssyncset.done $0x0  }
0x148: {  	[sflag:s10] =	ssyncadd.s32 $0xFFFFFC00  }
0x149: {  	_ =	sfence.sel $0x180000  }
0x14a: {  	s31 =	stileid.u32;
	[bflag:$0x0] =	sbarrier.arrive $0xFFFF  }
0x14b: {  	p0 =	sne.s32 s31, $0x0;
	_ =	strace $0x9000004A  }
0x14c: {  	s0 =	sadd.s32 @!p0 $0x100000, s30;
	[bflag:$0x2] =	sbarrier.arrive $0xFFFF  }
0x14d: {  	[sflag:s0] =	ssyncadd.tile.s32 @!p0 $0x1;
	_ =	shalt  }
.LBB2_2:
.Ltmp3:
0x14e: {  	(pc) =	sbr.rel .LBB2_5-.Ltmp3, $2  }
0x14f: {  	_ =	sdelay $0x2  }
0x150: {  	s30 =	rddreg [dreg:$0x3]  }
.Lfunc_end2:
_tile_overlayer_lowered:
.L_overlay_start_2:
0x151: {  	(tag) =	ssettag $0x2  }
0x152: {  	s0 =	rddreg [dreg:$0x0];
	s2 =	stileid.u32  }
0x153: {  	s1 =	rddreg [dreg:$0x1];
	p0 =	sne.s32 s2, $0x0  }
0x154: {  	s3 =	rddreg [dreg:$0x2];
	[bflag:$0x3] =	sbarrier.arrive $0xFFFF;
	s2 =	simm.s32 @!p0 $0x1C02  }
0x155: {  	[timem:s3], [sflag:s2] =	dma.local @!p0 [hbm:s0], s1  }
0x156: {  	s0 =	simm.s32 @!p0 $0x2  }
0x157: {  	_ =	swait.ge @!p0 [sflag:s0], s1  }
0x158: {  	s1 =	ssub.s32 @!p0 $0x0, s1;
	[sflag:s0] =	ssyncset.done @!p0 $0x0  }
0x159: {  	[sflag:s0] =	ssyncadd.s32 @!p0 s1  }
0x15a: {  	[bflag:$0x3] =	sbarrier.arrive $0xFFFF  }
0x15b: {  	_ =	shalt  }

// kernel: kernel.7.cloned.1.call-start
scs
__scs_entry_jumppad:
0x0: {  	(pc) =	sbr.rel $0x88, $3  }
0x1: {  	(tag) =	ssettag $0x0;
	lr =	simm.s32 $0x1  }
0x2: {  	[smem:$0x3F9C] =	sst lr;
	_ =	strace $0xD0000000  }
0x3: {  	_ = 	snop  }
0x4: {  	_ = 	snop  }
0x5: {  	_ = 	snop  }
0x6: {  	_ = 	snop  }
0x7: {  	_ = 	snop  }
__scs_overlays_trampoline_lowered:
0x8: {  	[smem:$0x3FAB] =	sst s0  }
0x9: {  	[smem:$0x3FAC] =	sst s1  }
0xa: {  	[smem:$0x3FAD] =	sst s2  }
0xb: {  	[smem:$0x3FAE] =	sst s3  }
0xc: {  	[smem:$0x3FAF] =	sst s4  }
0xd: {  	[smem:$0x3FB0] =	sst s5  }
0xe: {  	[smem:$0x3FB1] =	sst s6  }
0xf: {  	[smem:$0x3FB2] =	sst s7  }
0x10: {  	[smem:$0x3FB3] =	sst s8  }
0x11: {  	[smem:$0x3FB4] =	sst s9;
	s0 =	simm.s32 @!p0 $0x0  }
0x12: {  	s1 =	sld [smem:$0x3F9A];
	s0 =	simm.s32 @p0 $0x1  }
0x13: {  	[smem:$0x3FB5] =	sst s0;
	s0 =	simm.s32 @!p1 $0x0  }
0x14: {  	s2 =	sld [smem:$0x3F99];
	s0 =	simm.s32 @p1 $0x1  }
0x15: {  	[smem:$0x3FB6] =	sst s0;
	s0 =	simm.s32 @!p2 $0x0  }
0x16: {  	s3 =	sld [smem:$0x3FDB];
	s0 =	simm.s32 @p2 $0x1  }
0x17: {  	s4 =	simm.s32 $0x1BF5;
	[smem:$0x3FB8] =	sst s0  }
0x18: {  	s0 =	sld [smem:$0x3F9B];
	_ =	swait.ge [sflag:s4], $0x0  }
0x19: {  	s7 =	sld [smem:$0x3F9C]  }
0x1a: {  	s8 =	sadd.s32 $0xFFFFE003, lr  }
0x1b: {  	s9 =	sadd.s32 $0xFFFFFEF7, lr;
	s5 =	simm.s32 $0xFFFFFFFF;
	p2 =	slt.u32 s8, $0xFFFFF086  }
0x1c: {  	p1 =	slt.u32 s9, $0xF7A;
	s5 =	simm.s32 @!p2 $0x0  }
0x1d: {  	s5 =	simm.s32 @p1 $0x1;
	p0 =	seq.s32 s7, s2  }
0x1e: {  	s7 =	smul.u32 @!p0 $0xF7A, s2;
	p2 =	seq.s32 @!p0 s5, $0x0  }
0x1f: {  	s9 =	smul.u32 $0xF7A, s1;
	s8 =	simm.s32 @!p0 $0x1BF5;
	p2 =	por !p2, p0  }
0x20: {  	[sflag:s8] =	ssyncset.s32 @!p0 $0xFFFFF086;
	s6 =	sadd.s32 @!p0 s3, s7;
	s7 =	simm.s32 @!p0 $0x108  }
0x21: {  	s3 =	sadd.s32 s3, s9;
	s6 =	sadd.s32 @!p0 $0x88, s6;
	s7 =	simm.s32 @p2 $0x1082  }
0x22: {  	[simem:s7], [sflag:s8] =	dma.local @!p0 [hbm:s6], $0xF7A  }
0x23: {  	s9 =	sor.u32 $0xD0000000, s2;
	s6 =	simm.s32 $0x108;
	_ =	swait.ge @!p0 [sflag:s8], $0x0  }
0x24: {  	s3 =	sadd.s32 $0x88, s3;
	s6 =	simm.s32 @!p1 $0x1082;
	[sflag:s4] =	ssyncset.s32 $0xFFFFF086  }
0x25: {  	[simem:s6], [sflag:s4] =	dma.local [hbm:s3], $0xF7A  }
0x26: {  	[smem:$0x3F9C] =	sst s1;
	(tag) =	ssettag s2;
	_ =	strace s9  }
0x27: {  	s1 =	sld [smem:$0x3FAC]  }
0x28: {  	s2 =	sld [smem:$0x3FAD]  }
0x29: {  	s4 =	sld [smem:$0x3FAF]  }
0x2a: {  	p0 =	seq.s32 s5, $0x0;
	s5 =	sld [smem:$0x3FB0]  }
0x2b: {  	s6 =	sld [smem:$0x3FB1]  }
0x2c: {  	s7 =	sld [smem:$0x3FB2]  }
0x2d: {  	s3 =	simm.s32 $0x108;
	s8 =	sld [smem:$0x3FB3]  }
0x2e: {  	s3 =	simm.s32 @!p0 $0x1082;
	s9 =	sld [smem:$0x3FB4]  }
0x2f: {  	lr =	sadd.s32 s0, s3;
	s0 =	sld [smem:$0x3FAB]  }
0x30: {  	s3 =	sld [smem:$0x3FAE]  }
0x31: {  	[smem:$0x3FB7] =	sst s10  }
0x32: {  	s10 =	sld [smem:$0x3FB5];
	_ =	sdelay $0x3  }
0x33: {  	p0 =	seq.s32 s10, $0x1;
	s10 =	sld [smem:$0x3FB7];
	_ =	sdelay $0x3  }
0x34: {  	[smem:$0x3FB7] =	sst s10  }
0x35: {  	s10 =	sld [smem:$0x3FB6];
	_ =	sdelay $0x3  }
0x36: {  	p1 =	seq.s32 s10, $0x1;
	s10 =	sld [smem:$0x3FB7];
	_ =	sdelay $0x3  }
0x37: {  	[smem:$0x3FB7] =	sst s10  }
0x38: {  	s10 =	sld [smem:$0x3FB8]  }
0x39: {  	_ = 	snop;
	(pc) =	sbr.ind lr, $3  }
0x3a: {  	_ = 	snop  }
0x3b: {  	_ = 	snop  }
0x3c: {  	p2 =	seq.s32 s10, $0x1;
	s10 =	sld [smem:$0x3FB7]  }
0x3d: {  	_ =	shalt  }
0x3e: {  	_ =	shalt  }
0x3f: {  	_ =	shalt  }
0x40: {  	_ =	shalt  }
0x41: {  	_ =	shalt  }
0x42: {  	_ =	shalt  }
0x43: {  	_ =	shalt  }
0x44: {  	_ =	shalt  }
0x45: {  	_ =	shalt  }
0x46: {  	_ =	shalt  }
0x47: {  	_ =	shalt  }
0x48: {  	_ =	shalt  }
0x49: {  	_ =	shalt  }
0x4a: {  	_ =	shalt  }
0x4b: {  	_ =	shalt  }
0x4c: {  	_ =	shalt  }
0x4d: {  	_ =	shalt  }
0x4e: {  	_ =	shalt  }
0x4f: {  	_ =	shalt  }
0x50: {  	_ =	shalt  }
0x51: {  	_ =	shalt  }
0x52: {  	_ =	shalt  }
0x53: {  	_ =	shalt  }
0x54: {  	_ =	shalt  }
0x55: {  	_ =	shalt  }
0x56: {  	_ =	shalt  }
0x57: {  	_ =	shalt  }
0x58: {  	_ =	shalt  }
0x59: {  	_ =	shalt  }
0x5a: {  	_ =	shalt  }
0x5b: {  	_ =	shalt  }
0x5c: {  	_ =	shalt  }
0x5d: {  	_ =	shalt  }
0x5e: {  	_ =	shalt  }
0x5f: {  	_ =	shalt  }
0x60: {  	_ =	shalt  }
0x61: {  	_ =	shalt  }
0x62: {  	_ =	shalt  }
0x63: {  	_ =	shalt  }
0x64: {  	_ =	shalt  }
0x65: {  	_ =	shalt  }
0x66: {  	_ =	shalt  }
0x67: {  	_ =	shalt  }
0x68: {  	_ =	shalt  }
0x69: {  	_ =	shalt  }
0x6a: {  	_ =	shalt  }
0x6b: {  	_ =	shalt  }
0x6c: {  	_ =	shalt  }
0x6d: {  	_ =	shalt  }
0x6e: {  	_ =	shalt  }
0x6f: {  	_ =	shalt  }
0x70: {  	_ =	shalt  }
0x71: {  	_ =	shalt  }
0x72: {  	_ =	shalt  }
0x73: {  	_ =	shalt  }
0x74: {  	_ =	shalt  }
0x75: {  	_ =	shalt  }
0x76: {  	_ =	shalt  }
0x77: {  	_ =	shalt  }
0x78: {  	_ =	shalt  }
0x79: {  	_ =	shalt  }
0x7a: {  	_ =	shalt  }
0x7b: {  	_ =	shalt  }
0x7c: {  	_ =	shalt  }
0x7d: {  	_ =	shalt  }
0x7e: {  	_ =	shalt  }
0x7f: {  	_ =	shalt  }
0x80: {  	_ =	shalt  }
0x81: {  	_ =	shalt  }
0x82: {  	_ =	shalt  }
0x83: {  	_ =	shalt  }
0x84: {  	_ =	shalt  }
0x85: {  	_ =	shalt  }
0x86: {  	_ =	shalt  }
0x87: {  	_ =	shalt  }
.Lfunc_end0:
.L_simem_size_0:
called_computation_lowered:
.L_overlay_start_0:
0x88: {  	s2 =	sld [smem:$0x3FD9]  }
0x89: {  	s3 =	sld [smem:$0x3FFE];
	_ =	sdelay $0x1  }
0x8a: {  	s1 =	srdreg.scid  }
0x8b: {  	s0 =	sand.u32 $0x1, s1  }
0x8c: {  	s17 =	sshll.u32 s0, $0xA;
	s2 =	sadd.s32 s3, s2  }
0x8d: {  	s2 =	sadd.s32 s2, s17  }
0x8e: {  	[smem:$0x3FC3] =	sst s2  }
0x8f: {  	_ = 	snop  }
0x90: {  	s2 =	sld [smem:$0x3FD0];
	(tm) =	ssettm $0x1  }
0x91: {  	s18 =	sld [smem:$0x3FFB];
	_ =	sdelay $0x3  }
0x92: {  	_ =	strace s18  }
0x93: {  	s3 =	sld [smem:$0x3FFC];
	_ =	sdelay $0x3  }
0x94: {  	_ =	strace s3  }
0x95: {  	s3 =	sld [smem:$0x3FFD];
	_ =	sdelay $0x3  }
0x96: {  	_ =	strace s3  }
0x97: {  	_ =	strace $0x8FFFFFFF  }
0x98: {  	s19 =	sld [smem:$0x3FDB];
	_ =	sdelay $0x1  }
0x99: {  	s4 =	simm.s32 $_scs_section_size  }
0x9a: {  	s5 =	simm.s32 $_size__tile_overlayer_lowered;
	s6 =	simm.s32 $_tile_overlayer_lowered  }
0x9b: {  	s22 =	simm.s32 $0x1BFF;
	s21 =	sshll.u32 s6, $0x1;
	s3 =	sadd.s32 s4, s19  }
0x9c: {  	s7 =	simm.s32 $0x0;
	s20 =	sshll.u32 s5, $0x1;
	s5 =	sadd.s32 s21, s3  }
0x9d: {  	[timem:s7], [sflag:s22] =	dma.local [hbm:s5], s20  }
0x9e: {  	_ =	swait.ge [sflag:s22], s20  }
0x9f: {  	s4 =	ssub.s32 $0x0, s20;
	[sflag:s22] =	ssyncset.done $0x0  }
0xa0: {  	[sflag:s22] =	ssyncadd.s32 s4;
	_ =	sdelay $0x1  }
0xa1: {  	s23 =	simm.s32 $0x1B8B  }
0xa2: {  	_ =	swait.ge [sflag:s23], $0x1  }
0xa3: {  	[sflag:s23] =	ssyncset.done $0x0  }
0xa4: {  	s25 =	simm.s32 $0x1B8E;
	s24 =	sld [smem:$0x3FFE];
	[sflag:s23] =	ssyncadd.s32 $0xFFFFFFFF  }
0xa5: {  	s26 =	simm.s32 $execute0_lowered;
	[smem:$0x3FD2] =	sst s25  }
0xa6: {  	s5 =	sshll.u32 s26, $0x1;
	_ =	strace $0x80000046;
	[dreg:$0x1] =	wrdreg $0xFFFFFFFF  }
0xa7: {  	s28 =	simm.s32 $_size_execute0_lowered;
	s3 =	sadd.s32 s3, s5;
	[dreg:$0x0] =	wrdreg $0x0  }
0xa8: {  	s5 =	sshll.u32 s28, $0x1;
	[dreg:$0x2] =	wrdreg s3  }
0xa9: {  	[dreg:$0x3] =	wrdreg s5  }
0xaa: {  	[dreg:$0x4] =	wrdreg $0xC0  }
0xab: {  	_ =	task [dreg:s7], $0x5FFFF  }
0xac: {  	[dreg:$0x1] =	wrdreg $0xFFFFFFFF  }
0xad: {  	[dreg:$0x0] =	wrdreg $0x60  }
0xae: {  	[dreg:$0x2] =	wrdreg s24  }
0xaf: {  	[dreg:$0x3] =	wrdreg s2  }
0xb0: {  	[dreg:$0x4] =	wrdreg $0x0  }
0xb1: {  	[dreg:$0x5] =	wrdreg $0x9  }
0xb2: {  	_ =	task.clear_ibuf [dreg:s7], $0x6FFFF;
	_ =	strace $0x90000046  }
0xb3: {  	s29 =	simm.s32 $0x9;
	_ =	strace $0x80000048  }
0xb4: {  	_ =	swait.ge [sflag:s29], $0x1  }
0xb5: {  	[sflag:s29] =	ssyncadd.s32 $0xFFFFFFFF  }
0xb6: {  	_ =	strace $0x90000048  }
0xb7: {  	_ =	sfence  }
0xb8: {  	s30 =	sld [smem:$0x0];
	_ =	sdelay $0x2  }
0xb9: {  	s31 =	sshll.u32 s1, $0xD;
	s1 =	sshrl.u32 s1, $0x2  }
0xba: {  	s3 =	sand.u32 $0x4000, s31;
	s1 =	sadd.s32 s1, s30  }
0xbb: {  	s0 =	sor.u32 s3, s0;
	s1 =	sshll.u32 s1, $0x11  }
0xbc: {  	s0 =	sor.u32 s1, s0  }
0xbd: {  	s0 =	sadd.s32 $0x8F2B, s0  }
0xbe: {  	[sflag:s0] =	ssyncadd.remote.s32 $0x1  }
0xbf: {  	_ =	sfence.sel $0xFFFF  }
0xc0: {  	[dreg:$0x0] =	wrdreg $0xFFFFFFFF;
	(pc) =	sbr.abs _section_cstart, $3  }
0xc1: {  	[dreg:$0x1] =	wrdreg $0xFFFFFFFF  }
0xc2: {  	_ =	task.clear_ibuf [dreg:s7], $0x2FFFF;
	_ =	strace $0x9FFFFFFF  }
0xc3: {  	(tm) =	ssettm $0x7FFFFFFF  }
tec
execute0_lowered:
.L_overlay_start_1:
0x0: {  	(tag) =	ssettag $0x1  }
0x1: {  	s0 =	rddreg [dreg:$0x0]  }
0x2: {  	s5 =	rddreg [dreg:$0x1]  }
0x3: {  	s2 =	rddreg [dreg:$0x2]  }
0x4: {  	s30 =	rddreg [dreg:$0x3];
	s3 =	simm.s32 $0x0;
	s4 =	srdreg.scid  }
0x5: {  	s1 =	stileid.u32;
	p0 =	por $0x0, $0x0;
	[smem:$0x7FF] =	sst s3  }
0x6: {  	s6 =	sadd.s32 $0x1200, s0;
	s9 =	sand.u32 $0x1, s4;
	s8 =	sadd.s32 $0x81200, s0  }
0x7: {  	s12 =	sshll.u32 s1, $0xE;
	s16 =	sshll.u32 s1, $0xA;
	_ =	strace $0x80000047  }
0x8: {  	s17 =	ssub.s32 $0x2, s9;
	s13 =	sshll.u32 s9, $0x15;
	s14 =	sor.u32 $0x40000, s12  }
0x9: {  	s19 =	sshll.u32 s9, $0x2;
	s7 =	sshll.u32 s9, $0x9;
	s10 =	sadd.s32 s12, s2  }
0xa: {  	s26 =	sshll.u32 s9, $0x14;
	s18 =	sshrl.u32 s17, $0x1;
	s20 =	sor.u32 s13, s14  }
0xb: {  	s15 =	sor.u32 s7, s16;
	s7 =	sshll.u32 s1, $0x6;
	s13 =	sor.u32 s12, s13  }
0xc: {  	s25 =	sadd.s32 $0x40000, s10;
	s0 =	sor.u32 $0x2, s19;
	s11 =	ssub.s32 s17, s18  }
0xd: {  	s4 =	sshrl.u32 s20, $0x3;
	s15 =	sshrl.u32 s15, $0x3;
	s13 =	sshrl.u32 s13, $0x3  }
0xe: {  	s17 =	sor.u32 $0x1, s19;
	s1 =	sshll.u32 s0, $0x13;
	s4 =	sadd.s32 s6, s4  }
0xf: {  	s15 =	sadd.s32 s5, s15;
	s13 =	sadd.s32 s6, s13;
	s21 =	sshll.u32 s17, $0x13  }
0x10: {  	s18 =	sshll.u32 s17, $0x7;
	s19 =	sor.u32 s14, s1;
	[dreg:$0x4] =	wrdreg s4  }
0x11: {  	s17 =	sshll.u32 s17, $0x12;
	s4 =	sor.u32 $0x1C01, s7;
	[dreg:$0x5] =	wrdreg s15  }
0x12: {  	[dreg:$0x6] =	wrdreg s13;
	s23 =	sor.u32 s14, s21;
	s18 =	sor.u32 s16, s18  }
0x13: {  	s24 =	sor.u32 s12, s21;
	s15 =	sor.u32 s12, s26;
	s20 =	sshrl.u32 s19, $0x3  }
0x14: {  	s21 =	sshll.u32 s0, $0x7;
	s0 =	sshll.u32 s0, $0x12;
	s13 =	sshrl.u32 s23, $0x3  }
0x15: {  	s18 =	sshrl.u32 s18, $0x3;
	s15 =	sshrl.u32 s15, $0x3;
	s0 =	sor.u32 s12, s0  }
0x16: {  	s22 =	sadd.s32 s6, s13;
	s23 =	sadd.s32 s5, s18;
	s13 =	sshrl.u32 s24, $0x3  }
0x17: {  	s28 =	sadd.s32 s8, s15;
	s15 =	sadd.s32 s6, s20;
	s18 =	sor.u32 s12, s1  }
0x18: {  	s0 =	sshrl.u32 s0, $0x3;
	s29 =	sadd.s32 s6, s13;
	s13 =	sor.u32 s16, s21  }
0x19: {  	s21 =	sshllo.u32 s9, $0x2;
	s26 =	sshrl.u32 s18, $0x3;
	s24 =	sshrl.u32 s13, $0x3  }
0x1a: {  	s1 =	sshll.u32 s21, $0x7;
	s20 =	sadd.s32 s6, s26;
	s18 =	sshll.u32 s21, $0x13  }
0x1b: {  	s13 =	sor.u32 s12, s17;
	s17 =	smax.u32 s11, $0x1;
	s11 =	simm.s32 $0x1  }
0x1c: {  	s19 =	sadd.s32 s5, s24;
	s16 =	sor.u32 s16, s1;
	s14 =	sor.u32 s14, s18  }
0x1d: {  	s13 =	sshrl.u32 s13, $0x3;
	s24 =	sor.u32 s12, s18;
	s1 =	sshll.u32 s21, $0x12  }
0x1e: {  	s21 =	simm.s32 $0x10000;
	p1 =	sne.s32 s17, $0x1;
	s31 =	sadd.s32 $0xFFFFFFFF, s17  }
0x1f: {  	s17 =	simm.s32 $0x80;
	s9 =	sshrl.u32 s16, $0x3;
	s14 =	sshrl.u32 s14, $0x3  }
0x20: {  	s26 =	sadd.s32 s8, s13;
	s12 =	sor.u32 s12, s1;
	s16 =	sadd.s32 s8, s0  }
.Ltmp0:
0x21: {  	s0 =	rddreg [dreg:$0x4];
	s9 =	sadd.s32 s5, s9;
	(pc) =	sbr.rel @!p1 .LBB2_5-.Ltmp0, $4  }
0x22: {  	s5 =	sadd.s32 $0x40000, s2;
	s13 =	sadd.s32 s6, s14;
	s14 =	sshrl.u32 s24, $0x3  }
0x23: {  	s24 =	simm.s32 $0x8000;
	s18 =	sadd.s32 s6, s14;
	s14 =	sshrl.u32 s12, $0x3  }
0x24: {  	s12 =	simm.s32 $0x10080;
	s6 =	sadd.s32 s8, s14;
	s8 =	sshrl.u32 s25, $0x3  }
0x25: {  	s25 =	sshrl.u32 s10, $0x3;
	s14 =	simm.s32 $0xC000;
	s10 =	simm.s32 $0x2  }
0x26: {  	[spmem:s25], [sflag:s4] =	dma.local [hbm:s0], $0x800  }
0x27: {  	s0 =	rddreg [dreg:$0x5]  }
0x28: {  	[tilespmem:s21], [sflag:$0x1] =	stream.linear.gather [hbm4b:s0+s3], $0x80, $0x38;
	[tilespmem:$0x10100] =	vst v63  }
0x29: {  	s30 =	rddreg [dreg:$0x6]  }
0x2a: {  	[tilespmem:s24], [sflag:$0x1] =	stream.linear.gather [hbm4b:s30+s3], $0x4000, $0x38;
	[tilespmem:$0x10100] =	vst v63  }
0x2b: {  	_ =	swait.ge [sflag:s11], $0x800  }
0x2c: {  	[sflag:s11] =	ssyncset.done $0x0  }
0x2d: {  	[sflag:s11] =	ssyncadd.s32 $0xFFFFF800  }
0x2e: {  	_ =	swait.ge [sflag:s11], $0x80  }
0x2f: {  	[sflag:s11] =	ssyncset.done $0x0  }
0x30: {  	[sflag:s11] =	ssyncadd.s32 $0xFFFFFF80  }
0x31: {  	_ =	swait.ge [sflag:s11], $0x4000  }
0x32: {  	[sflag:s11] =	ssyncset.done $0x0  }
0x33: {  	[sflag:s11] =	ssyncadd.s32 $0xFFFFC000  }
0x34: {  	[bflag:$0x0] =	sbarrier.arrive $0xFFFF  }
0x35: {  	[spmem:s8], [sflag:s4] =	dma.local [hbm:s22], $0x800  }
0x36: {  	[tilespmem:s12], [sflag:$0x1] =	stream.linear.gather [hbm4b:s23+s3], $0x80, $0x38;
	[tilespmem:$0x10100] =	vst v63  }
0x37: {  	_ = 	snop  }
0x38: {  	[tilespmem:s14], [sflag:$0x1] =	stream.linear.gather [hbm4b:s29+s3], $0x4000, $0x38;
	[tilespmem:$0x10100] =	vst v63  }
0x39: {  	_ = 	snop  }
0x3a: {  	[spmem:s2] =	stream.indirect.scatter.add.f32 [tilespmem:s24], [sflag:$0x2], $0x80, s21, s17, $0xb8;
	[tilespmem:$0x10100] =	vst v63  }
0x3b: {  	_ =	swait.ge [sflag:s10], $0x4000  }
0x3c: {  	[sflag:s10] =	ssyncset.done $0x0  }
0x3d: {  	[sflag:s10] =	ssyncadd.s32 $0xFFFFC000  }
0x3e: {  	s30 =	sor.u32 $0x1C02, s7;
	[bflag:$0x0] =	sbarrier.arrive $0xFFFF  }
0x3f: {  	[hbm:s28], [sflag:s30] =	dma.local [spmem:s25], $0x800  }
0x40: {  	_ =	swait.ge [sflag:s10], $0x800  }
0x41: {  	[sflag:s10] =	ssyncset.done $0x0  }
0x42: {  	[sflag:s10] =	ssyncadd.s32 $0xFFFFF800  }
0x43: {  	_ =	swait.ge [sflag:s11], $0x800  }
0x44: {  	[sflag:s11] =	ssyncset.done $0x0  }
0x45: {  	[sflag:s11] =	ssyncadd.s32 $0xFFFFF800  }
0x46: {  	_ =	swait.ge [sflag:s11], $0x80  }
0x47: {  	[sflag:s11] =	ssyncset.done $0x0  }
0x48: {  	[sflag:s11] =	ssyncadd.s32 $0xFFFFFF80  }
0x49: {  	_ =	swait.ge [sflag:s11], $0x4000  }
0x4a: {  	[sflag:s11] =	ssyncset.done $0x0  }
0x4b: {  	[sflag:s11] =	ssyncadd.s32 $0xFFFFC000  }
0x4c: {  	[bflag:$0x0] =	sbarrier.arrive $0xFFFF  }
0x4d: {  	[spmem:s25], [sflag:s4] =	dma.local [hbm:s15], $0x800  }
0x4e: {  	[tilespmem:s21], [sflag:$0x1] =	stream.linear.gather [hbm4b:s19+s3], $0x80, $0x38;
	[tilespmem:$0x10100] =	vst v63  }
0x4f: {  	_ = 	snop  }
0x50: {  	[tilespmem:s24], [sflag:$0x1] =	stream.linear.gather [hbm4b:s20+s3], $0x4000, $0x38;
	[tilespmem:$0x10100] =	vst v63  }
0x51: {  	_ = 	snop  }
0x52: {  	[spmem:s5] =	stream.indirect.scatter.add.f32 [tilespmem:s14], [sflag:$0x2], $0x80, s12, s17, $0xb8;
	[tilespmem:$0x10100] =	vst v63  }
0x53: {  	_ =	swait.ge [sflag:s10], $0x4000  }
0x54: {  	[sflag:s10] =	ssyncset.done $0x0  }
0x55: {  	[sflag:s10] =	ssyncadd.s32 $0xFFFFC000  }
0x56: {  	[bflag:$0x0] =	sbarrier.arrive $0xFFFF  }
0x57: {  	[hbm:s26], [sflag:s30] =	dma.local [spmem:s8], $0x800  }
0x58: {  	_ =	swait.ge [sflag:s10], $0x800  }
0x59: {  	[sflag:s10] =	ssyncset.done $0x0  }
0x5a: {  	[sflag:s10] =	ssyncadd.s32 $0xFFFFF800  }
0x5b: {  	_ =	swait.ge [sflag:s11], $0x800  }
0x5c: {  	[sflag:s11] =	ssyncset.done $0x0  }
0x5d: {  	[sflag:s11] =	ssyncadd.s32 $0xFFFFF800  }
0x5e: {  	_ =	swait.ge [sflag:s11], $0x80  }
0x5f: {  	[sflag:s11] =	ssyncset.done $0x0  }
0x60: {  	[sflag:s11] =	ssyncadd.s32 $0xFFFFFF80  }
0x61: {  	_ =	swait.ge [sflag:s11], $0x4000  }
0x62: {  	[sflag:s11] =	ssyncset.done $0x0  }
0x63: {  	[sflag:s11] =	ssyncadd.s32 $0xFFFFC000  }
0x64: {  	[bflag:$0x0] =	sbarrier.arrive $0xFFFF  }
0x65: {  	[spmem:s8], [sflag:s4] =	dma.local [hbm:s13], $0x800  }
0x66: {  	[tilespmem:s12], [sflag:$0x1] =	stream.linear.gather [hbm4b:s9+s3], $0x80, $0x38;
	[tilespmem:$0x10100] =	vst v63  }
0x67: {  	_ = 	snop  }
0x68: {  	[tilespmem:s14], [sflag:$0x1] =	stream.linear.gather [hbm4b:s18+s3], $0x4000, $0x38;
	[tilespmem:$0x10100] =	vst v63  }
0x69: {  	_ = 	snop  }
0x6a: {  	[spmem:s2] =	stream.indirect.scatter.add.f32 [tilespmem:s24], [sflag:$0x2], $0x80, s21, s17, $0xb8;
	[tilespmem:$0x10100] =	vst v63  }
0x6b: {  	_ =	swait.ge [sflag:s10], $0x4000  }
0x6c: {  	[sflag:s10] =	ssyncset.done $0x0  }
0x6d: {  	[sflag:s10] =	ssyncadd.s32 $0xFFFFC000  }
0x6e: {  	[bflag:$0x0] =	sbarrier.arrive $0xFFFF  }
0x6f: {  	[hbm:s16], [sflag:s30] =	dma.local [spmem:s25], $0x800  }
0x70: {  	_ =	swait.ge [sflag:s10], $0x800  }
0x71: {  	[sflag:s10] =	ssyncset.done $0x0  }
0x72: {  	[sflag:s10] =	ssyncadd.s32 $0xFFFFF800  }
0x73: {  	_ =	swait.ge [sflag:s11], $0x800  }
0x74: {  	[sflag:s11] =	ssyncset.done $0x0  }
0x75: {  	[sflag:s11] =	ssyncadd.s32 $0xFFFFF800  }
0x76: {  	_ =	swait.ge [sflag:s11], $0x80  }
0x77: {  	[sflag:s11] =	ssyncset.done $0x0  }
0x78: {  	[sflag:s11] =	ssyncadd.s32 $0xFFFFFF80  }
0x79: {  	_ =	swait.ge [sflag:s11], $0x4000  }
0x7a: {  	[sflag:s11] =	ssyncset.done $0x0  }
0x7b: {  	[sflag:s11] =	ssyncadd.s32 $0xFFFFC000  }
0x7c: {  	[bflag:$0x0] =	sbarrier.arrive $0xFFFF  }
0x7d: {  	[spmem:s5] =	stream.indirect.scatter.add.f32 [tilespmem:s14], [sflag:$0x2], $0x80, s12, s17, $0xb8;
	[tilespmem:$0x10100] =	vst v63  }
0x7e: {  	_ =	swait.ge [sflag:s10], $0x4000  }
0x7f: {  	p1 =	sne.s32 s31, $0x1;
	[sflag:s10] =	ssyncset.done $0x0  }
.Ltmp1:
0x80: {  	[sflag:s10] =	ssyncadd.s32 $0xFFFFC000;
	(pc) =	sbr.rel @!p1 .LBB2_2-.Ltmp1, $4  }
0x81: {  	[bflag:$0x0] =	sbarrier.arrive $0xFFFF  }
0x82: {  	[hbm:s6], [sflag:s30] =	dma.local [spmem:s8], $0x800  }
0x83: {  	s31 =	sadd.s32 $0xFFFFFFFF, s31;
	_ =	swait.ge [sflag:s10], $0x800  }
0x84: {  	p0 =	por $0x1, $0x1;
	s0 =	rddreg [dreg:$0x4];
	[sflag:s10] =	ssyncset.done $0x0  }
.LBB2_3:
0x85: {  	[sflag:s10] =	ssyncadd.s32 $0xFFFFF800  }
0x86: {  	[spmem:s25], [sflag:s4] =	dma.local [hbm:s0], $0x800  }
0x87: {  	s0 =	rddreg [dreg:$0x5]  }
0x88: {  	[tilespmem:s21], [sflag:$0x1] =	stream.linear.gather [hbm4b:s0+s3], $0x80, $0x38;
	[tilespmem:$0x10100] =	vst v63  }
0x89: {  	s1 =	rddreg [dreg:$0x6]  }
0x8a: {  	[tilespmem:s24], [sflag:$0x1] =	stream.linear.gather [hbm4b:s1+s3], $0x4000, $0x38;
	[tilespmem:$0x10100] =	vst v63  }
0x8b: {  	_ =	swait.ge [sflag:s11], $0x800  }
0x8c: {  	[sflag:s11] =	ssyncset.done $0x0  }
0x8d: {  	[sflag:s11] =	ssyncadd.s32 $0xFFFFF800  }
0x8e: {  	_ =	swait.ge [sflag:s11], $0x80  }
0x8f: {  	[sflag:s11] =	ssyncset.done $0x0  }
0x90: {  	[sflag:s11] =	ssyncadd.s32 $0xFFFFFF80  }
0x91: {  	_ =	swait.ge [sflag:s11], $0x4000  }
0x92: {  	[sflag:s11] =	ssyncset.done $0x0  }
0x93: {  	[sflag:s11] =	ssyncadd.s32 $0xFFFFC000  }
0x94: {  	[bflag:$0x0] =	sbarrier.arrive $0xFFFF  }
0x95: {  	[spmem:s8], [sflag:s4] =	dma.local [hbm:s22], $0x800  }
0x96: {  	[tilespmem:s12], [sflag:$0x1] =	stream.linear.gather [hbm4b:s23+s3], $0x80, $0x38;
	[tilespmem:$0x10100] =	vst v63  }
0x97: {  	_ = 	snop  }
0x98: {  	[tilespmem:s14], [sflag:$0x1] =	stream.linear.gather [hbm4b:s29+s3], $0x4000, $0x38;
	[tilespmem:$0x10100] =	vst v63  }
0x99: {  	_ = 	snop  }
0x9a: {  	[spmem:s2] =	stream.indirect.scatter.add.f32 [tilespmem:s24], [sflag:$0x2], $0x80, s21, s17, $0xb8;
	[tilespmem:$0x10100] =	vst v63  }
0x9b: {  	_ =	swait.ge [sflag:s10], $0x4000  }
0x9c: {  	[sflag:s10] =	ssyncset.done $0x0  }
0x9d: {  	[sflag:s10] =	ssyncadd.s32 $0xFFFFC000  }
0x9e: {  	[bflag:$0x0] =	sbarrier.arrive $0xFFFF  }
0x9f: {  	[hbm:s28], [sflag:s30] =	dma.local [spmem:s25], $0x800  }
0xa0: {  	_ =	swait.ge [sflag:s10], $0x800  }
0xa1: {  	[sflag:s10] =	ssyncset.done $0x0  }
0xa2: {  	[sflag:s10] =	ssyncadd.s32 $0xFFFFF800  }
0xa3: {  	_ =	swait.ge [sflag:s11], $0x800  }
0xa4: {  	[sflag:s11] =	ssyncset.done $0x0  }
0xa5: {  	[sflag:s11] =	ssyncadd.s32 $0xFFFFF800  }
0xa6: {  	_ =	swait.ge [sflag:s11], $0x80  }
0xa7: {  	[sflag:s11] =	ssyncset.done $0x0  }
0xa8: {  	[sflag:s11] =	ssyncadd.s32 $0xFFFFFF80  }
0xa9: {  	_ =	swait.ge [sflag:s11], $0x4000  }
0xaa: {  	[sflag:s11] =	ssyncset.done $0x0  }
0xab: {  	[sflag:s11] =	ssyncadd.s32 $0xFFFFC000  }
0xac: {  	[bflag:$0x0] =	sbarrier.arrive $0xFFFF  }
0xad: {  	[spmem:s25], [sflag:s4] =	dma.local [hbm:s15], $0x800  }
0xae: {  	[tilespmem:s21], [sflag:$0x1] =	stream.linear.gather [hbm4b:s19+s3], $0x80, $0x38;
	[tilespmem:$0x10100] =	vst v63  }
0xaf: {  	_ = 	snop  }
0xb0: {  	[tilespmem:s24], [sflag:$0x1] =	stream.linear.gather [hbm4b:s20+s3], $0x4000, $0x38;
	[tilespmem:$0x10100] =	vst v63  }
0xb1: {  	_ = 	snop  }
0xb2: {  	[spmem:s5] =	stream.indirect.scatter.add.f32 [tilespmem:s14], [sflag:$0x2], $0x80, s12, s17, $0xb8;
	[tilespmem:$0x10100] =	vst v63  }
0xb3: {  	_ =	swait.ge [sflag:s10], $0x4000  }
0xb4: {  	[sflag:s10] =	ssyncset.done $0x0  }
0xb5: {  	[sflag:s10] =	ssyncadd.s32 $0xFFFFC000  }
0xb6: {  	[bflag:$0x0] =	sbarrier.arrive $0xFFFF  }
0xb7: {  	[hbm:s26], [sflag:s30] =	dma.local [spmem:s8], $0x800  }
0xb8: {  	_ =	swait.ge [sflag:s10], $0x800  }
0xb9: {  	[sflag:s10] =	ssyncset.done $0x0  }
0xba: {  	[sflag:s10] =	ssyncadd.s32 $0xFFFFF800  }
0xbb: {  	_ =	swait.ge [sflag:s11], $0x800  }
0xbc: {  	[sflag:s11] =	ssyncset.done $0x0  }
0xbd: {  	[sflag:s11] =	ssyncadd.s32 $0xFFFFF800  }
0xbe: {  	_ =	swait.ge [sflag:s11], $0x80  }
0xbf: {  	[sflag:s11] =	ssyncset.done $0x0  }
0xc0: {  	[sflag:s11] =	ssyncadd.s32 $0xFFFFFF80  }
0xc1: {  	_ =	swait.ge [sflag:s11], $0x4000  }
0xc2: {  	[sflag:s11] =	ssyncset.done $0x0  }
0xc3: {  	[sflag:s11] =	ssyncadd.s32 $0xFFFFC000  }
0xc4: {  	[bflag:$0x0] =	sbarrier.arrive $0xFFFF  }
0xc5: {  	[spmem:s8], [sflag:s4] =	dma.local [hbm:s13], $0x800  }
0xc6: {  	[tilespmem:s12], [sflag:$0x1] =	stream.linear.gather [hbm4b:s9+s3], $0x80, $0x38;
	[tilespmem:$0x10100] =	vst v63  }
0xc7: {  	_ = 	snop  }
0xc8: {  	[tilespmem:s14], [sflag:$0x1] =	stream.linear.gather [hbm4b:s18+s3], $0x4000, $0x38;
	[tilespmem:$0x10100] =	vst v63  }
0xc9: {  	_ = 	snop  }
0xca: {  	[spmem:s2] =	stream.indirect.scatter.add.f32 [tilespmem:s24], [sflag:$0x2], $0x80, s21, s17, $0xb8;
	[tilespmem:$0x10100] =	vst v63  }
0xcb: {  	_ =	swait.ge [sflag:s10], $0x4000  }
0xcc: {  	[sflag:s10] =	ssyncset.done $0x0  }
0xcd: {  	[sflag:s10] =	ssyncadd.s32 $0xFFFFC000  }
0xce: {  	[bflag:$0x0] =	sbarrier.arrive $0xFFFF  }
0xcf: {  	[hbm:s16], [sflag:s30] =	dma.local [spmem:s25], $0x800  }
0xd0: {  	_ =	swait.ge [sflag:s10], $0x800  }
0xd1: {  	[sflag:s10] =	ssyncset.done $0x0  }
0xd2: {  	[sflag:s10] =	ssyncadd.s32 $0xFFFFF800  }
0xd3: {  	_ =	swait.ge [sflag:s11], $0x800  }
0xd4: {  	[sflag:s11] =	ssyncset.done $0x0  }
0xd5: {  	[sflag:s11] =	ssyncadd.s32 $0xFFFFF800  }
0xd6: {  	_ =	swait.ge [sflag:s11], $0x80  }
0xd7: {  	[sflag:s11] =	ssyncset.done $0x0  }
0xd8: {  	[sflag:s11] =	ssyncadd.s32 $0xFFFFFF80  }
0xd9: {  	_ =	swait.ge [sflag:s11], $0x4000  }
0xda: {  	[sflag:s11] =	ssyncset.done $0x0  }
0xdb: {  	[sflag:s11] =	ssyncadd.s32 $0xFFFFC000  }
0xdc: {  	[bflag:$0x0] =	sbarrier.arrive $0xFFFF  }
0xdd: {  	[spmem:s5] =	stream.indirect.scatter.add.f32 [tilespmem:s14], [sflag:$0x2], $0x80, s12, s17, $0xb8;
	[tilespmem:$0x10100] =	vst v63  }
0xde: {  	_ =	swait.ge [sflag:s10], $0x4000  }
0xdf: {  	p1 =	sne.s32 s31, $0x1;
	[sflag:s10] =	ssyncset.done $0x0  }
.Ltmp2:
0xe0: {  	[sflag:s10] =	ssyncadd.s32 $0xFFFFC000;
	(pc) =	sbr.rel @p1 .LBB2_3-.Ltmp2, $4  }
0xe1: {  	[bflag:$0x0] =	sbarrier.arrive $0xFFFF  }
0xe2: {  	[hbm:s6], [sflag:s30] =	dma.local [spmem:s8], $0x800  }
0xe3: {  	_ =	swait.ge [sflag:s10], $0x800  }
0xe4: {  	s31 =	sadd.s32 $0xFFFFFFFF, s31;
	s0 =	rddreg [dreg:$0x4];
	[sflag:s10] =	ssyncset.done $0x0  }
0xe5: {  	s30 =	rddreg [dreg:$0x3]  }
.LBB2_5:
0xe6: {  	[sflag:s10] =	ssyncadd.s32 @p0 $0xFFFFF800  }
0xe7: {  	[spmem:s25], [sflag:s4] =	dma.local [hbm:s0], $0x800  }
0xe8: {  	s0 =	rddreg [dreg:$0x5]  }
0xe9: {  	[tilespmem:s21], [sflag:$0x1] =	stream.linear.gather [hbm4b:s0+s3], $0x80, $0x38;
	[tilespmem:$0x10100] =	vst v63  }
0xea: {  	s1 =	rddreg [dreg:$0x6]  }
0xeb: {  	[tilespmem:s24], [sflag:$0x1] =	stream.linear.gather [hbm4b:s1+s3], $0x4000, $0x38;
	[tilespmem:$0x10100] =	vst v63  }
0xec: {  	_ =	swait.ge [sflag:s11], $0x800  }
0xed: {  	[sflag:s11] =	ssyncset.done $0x0  }
0xee: {  	[sflag:s11] =	ssyncadd.s32 $0xFFFFF800  }
0xef: {  	_ =	swait.ge [sflag:s11], $0x80  }
0xf0: {  	[sflag:s11] =	ssyncset.done $0x0  }
0xf1: {  	[sflag:s11] =	ssyncadd.s32 $0xFFFFFF80  }
0xf2: {  	_ =	swait.ge [sflag:s11], $0x4000  }
0xf3: {  	[sflag:s11] =	ssyncset.done $0x0  }
0xf4: {  	[sflag:s11] =	ssyncadd.s32 $0xFFFFC000  }
0xf5: {  	[bflag:$0x0] =	sbarrier.arrive $0xFFFF  }
0xf6: {  	[spmem:s8], [sflag:s4] =	dma.local [hbm:s22], $0x800  }
0xf7: {  	[tilespmem:s12], [sflag:$0x1] =	stream.linear.gather [hbm4b:s23+s3], $0x80, $0x38;
	[tilespmem:$0x10100] =	vst v63  }
0xf8: {  	_ = 	snop  }
0xf9: {  	[tilespmem:s14], [sflag:$0x1] =	stream.linear.gather [hbm4b:s29+s3], $0x4000, $0x38;
	[tilespmem:$0x10100] =	vst v63  }
0xfa: {  	_ = 	snop  }
0xfb: {  	[spmem:s2] =	stream.indirect.scatter.add.f32 [tilespmem:s24], [sflag:$0x2], $0x80, s21, s17, $0xb8;
	[tilespmem:$0x10100] =	vst v63  }
0xfc: {  	_ =	swait.ge [sflag:s10], $0x4000  }
0xfd: {  	[sflag:s10] =	ssyncset.done $0x0  }
0xfe: {  	[sflag:s10] =	ssyncadd.s32 $0xFFFFC000  }
0xff: {  	s7 =	sor.u32 $0x1C02, s7;
	[bflag:$0x0] =	sbarrier.arrive $0xFFFF  }
0x100: {  	[hbm:s28], [sflag:s7] =	dma.local [spmem:s25], $0x800  }
0x101: {  	_ =	swait.ge [sflag:s10], $0x800  }
0x102: {  	[sflag:s10] =	ssyncset.done $0x0  }
0x103: {  	[sflag:s10] =	ssyncadd.s32 $0xFFFFF800  }
0x104: {  	_ =	swait.ge [sflag:s11], $0x800  }
0x105: {  	[sflag:s11] =	ssyncset.done $0x0  }
0x106: {  	[sflag:s11] =	ssyncadd.s32 $0xFFFFF800  }
0x107: {  	_ =	swait.ge [sflag:s11], $0x80  }
0x108: {  	[sflag:s11] =	ssyncset.done $0x0  }
0x109: {  	[sflag:s11] =	ssyncadd.s32 $0xFFFFFF80  }
0x10a: {  	_ =	swait.ge [sflag:s11], $0x4000  }
0x10b: {  	[sflag:s11] =	ssyncset.done $0x0  }
0x10c: {  	[sflag:s11] =	ssyncadd.s32 $0xFFFFC000  }
0x10d: {  	[bflag:$0x0] =	sbarrier.arrive $0xFFFF  }
0x10e: {  	[spmem:s25], [sflag:s4] =	dma.local [hbm:s15], $0x800  }
0x10f: {  	[tilespmem:s21], [sflag:$0x1] =	stream.linear.gather [hbm4b:s19+s3], $0x80, $0x38;
	[tilespmem:$0x10100] =	vst v63  }
0x110: {  	_ = 	snop  }
0x111: {  	[tilespmem:s24], [sflag:$0x1] =	stream.linear.gather [hbm4b:s20+s3], $0x4000, $0x38;
	[tilespmem:$0x10100] =	vst v63  }
0x112: {  	_ = 	snop  }
0x113: {  	[spmem:s5] =	stream.indirect.scatter.add.f32 [tilespmem:s14], [sflag:$0x2], $0x80, s12, s17, $0xb8;
	[tilespmem:$0x10100] =	vst v63  }
0x114: {  	_ =	swait.ge [sflag:s10], $0x4000  }
0x115: {  	[sflag:s10] =	ssyncset.done $0x0  }
0x116: {  	[sflag:s10] =	ssyncadd.s32 $0xFFFFC000  }
0x117: {  	[bflag:$0x0] =	sbarrier.arrive $0xFFFF  }
0x118: {  	[hbm:s26], [sflag:s7] =	dma.local [spmem:s8], $0x800  }
0x119: {  	_ =	swait.ge [sflag:s10], $0x800  }
0x11a: {  	[sflag:s10] =	ssyncset.done $0x0  }
0x11b: {  	[sflag:s10] =	ssyncadd.s32 $0xFFFFF800  }
0x11c: {  	_ =	swait.ge [sflag:s11], $0x800  }
0x11d: {  	[sflag:s11] =	ssyncset.done $0x0  }
0x11e: {  	[sflag:s11] =	ssyncadd.s32 $0xFFFFF800  }
0x11f: {  	_ =	swait.ge [sflag:s11], $0x80  }
0x120: {  	[sflag:s11] =	ssyncset.done $0x0  }
0x121: {  	[sflag:s11] =	ssyncadd.s32 $0xFFFFFF80  }
0x122: {  	_ =	swait.ge [sflag:s11], $0x4000  }
0x123: {  	[sflag:s11] =	ssyncset.done $0x0  }
0x124: {  	[sflag:s11] =	ssyncadd.s32 $0xFFFFC000  }
0x125: {  	[bflag:$0x0] =	sbarrier.arrive $0xFFFF  }
0x126: {  	[spmem:s8], [sflag:s4] =	dma.local [hbm:s13], $0x800  }
0x127: {  	[tilespmem:s12], [sflag:$0x1] =	stream.linear.gather [hbm4b:s9+s3], $0x80, $0x38;
	[tilespmem:$0x10100] =	vst v63  }
0x128: {  	_ = 	snop  }
0x129: {  	[tilespmem:s14], [sflag:$0x1] =	stream.linear.gather [hbm4b:s18+s3], $0x4000, $0x38;
	[tilespmem:$0x10100] =	vst v63  }
0x12a: {  	_ = 	snop  }
0x12b: {  	[spmem:s2] =	stream.indirect.scatter.add.f32 [tilespmem:s24], [sflag:$0x2], $0x80, s21, s17, $0xb8;
	[tilespmem:$0x10100] =	vst v63  }
0x12c: {  	_ =	swait.ge [sflag:s10], $0x4000  }
0x12d: {  	[sflag:s10] =	ssyncset.done $0x0  }
0x12e: {  	[sflag:s10] =	ssyncadd.s32 $0xFFFFC000  }
0x12f: {  	[bflag:$0x0] =	sbarrier.arrive $0xFFFF  }
0x130: {  	[hbm:s16], [sflag:s7] =	dma.local [spmem:s25], $0x800  }
0x131: {  	_ =	swait.ge [sflag:s10], $0x800  }
0x132: {  	[sflag:s10] =	ssyncset.done $0x0  }
0x133: {  	[sflag:s10] =	ssyncadd.s32 $0xFFFFF800  }
0x134: {  	_ =	swait.ge [sflag:s11], $0x800  }
0x135: {  	[sflag:s11] =	ssyncset.done $0x0  }
0x136: {  	[sflag:s11] =	ssyncadd.s32 $0xFFFFF800  }
0x137: {  	_ =	swait.ge [sflag:s11], $0x80  }
0x138: {  	[sflag:s11] =	ssyncset.done $0x0  }
0x139: {  	[sflag:s11] =	ssyncadd.s32 $0xFFFFFF80  }
0x13a: {  	_ =	swait.ge [sflag:s11], $0x4000  }
0x13b: {  	[sflag:s11] =	ssyncset.done $0x0  }
0x13c: {  	[sflag:s11] =	ssyncadd.s32 $0xFFFFC000  }
0x13d: {  	[bflag:$0x0] =	sbarrier.arrive $0xFFFF  }
0x13e: {  	[spmem:s5] =	stream.indirect.scatter.add.f32 [tilespmem:s14], [sflag:$0x2], $0x80, s12, s17, $0xb8;
	[tilespmem:$0x10100] =	vst v63  }
0x13f: {  	_ =	swait.ge [sflag:s10], $0x4000  }
0x140: {  	[sflag:s10] =	ssyncset.done $0x0  }
0x141: {  	[sflag:s10] =	ssyncadd.s32 $0xFFFFC000  }
0x142: {  	[bflag:$0x0] =	sbarrier.arrive $0xFFFF  }
0x143: {  	[hbm:s6], [sflag:s7] =	dma.local [spmem:s8], $0x800  }
0x144: {  	_ =	swait.ge [sflag:s10], $0x800  }
0x145: {  	[sflag:s10] =	ssyncset.done $0x0  }
0x146: {  	[sflag:s10] =	ssyncadd.s32 $0xFFFFF800  }
0x147: {  	_ =	sfence.sel $0x180000  }
0x148: {  	s31 =	stileid.u32;
	[bflag:$0x0] =	sbarrier.arrive $0xFFFF  }
0x149: {  	p0 =	sne.s32 s31, $0x0;
	_ =	strace $0x90000047  }
0x14a: {  	s0 =	sadd.s32 @!p0 $0x100000, s30;
	[bflag:$0x2] =	sbarrier.arrive $0xFFFF  }
0x14b: {  	[sflag:s0] =	ssyncadd.tile.s32 @!p0 $0x1;
	_ =	shalt  }
.LBB2_2:
.Ltmp3:
0x14c: {  	(pc) =	sbr.rel .LBB2_5-.Ltmp3, $2  }
0x14d: {  	_ =	sdelay $0x2  }
0x14e: {  	s30 =	rddreg [dreg:$0x3]  }
.Lfunc_end2:
_tile_overlayer_lowered:
.L_overlay_start_2:
0x14f: {  	(tag) =	ssettag $0x2  }
0x150: {  	s0 =	rddreg [dreg:$0x0];
	s2 =	stileid.u32  }
0x151: {  	s1 =	rddreg [dreg:$0x1];
	p0 =	sne.s32 s2, $0x0  }
0x152: {  	s3 =	rddreg [dreg:$0x2];
	[bflag:$0x3] =	sbarrier.arrive $0xFFFF;
	s2 =	simm.s32 @!p0 $0x1C02  }
0x153: {  	[timem:s3], [sflag:s2] =	dma.local @!p0 [hbm:s0], s1  }
0x154: {  	s0 =	simm.s32 @!p0 $0x2  }
0x155: {  	_ =	swait.ge @!p0 [sflag:s0], s1  }
0x156: {  	s1 =	ssub.s32 @!p0 $0x0, s1;
	[sflag:s0] =	ssyncset.done @!p0 $0x0  }
0x157: {  	[sflag:s0] =	ssyncadd.s32 @!p0 s1  }
0x158: {  	[bflag:$0x3] =	sbarrier.arrive $0xFFFF  }
0x159: {  	_ =	shalt  }

</sc_bundles>
